<compile_context>
chip_gen: v7x
topology: tpu7x:2x2x1
jax: 0.10.2.dev20260603
libtpu: 0.0.44.dev20260713+nightly
codegen_flags: <defaults>
</compile_context>

<pallas_src>
import functools

import jax
import jax.numpy as jnp
from jax import lax
from jax.experimental import pallas as pl
from jax.experimental.pallas import tpu as pltpu
from jax.experimental.pallas import tpu_sc as plsc

N_NODES = 10000
N_EDGES = 320000
D = 128

NC = 2
NS = 16
N_WORKERS = NC * NS

CHUNK = 80
EDGES_PER_WORKER = N_EDGES // N_WORKERS
GROUP = 25
NGROUPS = 5
CHUNKS_PER_WORKER = GROUP * NGROUPS
ROWS_PER_TILE = 632
N_PAD = NS * ROWS_PER_TILE

_mesh = plsc.VectorSubcoreMesh(core_axis_name="c", subcore_axis_name="s")


@functools.partial(
    pl.kernel,
    mesh=_mesh,
    out_type=jax.ShapeDtypeStruct((NC, N_PAD, D), jnp.float32),
    scratch_types=[
        pltpu.VMEM_SHARED((N_PAD, D), jnp.float32),
        pltpu.VMEM((EDGES_PER_WORKER,), jnp.int32),
        pltpu.VMEM((GROUP, CHUNK), jnp.int32),
        pltpu.VMEM((GROUP, CHUNK), jnp.int32),
        pltpu.VMEM((CHUNK, D), jnp.float32),
        pltpu.VMEM((CHUNK, D), jnp.float32),
        pltpu.VMEM((CHUNK, D), jnp.float32),
        pltpu.SemaphoreType.DMA,
        pltpu.SemaphoreType.DMA,
        pltpu.SemaphoreType.DMA,
        pltpu.SemaphoreType.DMA,
        pltpu.SemaphoreType.DMA,
        pltpu.SemaphoreType.DMA,
        pltpu.SemaphoreType.DMA,
    ],
)
def _sc_segment_sum(x_hbm, src_hbm, dst_hbm, zeros_hbm, out_hbm,
                    acc, src_v, dv0, dv1, r0, r1, r2,
                    g0, g1, g2, s0, s1, s2, psem):
    c = lax.axis_index("c")
    s = lax.axis_index("s")
    w = c * NS + s
    rows = (r0, r1, r2)
    gs = (g0, g1, g2)
    ss = (s0, s1, s2)
    dv = (dv0, dv1)

    zslice = pl.ds(s * ROWS_PER_TILE, ROWS_PER_TILE)
    eslice = pl.ds(w * EDGES_PER_WORKER, EDGES_PER_WORKER)
    pltpu.async_copy(zeros_hbm.at[zslice], acc.at[zslice], psem)
    pltpu.async_copy(src_hbm.at[eslice], src_v, s0)
    pltpu.async_copy(dst_hbm.at[w, 0], dv0, s1)
    pltpu.make_async_copy(src_hbm.at[eslice], src_v, s0).wait()

    H = CHUNK // 2

    def _sidx(j, h):
        return src_v.at[pl.ds(pl.multiple_of(j * CHUNK + h * H, 8), H)]

    def gather(j, r):
        pltpu.async_copy(x_hbm.at[_sidx(j, 0)], rows[r].at[pl.ds(0, H)], gs[r])
        pltpu.async_copy(x_hbm.at[_sidx(j, 1)], rows[r].at[pl.ds(H, H)], gs[r])

    def gather_wait(j, r):
        pltpu.make_async_copy(x_hbm.at[_sidx(j, 0)], rows[r].at[pl.ds(0, H)], gs[r]).wait()
        pltpu.make_async_copy(x_hbm.at[_sidx(j, 1)], rows[r].at[pl.ds(H, H)], gs[r]).wait()

    def scat(r, dbuf, k):
        pltpu.async_copy(rows[r], acc.at[dbuf.at[k]], ss[r], add=True)

    def scat_wait(r, dbuf):
        pltpu.make_async_copy(rows[r], acc.at[dbuf.at[0]], ss[r]).wait()

    def step(j, r, dbuf, k, first=False, ahead=True):
        if not first:
            scat_wait((r + 2) % 3, dbuf)
        if ahead:
            gather(j + 2, (r + 2) % 3)
        gather_wait(j, r)
        scat(r, dbuf, k)

    gather(0, 0)
    gather(1, 1)
    pltpu.make_async_copy(zeros_hbm.at[zslice], acc.at[zslice], psem).wait()
    pltpu.make_async_copy(dst_hbm.at[w, 0], dv0, s1).wait()
    plsc.subcore_barrier()

    for g in range(NGROUPS):
        p = g % 2
        base = g * GROUP
        if g > 0:
            pltpu.make_async_copy(dst_hbm.at[w, g], dv[p], psem).wait()
        step(base, base % 3, dv[p], 0, first=(g == 0))
        if g + 1 < NGROUPS:
            pltpu.async_copy(dst_hbm.at[w, g + 1], dv[1 - p], psem)

            def body(t, carry, _base=base, _dbuf=dv[p]):
                k = 3 * t + 1
                step(_base + k, (_base + 1) % 3, _dbuf, k)
                step(_base + k + 1, (_base + 2) % 3, _dbuf, k + 1)
                step(_base + k + 2, _base % 3, _dbuf, k + 2)
                return carry

            lax.fori_loop(0, (GROUP - 1) // 3, body, 0)
        else:
            def body(t, carry, _base=base, _dbuf=dv[p]):
                k = 3 * t + 1
                step(_base + k, (_base + 1) % 3, _dbuf, k)
                step(_base + k + 1, (_base + 2) % 3, _dbuf, k + 1)
                step(_base + k + 2, _base % 3, _dbuf, k + 2)
                return carry

            lax.fori_loop(0, (GROUP - 4) // 3, body, 0)
            k = GROUP - 3
            step(base + k, (base + k) % 3, dv[p], k)
            step(base + k + 1, (base + k + 1) % 3, dv[p], k + 1, ahead=False)
            step(base + k + 2, (base + k + 2) % 3, dv[p], k + 2, ahead=False)
            scat_wait((base + k + 2) % 3, dv[p])

    plsc.subcore_barrier()
    pltpu.sync_copy(acc.at[zslice], out_hbm.at[c, zslice])


BLK = 1000


def _tc_body(s0_ref, s1_ref, w1_ref, w2a_ref, w2b_ref, out1_ref, out2_ref):
    sblk = s0_ref[0] + s1_ref[0]
    out1_ref[...] = jnp.dot(sblk, w1_ref[...], preferred_element_type=jnp.float32)
    w2 = w2a_ref[...] + w2b_ref[...]
    out2_ref[...] = jax.nn.sigmoid(
        jnp.dot(sblk, w2, preferred_element_type=jnp.float32))


_tc_finish = pl.pallas_call(
    _tc_body,
    grid=(N_NODES // BLK,),
    in_specs=[
        pl.BlockSpec((1, BLK, D), lambda i: (0, i, 0)),
        pl.BlockSpec((1, BLK, D), lambda i: (1, i, 0)),
        pl.BlockSpec((D, D), lambda i: (0, 0)),
        pl.BlockSpec((D, D), lambda i: (0, 0)),
        pl.BlockSpec((D, D), lambda i: (0, 0)),
    ],
    out_specs=[
        pl.BlockSpec((BLK, D), lambda i: (i, 0)),
        pl.BlockSpec((BLK, D), lambda i: (i, 0)),
    ],
    out_shape=[
        jax.ShapeDtypeStruct((N_NODES, D), jnp.float32),
        jax.ShapeDtypeStruct((N_NODES, D), jnp.float32),
    ],
)


def kernel(x, edge_index, W1, W2a, W2b):
    src = edge_index[0]
    dst = edge_index[1].reshape(N_WORKERS, NGROUPS, GROUP, CHUNK)
    zeros = jnp.zeros((N_PAD, D), jnp.float32)
    partials = _sc_segment_sum(x, src, dst, zeros)
    out1, out2 = _tc_finish(partials, partials, W1, W2a, W2b)
    return (out1, out2)

# --- scband reference (transcript-rebuilt; emitter-appended) ---
"""Pipeline reference for scband-level-12412455485649 (READ-ONLY COPY).

The authoritative reference and input builder live on the scoring server;
editing this copy changes nothing except your own understanding.
"""

import jax
import jax.numpy as jnp
import numpy as np

N_NODES = 10000
N_EDGES = 320000
D = 128


def setup_inputs(seed: int = 0) -> dict:
    key = jax.random.key(seed)
    k1, k2, k3, k4, k5 = jax.random.split(key, 5)
    x = jax.random.normal(k1, (N_NODES, D), dtype=jnp.float32)
    edge_index = jax.random.randint(k2, (2, N_EDGES), 0, N_NODES, dtype=jnp.int32)
    # xavier_uniform-style init for the per-message-passing weight matrices
    limit = np.sqrt(6.0 / (D + D))
    W1 = jax.random.uniform(k3, (D, D), dtype=jnp.float32, minval=-limit, maxval=limit)
    W2a = jax.random.uniform(k4, (D, D), dtype=jnp.float32, minval=-limit, maxval=limit)
    W2b = jax.random.uniform(k5, (D, D), dtype=jnp.float32, minval=-limit, maxval=limit)
    return {"x": x, "edge_index": edge_index, "W1": W1, "W2a": W2a, "W2b": W2b}


def _message_passing(x, src, dst, W):
    # Step 1/2: gather source features, transform, scatter-add to destination nodes
    msgs = jnp.take(x, src, axis=0) @ W
    return jax.ops.segment_sum(msgs, dst, num_segments=N_NODES)


def reference(x, edge_index, W1, W2a, W2b):
    src = edge_index[0]
    dst = edge_index[1]
    outputs = []
    # Branch 1: plain _MessagePassing (not a list) -> direct forward
    out1 = _message_passing(x, src, dst, W1)
    outputs.append(out1)
    # Branch 2: sublist -> _Merge: run each mp, inter-neighborhood agg 'sum' (Step 3),
    # then update 'sigmoid' (Step 4)
    m_a = _message_passing(x, src, dst, W2a)
    m_b = _message_passing(x, src, dst, W2b)
    merged = m_a + m_b
    out2 = jax.nn.sigmoid(merged)
    outputs.append(out2)
    return tuple(outputs)

if __name__ == "__main__":
    import jax
    _d = setup_inputs()
    print(jax.jit(kernel)(*tuple(_d.values())))

</pallas_src>

<mosaic_0001>
#map = affine_map<(d0, d1) -> (0, 0)>
#map1 = affine_map<(d0, d1) -> (0)>
#map2 = affine_map<(d0, d1) -> (0, 0, 0, 0)>
#map3 = affine_map<(d0, d1) -> (0, 0, 0)>
module attributes {stable_mosaic.version = 14 : i64} {
  func.func @_sc_segment_sum(%arg0: i32, %arg1: i32, %arg2: memref<10000x128xf32, #tpu.memory_space<hbm>>, %arg3: memref<320000xi32, #tpu.memory_space<hbm>>, %arg4: memref<32x5x25x80xi32, #tpu.memory_space<hbm>>, %arg5: memref<10112x128xf32, #tpu.memory_space<hbm>>, %arg6: memref<2x10112x128xf32, #tpu.memory_space<hbm>>, %arg7: memref<10112x128xf32, #tpu.memory_space<vmem_shared>>, %arg8: memref<10000xi32, #tpu.memory_space<vmem>>, %arg9: memref<25x80xi32, #tpu.memory_space<vmem>>, %arg10: memref<25x80xi32, #tpu.memory_space<vmem>>, %arg11: memref<80x128xf32, #tpu.memory_space<vmem>>, %arg12: memref<80x128xf32, #tpu.memory_space<vmem>>, %arg13: memref<80x128xf32, #tpu.memory_space<vmem>>, %arg14: memref<!tpu.dma_semaphore, #tpu.memory_space<semaphore_mem>>, %arg15: memref<!tpu.dma_semaphore, #tpu.memory_space<semaphore_mem>>, %arg16: memref<!tpu.dma_semaphore, #tpu.memory_space<semaphore_mem>>, %arg17: memref<!tpu.dma_semaphore, #tpu.memory_space<semaphore_mem>>, %arg18: memref<!tpu.dma_semaphore, #tpu.memory_space<semaphore_mem>>, %arg19: memref<!tpu.dma_semaphore, #tpu.memory_space<semaphore_mem>>, %arg20: memref<!tpu.dma_semaphore, #tpu.memory_space<semaphore_mem>>) attributes {dimension_semantics = [#tpu.dimension_semantics<core_parallel>, #tpu.dimension_semantics<subcore_parallel>], iteration_bounds = array<i64: 2, 16>, scalar_prefetch = 0 : i64, scratch_operands = 14 : i64, tpu.core_type = #tpu.core_type<sc_vector_subcore>, window_params = [{transform_indices = #map}, {transform_indices = #map1}, {transform_indices = #map2}, {transform_indices = #map}, {transform_indices = #map3}]} {
    %mul3A = arith.constant 16 : i32
    %mul3A_0 = arith.muli %arg0, %mul3A : i32
    %add3A = arith.addi %mul3A_0, %arg1 : i32
    %mul3A_1 = arith.constant 632 : i32
    %mul3A_2 = arith.muli %arg1, %mul3A_1 : i32
    %mul3A_3 = arith.constant 10000 : i32
    %mul3A_4 = arith.muli %add3A, %mul3A_3 : i32
    %dma_start3A = arith.constant 0 : i32
    %dma_start3A_5 = tpu.memref_slice %arg7[%mul3A_2, %dma_start3A] : memref<10112x128xf32, #tpu.memory_space<vmem_shared>> -> memref<632x128xf32, #tpu.memory_space<vmem_shared>>
    %dma_start3A_6 = arith.constant 0 : i32
    %dma_start3A_7 = tpu.memref_slice %arg5[%mul3A_2, %dma_start3A_6] : memref<10112x128xf32, #tpu.memory_space<hbm>> -> memref<632x128xf32, #tpu.memory_space<hbm>>
    tpu.enqueue_dma source(%dma_start3A_7 : memref<632x128xf32, #tpu.memory_space<hbm>>) target(%dma_start3A_5 : memref<632x128xf32, #tpu.memory_space<vmem_shared>>) target_semaphore(%arg20 : memref<!tpu.dma_semaphore, #tpu.memory_space<semaphore_mem>>)
    %dma_start3A_8 = tpu.memref_slice %arg3[%mul3A_4] : memref<320000xi32, #tpu.memory_space<hbm>> -> memref<10000xi32, #tpu.memory_space<hbm>>
    %dma_start3A_9 = tpu.memref_slice %arg3[%mul3A_4] : memref<320000xi32, #tpu.memory_space<hbm>> -> memref<10000xi32, #tpu.memory_space<hbm>>
    tpu.enqueue_dma source(%dma_start3A_9 : memref<10000xi32, #tpu.memory_space<hbm>>) target(%arg8 : memref<10000xi32, #tpu.memory_space<vmem>>) target_semaphore(%arg17 : memref<!tpu.dma_semaphore, #tpu.memory_space<semaphore_mem>>)
    %dma_start3A_10 = arith.constant 0 : i32
    %dma_start3A_11 = arith.constant 0 : i32
    %dma_start3A_12 = arith.constant 0 : i32
    %dma_start3A_13 = tpu.memref_slice %arg4[%add3A, %dma_start3A_10, %dma_start3A_11, %dma_start3A_12] : memref<32x5x25x80xi32, #tpu.memory_space<hbm>> -> memref<1x1x25x80xi32, #tpu.memory_space<hbm>>
    %dma_start3A_14 = tpu.memref_squeeze %dma_start3A_13 : memref<1x1x25x80xi32, #tpu.memory_space<hbm>> -> memref<25x80xi32, #tpu.memory_space<hbm>>
    %dma_start3A_15 = arith.constant 0 : i32
    %dma_start3A_16 = arith.constant 0 : i32
    %dma_start3A_17 = tpu.memref_slice %arg4[%add3A, %dma_start3A_10, %dma_start3A_15, %dma_start3A_16] : memref<32x5x25x80xi32, #tpu.memory_space<hbm>> -> memref<1x1x25x80xi32, #tpu.memory_space<hbm>>
    %dma_start3A_18 = tpu.memref_squeeze %dma_start3A_17 : memref<1x1x25x80xi32, #tpu.memory_space<hbm>> -> memref<25x80xi32, #tpu.memory_space<hbm>>
    tpu.enqueue_dma source(%dma_start3A_18 : memref<25x80xi32, #tpu.memory_space<hbm>>) target(%arg9 : memref<25x80xi32, #tpu.memory_space<vmem>>) target_semaphore(%arg18 : memref<!tpu.dma_semaphore, #tpu.memory_space<semaphore_mem>>)
    %dma_wait3A = tpu.memref_slice %arg3[%mul3A_4] : memref<320000xi32, #tpu.memory_space<hbm>> -> memref<10000xi32, #tpu.memory_space<hbm>>
    %dma_wait3A_19 = tpu.memref_slice %arg3[%mul3A_4] : memref<320000xi32, #tpu.memory_space<hbm>> -> memref<10000xi32, #tpu.memory_space<hbm>>
    tpu.wait_dma2 semaphore(%arg17 : memref<!tpu.dma_semaphore, #tpu.memory_space<semaphore_mem>>) src(%dma_wait3A_19 : memref<10000xi32, #tpu.memory_space<hbm>>) dst(%arg8 : memref<10000xi32, #tpu.memory_space<vmem>>)
    %multiple_of3A = arith.constant 0 : i32
    %multiple_of3A_20 = tpu.assume_multiple %multiple_of3A, 8 : i32
    %dma_start3A_21 = arith.constant 0 : i32
    %dma_start3A_22 = arith.constant 0 : i32
    %dma_start3A_23 = tpu.memref_slice %arg11[%dma_start3A_21, %dma_start3A_22] : memref<80x128xf32, #tpu.memory_space<vmem>> -> memref<40x128xf32, #tpu.memory_space<vmem>>
    %dma_start3A_24 = tpu.memref_slice %arg8[%multiple_of3A_20] : memref<10000xi32, #tpu.memory_space<vmem>> -> memref<40xi32, #tpu.memory_space<vmem>>
    %dma_start3A_25 = arith.constant 0 : i32
    %dma_start3A_26 = arith.constant 0 : i32
    %dma_start3A_27 = tpu.memref_slice %arg2[%dma_start3A_25, %dma_start3A_26] : memref<10000x128xf32, #tpu.memory_space<hbm>> -> memref<10000x128xf32, #tpu.memory_space<hbm>>
    tpu.enqueue_indirect_dma source(%dma_start3A_27 : memref<10000x128xf32, #tpu.memory_space<hbm>>) target(%dma_start3A_23 : memref<40x128xf32, #tpu.memory_space<vmem>>) offsets(%dma_start3A_24 : memref<40xi32, #tpu.memory_space<vmem>>) semaphore(%arg14 : memref<!tpu.dma_semaphore, #tpu.memory_space<semaphore_mem>>)
    %multiple_of3A_28 = arith.constant 40 : i32
    %multiple_of3A_29 = tpu.assume_multiple %multiple_of3A_28, 8 : i32
    %dma_start3A_30 = arith.constant 40 : i32
    %dma_start3A_31 = arith.constant 0 : i32
    %dma_start3A_32 = tpu.memref_slice %arg11[%dma_start3A_30, %dma_start3A_31] : memref<80x128xf32, #tpu.memory_space<vmem>> -> memref<40x128xf32, #tpu.memory_space<vmem>>
    %dma_start3A_33 = tpu.memref_slice %arg8[%multiple_of3A_29] : memref<10000xi32, #tpu.memory_space<vmem>> -> memref<40xi32, #tpu.memory_space<vmem>>
    %dma_start3A_34 = arith.constant 0 : i32
    %dma_start3A_35 = arith.constant 0 : i32
    %dma_start3A_36 = tpu.memref_slice %arg2[%dma_start3A_34, %dma_start3A_35] : memref<10000x128xf32, #tpu.memory_space<hbm>> -> memref<10000x128xf32, #tpu.memory_space<hbm>>
    tpu.enqueue_indirect_dma source(%dma_start3A_36 : memref<10000x128xf32, #tpu.memory_space<hbm>>) target(%dma_start3A_32 : memref<40x128xf32, #tpu.memory_space<vmem>>) offsets(%dma_start3A_33 : memref<40xi32, #tpu.memory_space<vmem>>) semaphore(%arg14 : memref<!tpu.dma_semaphore, #tpu.memory_space<semaphore_mem>>)
    %multiple_of3A_37 = arith.constant 80 : i32
    %multiple_of3A_38 = tpu.assume_multiple %multiple_of3A_37, 8 : i32
    %dma_start3A_39 = arith.constant 0 : i32
    %dma_start3A_40 = arith.constant 0 : i32
    %dma_start3A_41 = tpu.memref_slice %arg12[%dma_start3A_39, %dma_start3A_40] : memref<80x128xf32, #tpu.memory_space<vmem>> -> memref<40x128xf32, #tpu.memory_space<vmem>>
    %dma_start3A_42 = tpu.memref_slice %arg8[%multiple_of3A_38] : memref<10000xi32, #tpu.memory_space<vmem>> -> memref<40xi32, #tpu.memory_space<vmem>>
    %dma_start3A_43 = arith.constant 0 : i32
    %dma_start3A_44 = arith.constant 0 : i32
    %dma_start3A_45 = tpu.memref_slice %arg2[%dma_start3A_43, %dma_start3A_44] : memref<10000x128xf32, #tpu.memory_space<hbm>> -> memref<10000x128xf32, #tpu.memory_space<hbm>>
    tpu.enqueue_indirect_dma source(%dma_start3A_45 : memref<10000x128xf32, #tpu.memory_space<hbm>>) target(%dma_start3A_41 : memref<40x128xf32, #tpu.memory_space<vmem>>) offsets(%dma_start3A_42 : memref<40xi32, #tpu.memory_space<vmem>>) semaphore(%arg15 : memref<!tpu.dma_semaphore, #tpu.memory_space<semaphore_mem>>)
    %multiple_of3A_46 = arith.constant 120 : i32
    %multiple_of3A_47 = tpu.assume_multiple %multiple_of3A_46, 8 : i32
    %dma_start3A_48 = arith.constant 40 : i32
    %dma_start3A_49 = arith.constant 0 : i32
    %dma_start3A_50 = tpu.memref_slice %arg12[%dma_start3A_48, %dma_start3A_49] : memref<80x128xf32, #tpu.memory_space<vmem>> -> memref<40x128xf32, #tpu.memory_space<vmem>>
    %dma_start3A_51 = tpu.memref_slice %arg8[%multiple_of3A_47] : memref<10000xi32, #tpu.memory_space<vmem>> -> memref<40xi32, #tpu.memory_space<vmem>>
    %dma_start3A_52 = arith.constant 0 : i32
    %dma_start3A_53 = arith.constant 0 : i32
    %dma_start3A_54 = tpu.memref_slice %arg2[%dma_start3A_52, %dma_start3A_53] : memref<10000x128xf32, #tpu.memory_space<hbm>> -> memref<10000x128xf32, #tpu.memory_space<hbm>>
    tpu.enqueue_indirect_dma source(%dma_start3A_54 : memref<10000x128xf32, #tpu.memory_space<hbm>>) target(%dma_start3A_50 : memref<40x128xf32, #tpu.memory_space<vmem>>) offsets(%dma_start3A_51 : memref<40xi32, #tpu.memory_space<vmem>>) semaphore(%arg15 : memref<!tpu.dma_semaphore, #tpu.memory_space<semaphore_mem>>)
    %dma_wait3A_55 = arith.constant 0 : i32
    %dma_wait3A_56 = tpu.memref_slice %arg7[%mul3A_2, %dma_wait3A_55] : memref<10112x128xf32, #tpu.memory_space<vmem_shared>> -> memref<632x128xf32, #tpu.memory_space<vmem_shared>>
    %dma_wait3A_57 = arith.constant 0 : i32
    %dma_wait3A_58 = tpu.memref_slice %arg5[%mul3A_2, %dma_wait3A_57] : memref<10112x128xf32, #tpu.memory_space<hbm>> -> memref<632x128xf32, #tpu.memory_space<hbm>>
    tpu.wait_dma2 semaphore(%arg20 : memref<!tpu.dma_semaphore, #tpu.memory_space<semaphore_mem>>) src(%dma_wait3A_58 : memref<632x128xf32, #tpu.memory_space<hbm>>) dst(%dma_wait3A_56 : memref<632x128xf32, #tpu.memory_space<vmem_shared>>)
    %dma_wait3A_59 = arith.constant 0 : i32
    %dma_wait3A_60 = arith.constant 0 : i32
    %dma_wait3A_61 = arith.constant 0 : i32
    %dma_wait3A_62 = tpu.memref_slice %arg4[%add3A, %dma_wait3A_59, %dma_wait3A_60, %dma_wait3A_61] : memref<32x5x25x80xi32, #tpu.memory_space<hbm>> -> memref<1x1x25x80xi32, #tpu.memory_space<hbm>>
    %dma_wait3A_63 = tpu.memref_squeeze %dma_wait3A_62 : memref<1x1x25x80xi32, #tpu.memory_space<hbm>> -> memref<25x80xi32, #tpu.memory_space<hbm>>
    %dma_wait3A_64 = arith.constant 0 : i32
    %dma_wait3A_65 = arith.constant 0 : i32
    %dma_wait3A_66 = tpu.memref_slice %arg4[%add3A, %dma_wait3A_59, %dma_wait3A_64, %dma_wait3A_65] : memref<32x5x25x80xi32, #tpu.memory_space<hbm>> -> memref<1x1x25x80xi32, #tpu.memory_space<hbm>>
    %dma_wait3A_67 = tpu.memref_squeeze %dma_wait3A_66 : memref<1x1x25x80xi32, #tpu.memory_space<hbm>> -> memref<25x80xi32, #tpu.memory_space<hbm>>
    tpu.wait_dma2 semaphore(%arg18 : memref<!tpu.dma_semaphore, #tpu.memory_space<semaphore_mem>>) src(%dma_wait3A_67 : memref<25x80xi32, #tpu.memory_space<hbm>>) dst(%arg9 : memref<25x80xi32, #tpu.memory_space<vmem>>)
    %barrier3A = arith.constant 0 : index
    tpu.barrier barrier_id(%barrier3A)
    %multiple_of3A_68 = arith.constant 160 : i32
    %multiple_of3A_69 = tpu.assume_multiple %multiple_of3A_68, 8 : i32
    %dma_start3A_70 = arith.constant 0 : i32
    %dma_start3A_71 = arith.constant 0 : i32
    %dma_start3A_72 = tpu.memref_slice %arg13[%dma_start3A_70, %dma_start3A_71] : memref<80x128xf32, #tpu.memory_space<vmem>> -> memref<40x128xf32, #tpu.memory_space<vmem>>
    %dma_start3A_73 = tpu.memref_slice %arg8[%multiple_of3A_69] : memref<10000xi32, #tpu.memory_space<vmem>> -> memref<40xi32, #tpu.memory_space<vmem>>
    %dma_start3A_74 = arith.constant 0 : i32
    %dma_start3A_75 = arith.constant 0 : i32
    %dma_start3A_76 = tpu.memref_slice %arg2[%dma_start3A_74, %dma_start3A_75] : memref<10000x128xf32, #tpu.memory_space<hbm>> -> memref<10000x128xf32, #tpu.memory_space<hbm>>
    tpu.enqueue_indirect_dma source(%dma_start3A_76 : memref<10000x128xf32, #tpu.memory_space<hbm>>) target(%dma_start3A_72 : memref<40x128xf32, #tpu.memory_space<vmem>>) offsets(%dma_start3A_73 : memref<40xi32, #tpu.memory_space<vmem>>) semaphore(%arg16 : memref<!tpu.dma_semaphore, #tpu.memory_space<semaphore_mem>>)
    %multiple_of3A_77 = arith.constant 200 : i32
    %multiple_of3A_78 = tpu.assume_multiple %multiple_of3A_77, 8 : i32
    %dma_start3A_79 = arith.constant 40 : i32
    %dma_start3A_80 = arith.constant 0 : i32
    %dma_start3A_81 = tpu.memref_slice %arg13[%dma_start3A_79, %dma_start3A_80] : memref<80x128xf32, #tpu.memory_space<vmem>> -> memref<40x128xf32, #tpu.memory_space<vmem>>
    %dma_start3A_82 = tpu.memref_slice %arg8[%multiple_of3A_78] : memref<10000xi32, #tpu.memory_space<vmem>> -> memref<40xi32, #tpu.memory_space<vmem>>
    %dma_start3A_83 = arith.constant 0 : i32
    %dma_start3A_84 = arith.constant 0 : i32
    %dma_start3A_85 = tpu.memref_slice %arg2[%dma_start3A_83, %dma_start3A_84] : memref<10000x128xf32, #tpu.memory_space<hbm>> -> memref<10000x128xf32, #tpu.memory_space<hbm>>
    tpu.enqueue_indirect_dma source(%dma_start3A_85 : memref<10000x128xf32, #tpu.memory_space<hbm>>) target(%dma_start3A_81 : memref<40x128xf32, #tpu.memory_space<vmem>>) offsets(%dma_start3A_82 : memref<40xi32, #tpu.memory_space<vmem>>) semaphore(%arg16 : memref<!tpu.dma_semaphore, #tpu.memory_space<semaphore_mem>>)
    %multiple_of3A_86 = arith.constant 0 : i32
    %multiple_of3A_87 = tpu.assume_multiple %multiple_of3A_86, 8 : i32
    %dma_wait3A_88 = arith.constant 0 : i32
    %dma_wait3A_89 = arith.constant 0 : i32
    %dma_wait3A_90 = tpu.memref_slice %arg11[%dma_wait3A_88, %dma_wait3A_89] : memref<80x128xf32, #tpu.memory_space<vmem>> -> memref<40x128xf32, #tpu.memory_space<vmem>>
    %dma_wait3A_91 = tpu.memref_slice %arg8[%multiple_of3A_87] : memref<10000xi32, #tpu.memory_space<vmem>> -> memref<40xi32, #tpu.memory_space<vmem>>
    %dma_wait3A_92 = arith.constant 0 : i32
    %dma_wait3A_93 = arith.constant 0 : i32
    %dma_wait3A_94 = tpu.memref_slice %arg2[%dma_wait3A_92, %dma_wait3A_93] : memref<10000x128xf32, #tpu.memory_space<hbm>> -> memref<10000x128xf32, #tpu.memory_space<hbm>>
    tpu.wait_indirect_dma semaphore(%arg14 : memref<!tpu.dma_semaphore, #tpu.memory_space<semaphore_mem>>) src(%dma_wait3A_94 : memref<10000x128xf32, #tpu.memory_space<hbm>>) dst(%dma_wait3A_90 : memref<40x128xf32, #tpu.memory_space<vmem>>)
    %multiple_of3A_95 = arith.constant 40 : i32
    %multiple_of3A_96 = tpu.assume_multiple %multiple_of3A_95, 8 : i32
    %dma_wait3A_97 = arith.constant 40 : i32
    %dma_wait3A_98 = arith.constant 0 : i32
    %dma_wait3A_99 = tpu.memref_slice %arg11[%dma_wait3A_97, %dma_wait3A_98] : memref<80x128xf32, #tpu.memory_space<vmem>> -> memref<40x128xf32, #tpu.memory_space<vmem>>
    %dma_wait3A_100 = tpu.memref_slice %arg8[%multiple_of3A_96] : memref<10000xi32, #tpu.memory_space<vmem>> -> memref<40xi32, #tpu.memory_space<vmem>>
    %dma_wait3A_101 = arith.constant 0 : i32
    %dma_wait3A_102 = arith.constant 0 : i32
    %dma_wait3A_103 = tpu.memref_slice %arg2[%dma_wait3A_101, %dma_wait3A_102] : memref<10000x128xf32, #tpu.memory_space<hbm>> -> memref<10000x128xf32, #tpu.memory_space<hbm>>
    tpu.wait_indirect_dma semaphore(%arg14 : memref<!tpu.dma_semaphore, #tpu.memory_space<semaphore_mem>>) src(%dma_wait3A_103 : memref<10000x128xf32, #tpu.memory_space<hbm>>) dst(%dma_wait3A_99 : memref<40x128xf32, #tpu.memory_space<vmem>>)
    %dma_start3A_104 = arith.constant 0 : i32
    %dma_start3A_105 = arith.constant 0 : i32
    %dma_start3A_106 = tpu.memref_slice %arg9[%dma_start3A_104, %dma_start3A_105] : memref<25x80xi32, #tpu.memory_space<vmem>> -> memref<1x80xi32, #tpu.memory_space<vmem>>
    %dma_start3A_107 = tpu.memref_squeeze %dma_start3A_106 : memref<1x80xi32, #tpu.memory_space<vmem>> -> memref<80xi32, #tpu.memory_space<vmem>>
    %dma_start3A_108 = arith.constant 0 : i32
    %dma_start3A_109 = arith.constant 0 : i32
    %dma_start3A_110 = tpu.memref_slice %arg7[%dma_start3A_108, %dma_start3A_109] : memref<10112x128xf32, #tpu.memory_space<vmem_shared>> -> memref<10112x128xf32, #tpu.memory_space<vmem_shared>>
    tpu.enqueue_indirect_dma source(%arg11 : memref<80x128xf32, #tpu.memory_space<vmem>>) target(%dma_start3A_110 : memref<10112x128xf32, #tpu.memory_space<vmem_shared>>) offsets(%dma_start3A_107 : memref<80xi32, #tpu.memory_space<vmem>>) semaphore(%arg17 : memref<!tpu.dma_semaphore, #tpu.memory_space<semaphore_mem>>) {add = true}
    %dma_start3A_111 = arith.constant 1 : i32
    %dma_start3A_112 = arith.constant 0 : i32
    %dma_start3A_113 = arith.constant 0 : i32
    %dma_start3A_114 = tpu.memref_slice %arg4[%add3A, %dma_start3A_111, %dma_start3A_112, %dma_start3A_113] : memref<32x5x25x80xi32, #tpu.memory_space<hbm>> -> memref<1x1x25x80xi32, #tpu.memory_space<hbm>>
    %dma_start3A_115 = tpu.memref_squeeze %dma_start3A_114 : memref<1x1x25x80xi32, #tpu.memory_space<hbm>> -> memref<25x80xi32, #tpu.memory_space<hbm>>
    %dma_start3A_116 = arith.constant 0 : i32
    %dma_start3A_117 = arith.constant 0 : i32
    %dma_start3A_118 = tpu.memref_slice %arg4[%add3A, %dma_start3A_111, %dma_start3A_116, %dma_start3A_117] : memref<32x5x25x80xi32, #tpu.memory_space<hbm>> -> memref<1x1x25x80xi32, #tpu.memory_space<hbm>>
    %dma_start3A_119 = tpu.memref_squeeze %dma_start3A_118 : memref<1x1x25x80xi32, #tpu.memory_space<hbm>> -> memref<25x80xi32, #tpu.memory_space<hbm>>
    tpu.enqueue_dma source(%dma_start3A_119 : memref<25x80xi32, #tpu.memory_space<hbm>>) target(%arg10 : memref<25x80xi32, #tpu.memory_space<vmem>>) target_semaphore(%arg20 : memref<!tpu.dma_semaphore, #tpu.memory_space<semaphore_mem>>)
    %scan3A = arith.constant 0 : i32
    %scan3A_120 = arith.constant 0 : i32
    %scan3A_121 = arith.constant 8 : i32
    %scan3A_122 = arith.addi %scan3A_120, %scan3A_121 : i32
    %scan3A_123 = arith.constant 1 : i32
    scf.for %scan3A_534 = %scan3A_120 to %scan3A_122 step %scan3A_123  : i32 {
      %mul3A_535 = arith.constant 3 : i32
      %mul3A_536 = arith.muli %mul3A_535, %scan3A_534 : i32
      %add3A_537 = arith.constant 1 : i32
      %add3A_538 = arith.addi %mul3A_536, %add3A_537 : i32
      %add3A_539 = arith.constant 0 : i32
      %add3A_540 = arith.addi %add3A_539, %add3A_538 : i32
      %dma_wait3A_541 = arith.constant 0 : i32
      %dma_wait3A_542 = arith.constant 0 : i32
      %dma_wait3A_543 = tpu.memref_slice %arg9[%dma_wait3A_541, %dma_wait3A_542] : memref<25x80xi32, #tpu.memory_space<vmem>> -> memref<1x80xi32, #tpu.memory_space<vmem>>
      %dma_wait3A_544 = tpu.memref_squeeze %dma_wait3A_543 : memref<1x80xi32, #tpu.memory_space<vmem>> -> memref<80xi32, #tpu.memory_space<vmem>>
      %dma_wait3A_545 = arith.constant 0 : i32
      %dma_wait3A_546 = arith.constant 0 : i32
      %dma_wait3A_547 = tpu.memref_slice %arg7[%dma_wait3A_545, %dma_wait3A_546] : memref<10112x128xf32, #tpu.memory_space<vmem_shared>> -> memref<10112x128xf32, #tpu.memory_space<vmem_shared>>
      tpu.wait_indirect_dma semaphore(%arg17 : memref<!tpu.dma_semaphore, #tpu.memory_space<semaphore_mem>>) src(%arg11 : memref<80x128xf32, #tpu.memory_space<vmem>>) dst(%dma_wait3A_547 : memref<10112x128xf32, #tpu.memory_space<vmem_shared>>)
      %add3A_548 = arith.constant 2 : i32
      %add3A_549 = arith.addi %add3A_540, %add3A_548 : i32
      %mul3A_550 = arith.constant 80 : i32
      %mul3A_551 = arith.muli %add3A_549, %mul3A_550 : i32
      %add3A_552 = arith.constant 0 : i32
      %add3A_553 = arith.addi %mul3A_551, %add3A_552 : i32
      %multiple_of3A_554 = tpu.assume_multiple %add3A_553, 8 : i32
      %dma_start3A_555 = arith.constant 0 : i32
      %dma_start3A_556 = arith.constant 0 : i32
      %dma_start3A_557 = tpu.memref_slice %arg11[%dma_start3A_555, %dma_start3A_556] : memref<80x128xf32, #tpu.memory_space<vmem>> -> memref<40x128xf32, #tpu.memory_space<vmem>>
      %dma_start3A_558 = tpu.memref_slice %arg8[%multiple_of3A_554] : memref<10000xi32, #tpu.memory_space<vmem>> -> memref<40xi32, #tpu.memory_space<vmem>>
      %dma_start3A_559 = arith.constant 0 : i32
      %dma_start3A_560 = arith.constant 0 : i32
      %dma_start3A_561 = tpu.memref_slice %arg2[%dma_start3A_559, %dma_start3A_560] : memref<10000x128xf32, #tpu.memory_space<hbm>> -> memref<10000x128xf32, #tpu.memory_space<hbm>>
      tpu.enqueue_indirect_dma source(%dma_start3A_561 : memref<10000x128xf32, #tpu.memory_space<hbm>>) target(%dma_start3A_557 : memref<40x128xf32, #tpu.memory_space<vmem>>) offsets(%dma_start3A_558 : memref<40xi32, #tpu.memory_space<vmem>>) semaphore(%arg14 : memref<!tpu.dma_semaphore, #tpu.memory_space<semaphore_mem>>)
      %mul3A_562 = arith.constant 80 : i32
      %mul3A_563 = arith.muli %add3A_549, %mul3A_562 : i32
      %add3A_564 = arith.constant 40 : i32
      %add3A_565 = arith.addi %mul3A_563, %add3A_564 : i32
      %multiple_of3A_566 = tpu.assume_multiple %add3A_565, 8 : i32
      %dma_start3A_567 = arith.constant 40 : i32
      %dma_start3A_568 = arith.constant 0 : i32
      %dma_start3A_569 = tpu.memref_slice %arg11[%dma_start3A_567, %dma_start3A_568] : memref<80x128xf32, #tpu.memory_space<vmem>> -> memref<40x128xf32, #tpu.memory_space<vmem>>
      %dma_start3A_570 = tpu.memref_slice %arg8[%multiple_of3A_566] : memref<10000xi32, #tpu.memory_space<vmem>> -> memref<40xi32, #tpu.memory_space<vmem>>
      %dma_start3A_571 = arith.constant 0 : i32
      %dma_start3A_572 = arith.constant 0 : i32
      %dma_start3A_573 = tpu.memref_slice %arg2[%dma_start3A_571, %dma_start3A_572] : memref<10000x128xf32, #tpu.memory_space<hbm>> -> memref<10000x128xf32, #tpu.memory_space<hbm>>
      tpu.enqueue_indirect_dma source(%dma_start3A_573 : memref<10000x128xf32, #tpu.memory_space<hbm>>) target(%dma_start3A_569 : memref<40x128xf32, #tpu.memory_space<vmem>>) offsets(%dma_start3A_570 : memref<40xi32, #tpu.memory_space<vmem>>) semaphore(%arg14 : memref<!tpu.dma_semaphore, #tpu.memory_space<semaphore_mem>>)
      %mul3A_574 = arith.constant 80 : i32
      %mul3A_575 = arith.muli %add3A_540, %mul3A_574 : i32
      %add3A_576 = arith.constant 0 : i32
      %add3A_577 = arith.addi %mul3A_575, %add3A_576 : i32
      %multiple_of3A_578 = tpu.assume_multiple %add3A_577, 8 : i32
      %dma_wait3A_579 = arith.constant 0 : i32
      %dma_wait3A_580 = arith.constant 0 : i32
      %dma_wait3A_581 = tpu.memref_slice %arg12[%dma_wait3A_579, %dma_wait3A_580] : memref<80x128xf32, #tpu.memory_space<vmem>> -> memref<40x128xf32, #tpu.memory_space<vmem>>
      %dma_wait3A_582 = tpu.memref_slice %arg8[%multiple_of3A_578] : memref<10000xi32, #tpu.memory_space<vmem>> -> memref<40xi32, #tpu.memory_space<vmem>>
      %dma_wait3A_583 = arith.constant 0 : i32
      %dma_wait3A_584 = arith.constant 0 : i32
      %dma_wait3A_585 = tpu.memref_slice %arg2[%dma_wait3A_583, %dma_wait3A_584] : memref<10000x128xf32, #tpu.memory_space<hbm>> -> memref<10000x128xf32, #tpu.memory_space<hbm>>
      tpu.wait_indirect_dma semaphore(%arg15 : memref<!tpu.dma_semaphore, #tpu.memory_space<semaphore_mem>>) src(%dma_wait3A_585 : memref<10000x128xf32, #tpu.memory_space<hbm>>) dst(%dma_wait3A_581 : memref<40x128xf32, #tpu.memory_space<vmem>>)
      %mul3A_586 = arith.constant 80 : i32
      %mul3A_587 = arith.muli %add3A_540, %mul3A_586 : i32
      %add3A_588 = arith.constant 40 : i32
      %add3A_589 = arith.addi %mul3A_587, %add3A_588 : i32
      %multiple_of3A_590 = tpu.assume_multiple %add3A_589, 8 : i32
      %dma_wait3A_591 = arith.constant 40 : i32
      %dma_wait3A_592 = arith.constant 0 : i32
      %dma_wait3A_593 = tpu.memref_slice %arg12[%dma_wait3A_591, %dma_wait3A_592] : memref<80x128xf32, #tpu.memory_space<vmem>> -> memref<40x128xf32, #tpu.memory_space<vmem>>
      %dma_wait3A_594 = tpu.memref_slice %arg8[%multiple_of3A_590] : memref<10000xi32, #tpu.memory_space<vmem>> -> memref<40xi32, #tpu.memory_space<vmem>>
      %dma_wait3A_595 = arith.constant 0 : i32
      %dma_wait3A_596 = arith.constant 0 : i32
      %dma_wait3A_597 = tpu.memref_slice %arg2[%dma_wait3A_595, %dma_wait3A_596] : memref<10000x128xf32, #tpu.memory_space<hbm>> -> memref<10000x128xf32, #tpu.memory_space<hbm>>
      tpu.wait_indirect_dma semaphore(%arg15 : memref<!tpu.dma_semaphore, #tpu.memory_space<semaphore_mem>>) src(%dma_wait3A_597 : memref<10000x128xf32, #tpu.memory_space<hbm>>) dst(%dma_wait3A_593 : memref<40x128xf32, #tpu.memory_space<vmem>>)
      %dma_start3A_598 = arith.constant 0 : i32
      %dma_start3A_599 = tpu.memref_slice %arg9[%add3A_538, %dma_start3A_598] : memref<25x80xi32, #tpu.memory_space<vmem>> -> memref<1x80xi32, #tpu.memory_space<vmem>>
      %dma_start3A_600 = tpu.memref_squeeze %dma_start3A_599 : memref<1x80xi32, #tpu.memory_space<vmem>> -> memref<80xi32, #tpu.memory_space<vmem>>
      %dma_start3A_601 = arith.constant 0 : i32
      %dma_start3A_602 = arith.constant 0 : i32
      %dma_start3A_603 = tpu.memref_slice %arg7[%dma_start3A_601, %dma_start3A_602] : memref<10112x128xf32, #tpu.memory_space<vmem_shared>> -> memref<10112x128xf32, #tpu.memory_space<vmem_shared>>
      tpu.enqueue_indirect_dma source(%arg12 : memref<80x128xf32, #tpu.memory_space<vmem>>) target(%dma_start3A_603 : memref<10112x128xf32, #tpu.memory_space<vmem_shared>>) offsets(%dma_start3A_600 : memref<80xi32, #tpu.memory_space<vmem>>) semaphore(%arg18 : memref<!tpu.dma_semaphore, #tpu.memory_space<semaphore_mem>>) {add = true}
      %add3A_604 = arith.constant 0 : i32
      %add3A_605 = arith.addi %add3A_604, %add3A_538 : i32
      %add3A_606 = arith.constant 1 : i32
      %add3A_607 = arith.addi %add3A_605, %add3A_606 : i32
      %add3A_608 = arith.constant 1 : i32
      %add3A_609 = arith.addi %add3A_538, %add3A_608 : i32
      %dma_wait3A_610 = arith.constant 0 : i32
      %dma_wait3A_611 = arith.constant 0 : i32
      %dma_wait3A_612 = tpu.memref_slice %arg9[%dma_wait3A_610, %dma_wait3A_611] : memref<25x80xi32, #tpu.memory_space<vmem>> -> memref<1x80xi32, #tpu.memory_space<vmem>>
      %dma_wait3A_613 = tpu.memref_squeeze %dma_wait3A_612 : memref<1x80xi32, #tpu.memory_space<vmem>> -> memref<80xi32, #tpu.memory_space<vmem>>
      %dma_wait3A_614 = arith.constant 0 : i32
      %dma_wait3A_615 = arith.constant 0 : i32
      %dma_wait3A_616 = tpu.memref_slice %arg7[%dma_wait3A_614, %dma_wait3A_615] : memref<10112x128xf32, #tpu.memory_space<vmem_shared>> -> memref<10112x128xf32, #tpu.memory_space<vmem_shared>>
      tpu.wait_indirect_dma semaphore(%arg18 : memref<!tpu.dma_semaphore, #tpu.memory_space<semaphore_mem>>) src(%arg12 : memref<80x128xf32, #tpu.memory_space<vmem>>) dst(%dma_wait3A_616 : memref<10112x128xf32, #tpu.memory_space<vmem_shared>>)
      %add3A_617 = arith.constant 2 : i32
      %add3A_618 = arith.addi %add3A_607, %add3A_617 : i32
      %mul3A_619 = arith.constant 80 : i32
      %mul3A_620 = arith.muli %add3A_618, %mul3A_619 : i32
      %add3A_621 = arith.constant 0 : i32
      %add3A_622 = arith.addi %mul3A_620, %add3A_621 : i32
      %multiple_of3A_623 = tpu.assume_multiple %add3A_622, 8 : i32
      %dma_start3A_624 = arith.constant 0 : i32
      %dma_start3A_625 = arith.constant 0 : i32
      %dma_start3A_626 = tpu.memref_slice %arg12[%dma_start3A_624, %dma_start3A_625] : memref<80x128xf32, #tpu.memory_space<vmem>> -> memref<40x128xf32, #tpu.memory_space<vmem>>
      %dma_start3A_627 = tpu.memref_slice %arg8[%multiple_of3A_623] : memref<10000xi32, #tpu.memory_space<vmem>> -> memref<40xi32, #tpu.memory_space<vmem>>
      %dma_start3A_628 = arith.constant 0 : i32
      %dma_start3A_629 = arith.constant 0 : i32
      %dma_start3A_630 = tpu.memref_slice %arg2[%dma_start3A_628, %dma_start3A_629] : memref<10000x128xf32, #tpu.memory_space<hbm>> -> memref<10000x128xf32, #tpu.memory_space<hbm>>
      tpu.enqueue_indirect_dma source(%dma_start3A_630 : memref<10000x128xf32, #tpu.memory_space<hbm>>) target(%dma_start3A_626 : memref<40x128xf32, #tpu.memory_space<vmem>>) offsets(%dma_start3A_627 : memref<40xi32, #tpu.memory_space<vmem>>) semaphore(%arg15 : memref<!tpu.dma_semaphore, #tpu.memory_space<semaphore_mem>>)
      %mul3A_631 = arith.constant 80 : i32
      %mul3A_632 = arith.muli %add3A_618, %mul3A_631 : i32
      %add3A_633 = arith.constant 40 : i32
      %add3A_634 = arith.addi %mul3A_632, %add3A_633 : i32
      %multiple_of3A_635 = tpu.assume_multiple %add3A_634, 8 : i32
      %dma_start3A_636 = arith.constant 40 : i32
      %dma_start3A_637 = arith.constant 0 : i32
      %dma_start3A_638 = tpu.memref_slice %arg12[%dma_start3A_636, %dma_start3A_637] : memref<80x128xf32, #tpu.memory_space<vmem>> -> memref<40x128xf32, #tpu.memory_space<vmem>>
      %dma_start3A_639 = tpu.memref_slice %arg8[%multiple_of3A_635] : memref<10000xi32, #tpu.memory_space<vmem>> -> memref<40xi32, #tpu.memory_space<vmem>>
      %dma_start3A_640 = arith.constant 0 : i32
      %dma_start3A_641 = arith.constant 0 : i32
      %dma_start3A_642 = tpu.memref_slice %arg2[%dma_start3A_640, %dma_start3A_641] : memref<10000x128xf32, #tpu.memory_space<hbm>> -> memref<10000x128xf32, #tpu.memory_space<hbm>>
      tpu.enqueue_indirect_dma source(%dma_start3A_642 : memref<10000x128xf32, #tpu.memory_space<hbm>>) target(%dma_start3A_638 : memref<40x128xf32, #tpu.memory_space<vmem>>) offsets(%dma_start3A_639 : memref<40xi32, #tpu.memory_space<vmem>>) semaphore(%arg15 : memref<!tpu.dma_semaphore, #tpu.memory_space<semaphore_mem>>)
      %mul3A_643 = arith.constant 80 : i32
      %mul3A_644 = arith.muli %add3A_607, %mul3A_643 : i32
      %add3A_645 = arith.constant 0 : i32
      %add3A_646 = arith.addi %mul3A_644, %add3A_645 : i32
      %multiple_of3A_647 = tpu.assume_multiple %add3A_646, 8 : i32
      %dma_wait3A_648 = arith.constant 0 : i32
      %dma_wait3A_649 = arith.constant 0 : i32
      %dma_wait3A_650 = tpu.memref_slice %arg13[%dma_wait3A_648, %dma_wait3A_649] : memref<80x128xf32, #tpu.memory_space<vmem>> -> memref<40x128xf32, #tpu.memory_space<vmem>>
      %dma_wait3A_651 = tpu.memref_slice %arg8[%multiple_of3A_647] : memref<10000xi32, #tpu.memory_space<vmem>> -> memref<40xi32, #tpu.memory_space<vmem>>
      %dma_wait3A_652 = arith.constant 0 : i32
      %dma_wait3A_653 = arith.constant 0 : i32
      %dma_wait3A_654 = tpu.memref_slice %arg2[%dma_wait3A_652, %dma_wait3A_653] : memref<10000x128xf32, #tpu.memory_space<hbm>> -> memref<10000x128xf32, #tpu.memory_space<hbm>>
      tpu.wait_indirect_dma semaphore(%arg16 : memref<!tpu.dma_semaphore, #tpu.memory_space<semaphore_mem>>) src(%dma_wait3A_654 : memref<10000x128xf32, #tpu.memory_space<hbm>>) dst(%dma_wait3A_650 : memref<40x128xf32, #tpu.memory_space<vmem>>)
      %mul3A_655 = arith.constant 80 : i32
      %mul3A_656 = arith.muli %add3A_607, %mul3A_655 : i32
      %add3A_657 = arith.constant 40 : i32
      %add3A_658 = arith.addi %mul3A_656, %add3A_657 : i32
      %multiple_of3A_659 = tpu.assume_multiple %add3A_658, 8 : i32
      %dma_wait3A_660 = arith.constant 40 : i32
      %dma_wait3A_661 = arith.constant 0 : i32
      %dma_wait3A_662 = tpu.memref_slice %arg13[%dma_wait3A_660, %dma_wait3A_661] : memref<80x128xf32, #tpu.memory_space<vmem>> -> memref<40x128xf32, #tpu.memory_space<vmem>>
      %dma_wait3A_663 = tpu.memref_slice %arg8[%multiple_of3A_659] : memref<10000xi32, #tpu.memory_space<vmem>> -> memref<40xi32, #tpu.memory_space<vmem>>
      %dma_wait3A_664 = arith.constant 0 : i32
      %dma_wait3A_665 = arith.constant 0 : i32
      %dma_wait3A_666 = tpu.memref_slice %arg2[%dma_wait3A_664, %dma_wait3A_665] : memref<10000x128xf32, #tpu.memory_space<hbm>> -> memref<10000x128xf32, #tpu.memory_space<hbm>>
      tpu.wait_indirect_dma semaphore(%arg16 : memref<!tpu.dma_semaphore, #tpu.memory_space<semaphore_mem>>) src(%dma_wait3A_666 : memref<10000x128xf32, #tpu.memory_space<hbm>>) dst(%dma_wait3A_662 : memref<40x128xf32, #tpu.memory_space<vmem>>)
      %dma_start3A_667 = arith.constant 0 : i32
      %dma_start3A_668 = tpu.memref_slice %arg9[%add3A_609, %dma_start3A_667] : memref<25x80xi32, #tpu.memory_space<vmem>> -> memref<1x80xi32, #tpu.memory_space<vmem>>
      %dma_start3A_669 = tpu.memref_squeeze %dma_start3A_668 : memref<1x80xi32, #tpu.memory_space<vmem>> -> memref<80xi32, #tpu.memory_space<vmem>>
      %dma_start3A_670 = arith.constant 0 : i32
      %dma_start3A_671 = arith.constant 0 : i32
      %dma_start3A_672 = tpu.memref_slice %arg7[%dma_start3A_670, %dma_start3A_671] : memref<10112x128xf32, #tpu.memory_space<vmem_shared>> -> memref<10112x128xf32, #tpu.memory_space<vmem_shared>>
      tpu.enqueue_indirect_dma source(%arg13 : memref<80x128xf32, #tpu.memory_space<vmem>>) target(%dma_start3A_672 : memref<10112x128xf32, #tpu.memory_space<vmem_shared>>) offsets(%dma_start3A_669 : memref<80xi32, #tpu.memory_space<vmem>>) semaphore(%arg19 : memref<!tpu.dma_semaphore, #tpu.memory_space<semaphore_mem>>) {add = true}
      %add3A_673 = arith.constant 0 : i32
      %add3A_674 = arith.addi %add3A_673, %add3A_538 : i32
      %add3A_675 = arith.constant 2 : i32
      %add3A_676 = arith.addi %add3A_674, %add3A_675 : i32
      %add3A_677 = arith.constant 2 : i32
      %add3A_678 = arith.addi %add3A_538, %add3A_677 : i32
      %dma_wait3A_679 = arith.constant 0 : i32
      %dma_wait3A_680 = arith.constant 0 : i32
      %dma_wait3A_681 = tpu.memref_slice %arg9[%dma_wait3A_679, %dma_wait3A_680] : memref<25x80xi32, #tpu.memory_space<vmem>> -> memref<1x80xi32, #tpu.memory_space<vmem>>
      %dma_wait3A_682 = tpu.memref_squeeze %dma_wait3A_681 : memref<1x80xi32, #tpu.memory_space<vmem>> -> memref<80xi32, #tpu.memory_space<vmem>>
      %dma_wait3A_683 = arith.constant 0 : i32
      %dma_wait3A_684 = arith.constant 0 : i32
      %dma_wait3A_685 = tpu.memref_slice %arg7[%dma_wait3A_683, %dma_wait3A_684] : memref<10112x128xf32, #tpu.memory_space<vmem_shared>> -> memref<10112x128xf32, #tpu.memory_space<vmem_shared>>
      tpu.wait_indirect_dma semaphore(%arg19 : memref<!tpu.dma_semaphore, #tpu.memory_space<semaphore_mem>>) src(%arg13 : memref<80x128xf32, #tpu.memory_space<vmem>>) dst(%dma_wait3A_685 : memref<10112x128xf32, #tpu.memory_space<vmem_shared>>)
      %add3A_686 = arith.constant 2 : i32
      %add3A_687 = arith.addi %add3A_676, %add3A_686 : i32
      %mul3A_688 = arith.constant 80 : i32
      %mul3A_689 = arith.muli %add3A_687, %mul3A_688 : i32
      %add3A_690 = arith.constant 0 : i32
      %add3A_691 = arith.addi %mul3A_689, %add3A_690 : i32
      %multiple_of3A_692 = tpu.assume_multiple %add3A_691, 8 : i32
      %dma_start3A_693 = arith.constant 0 : i32
      %dma_start3A_694 = arith.constant 0 : i32
      %dma_start3A_695 = tpu.memref_slice %arg13[%dma_start3A_693, %dma_start3A_694] : memref<80x128xf32, #tpu.memory_space<vmem>> -> memref<40x128xf32, #tpu.memory_space<vmem>>
      %dma_start3A_696 = tpu.memref_slice %arg8[%multiple_of3A_692] : memref<10000xi32, #tpu.memory_space<vmem>> -> memref<40xi32, #tpu.memory_space<vmem>>
      %dma_start3A_697 = arith.constant 0 : i32
      %dma_start3A_698 = arith.constant 0 : i32
      %dma_start3A_699 = tpu.memref_slice %arg2[%dma_start3A_697, %dma_start3A_698] : memref<10000x128xf32, #tpu.memory_space<hbm>> -> memref<10000x128xf32, #tpu.memory_space<hbm>>
      tpu.enqueue_indirect_dma source(%dma_start3A_699 : memref<10000x128xf32, #tpu.memory_space<hbm>>) target(%dma_start3A_695 : memref<40x128xf32, #tpu.memory_space<vmem>>) offsets(%dma_start3A_696 : memref<40xi32, #tpu.memory_space<vmem>>) semaphore(%arg16 : memref<!tpu.dma_semaphore, #tpu.memory_space<semaphore_mem>>)
      %mul3A_700 = arith.constant 80 : i32
      %mul3A_701 = arith.muli %add3A_687, %mul3A_700 : i32
      %add3A_702 = arith.constant 40 : i32
      %add3A_703 = arith.addi %mul3A_701, %add3A_702 : i32
      %multiple_of3A_704 = tpu.assume_multiple %add3A_703, 8 : i32
      %dma_start3A_705 = arith.constant 40 : i32
      %dma_start3A_706 = arith.constant 0 : i32
      %dma_start3A_707 = tpu.memref_slice %arg13[%dma_start3A_705, %dma_start3A_706] : memref<80x128xf32, #tpu.memory_space<vmem>> -> memref<40x128xf32, #tpu.memory_space<vmem>>
      %dma_start3A_708 = tpu.memref_slice %arg8[%multiple_of3A_704] : memref<10000xi32, #tpu.memory_space<vmem>> -> memref<40xi32, #tpu.memory_space<vmem>>
      %dma_start3A_709 = arith.constant 0 : i32
      %dma_start3A_710 = arith.constant 0 : i32
      %dma_start3A_711 = tpu.memref_slice %arg2[%dma_start3A_709, %dma_start3A_710] : memref<10000x128xf32, #tpu.memory_space<hbm>> -> memref<10000x128xf32, #tpu.memory_space<hbm>>
      tpu.enqueue_indirect_dma source(%dma_start3A_711 : memref<10000x128xf32, #tpu.memory_space<hbm>>) target(%dma_start3A_707 : memref<40x128xf32, #tpu.memory_space<vmem>>) offsets(%dma_start3A_708 : memref<40xi32, #tpu.memory_space<vmem>>) semaphore(%arg16 : memref<!tpu.dma_semaphore, #tpu.memory_space<semaphore_mem>>)
      %mul3A_712 = arith.constant 80 : i32
      %mul3A_713 = arith.muli %add3A_676, %mul3A_712 : i32
      %add3A_714 = arith.constant 0 : i32
      %add3A_715 = arith.addi %mul3A_713, %add3A_714 : i32
      %multiple_of3A_716 = tpu.assume_multiple %add3A_715, 8 : i32
      %dma_wait3A_717 = arith.constant 0 : i32
      %dma_wait3A_718 = arith.constant 0 : i32
      %dma_wait3A_719 = tpu.memref_slice %arg11[%dma_wait3A_717, %dma_wait3A_718] : memref<80x128xf32, #tpu.memory_space<vmem>> -> memref<40x128xf32, #tpu.memory_space<vmem>>
      %dma_wait3A_720 = tpu.memref_slice %arg8[%multiple_of3A_716] : memref<10000xi32, #tpu.memory_space<vmem>> -> memref<40xi32, #tpu.memory_space<vmem>>
      %dma_wait3A_721 = arith.constant 0 : i32
      %dma_wait3A_722 = arith.constant 0 : i32
      %dma_wait3A_723 = tpu.memref_slice %arg2[%dma_wait3A_721, %dma_wait3A_722] : memref<10000x128xf32, #tpu.memory_space<hbm>> -> memref<10000x128xf32, #tpu.memory_space<hbm>>
      tpu.wait_indirect_dma semaphore(%arg14 : memref<!tpu.dma_semaphore, #tpu.memory_space<semaphore_mem>>) src(%dma_wait3A_723 : memref<10000x128xf32, #tpu.memory_space<hbm>>) dst(%dma_wait3A_719 : memref<40x128xf32, #tpu.memory_space<vmem>>)
      %mul3A_724 = arith.constant 80 : i32
      %mul3A_725 = arith.muli %add3A_676, %mul3A_724 : i32
      %add3A_726 = arith.constant 40 : i32
      %add3A_727 = arith.addi %mul3A_725, %add3A_726 : i32
      %multiple_of3A_728 = tpu.assume_multiple %add3A_727, 8 : i32
      %dma_wait3A_729 = arith.constant 40 : i32
      %dma_wait3A_730 = arith.constant 0 : i32
      %dma_wait3A_731 = tpu.memref_slice %arg11[%dma_wait3A_729, %dma_wait3A_730] : memref<80x128xf32, #tpu.memory_space<vmem>> -> memref<40x128xf32, #tpu.memory_space<vmem>>
      %dma_wait3A_732 = tpu.memref_slice %arg8[%multiple_of3A_728] : memref<10000xi32, #tpu.memory_space<vmem>> -> memref<40xi32, #tpu.memory_space<vmem>>
      %dma_wait3A_733 = arith.constant 0 : i32
      %dma_wait3A_734 = arith.constant 0 : i32
      %dma_wait3A_735 = tpu.memref_slice %arg2[%dma_wait3A_733, %dma_wait3A_734] : memref<10000x128xf32, #tpu.memory_space<hbm>> -> memref<10000x128xf32, #tpu.memory_space<hbm>>
      tpu.wait_indirect_dma semaphore(%arg14 : memref<!tpu.dma_semaphore, #tpu.memory_space<semaphore_mem>>) src(%dma_wait3A_735 : memref<10000x128xf32, #tpu.memory_space<hbm>>) dst(%dma_wait3A_731 : memref<40x128xf32, #tpu.memory_space<vmem>>)
      %dma_start3A_736 = arith.constant 0 : i32
      %dma_start3A_737 = tpu.memref_slice %arg9[%add3A_678, %dma_start3A_736] : memref<25x80xi32, #tpu.memory_space<vmem>> -> memref<1x80xi32, #tpu.memory_space<vmem>>
      %dma_start3A_738 = tpu.memref_squeeze %dma_start3A_737 : memref<1x80xi32, #tpu.memory_space<vmem>> -> memref<80xi32, #tpu.memory_space<vmem>>
      %dma_start3A_739 = arith.constant 0 : i32
      %dma_start3A_740 = arith.constant 0 : i32
      %dma_start3A_741 = tpu.memref_slice %arg7[%dma_start3A_739, %dma_start3A_740] : memref<10112x128xf32, #tpu.memory_space<vmem_shared>> -> memref<10112x128xf32, #tpu.memory_space<vmem_shared>>
      tpu.enqueue_indirect_dma source(%arg11 : memref<80x128xf32, #tpu.memory_space<vmem>>) target(%dma_start3A_741 : memref<10112x128xf32, #tpu.memory_space<vmem_shared>>) offsets(%dma_start3A_738 : memref<80xi32, #tpu.memory_space<vmem>>) semaphore(%arg17 : memref<!tpu.dma_semaphore, #tpu.memory_space<semaphore_mem>>) {add = true}
    }
    %scan3A_124 = arith.constant 8 : i32
    %dma_wait3A_125 = arith.constant 1 : i32
    %dma_wait3A_126 = arith.constant 0 : i32
    %dma_wait3A_127 = arith.constant 0 : i32
    %dma_wait3A_128 = tpu.memref_slice %arg4[%add3A, %dma_wait3A_125, %dma_wait3A_126, %dma_wait3A_127] : memref<32x5x25x80xi32, #tpu.memory_space<hbm>> -> memref<1x1x25x80xi32, #tpu.memory_space<hbm>>
    %dma_wait3A_129 = tpu.memref_squeeze %dma_wait3A_128 : memref<1x1x25x80xi32, #tpu.memory_space<hbm>> -> memref<25x80xi32, #tpu.memory_space<hbm>>
    %dma_wait3A_130 = arith.constant 0 : i32
    %dma_wait3A_131 = arith.constant 0 : i32
    %dma_wait3A_132 = tpu.memref_slice %arg4[%add3A, %dma_wait3A_125, %dma_wait3A_130, %dma_wait3A_131] : memref<32x5x25x80xi32, #tpu.memory_space<hbm>> -> memref<1x1x25x80xi32, #tpu.memory_space<hbm>>
    %dma_wait3A_133 = tpu.memref_squeeze %dma_wait3A_132 : memref<1x1x25x80xi32, #tpu.memory_space<hbm>> -> memref<25x80xi32, #tpu.memory_space<hbm>>
    tpu.wait_dma2 semaphore(%arg20 : memref<!tpu.dma_semaphore, #tpu.memory_space<semaphore_mem>>) src(%dma_wait3A_133 : memref<25x80xi32, #tpu.memory_space<hbm>>) dst(%arg10 : memref<25x80xi32, #tpu.memory_space<vmem>>)
    %dma_wait3A_134 = arith.constant 0 : i32
    %dma_wait3A_135 = arith.constant 0 : i32
    %dma_wait3A_136 = tpu.memref_slice %arg10[%dma_wait3A_134, %dma_wait3A_135] : memref<25x80xi32, #tpu.memory_space<vmem>> -> memref<1x80xi32, #tpu.memory_space<vmem>>
    %dma_wait3A_137 = tpu.memref_squeeze %dma_wait3A_136 : memref<1x80xi32, #tpu.memory_space<vmem>> -> memref<80xi32, #tpu.memory_space<vmem>>
    %dma_wait3A_138 = arith.constant 0 : i32
    %dma_wait3A_139 = arith.constant 0 : i32
    %dma_wait3A_140 = tpu.memref_slice %arg7[%dma_wait3A_138, %dma_wait3A_139] : memref<10112x128xf32, #tpu.memory_space<vmem_shared>> -> memref<10112x128xf32, #tpu.memory_space<vmem_shared>>
    tpu.wait_indirect_dma semaphore(%arg17 : memref<!tpu.dma_semaphore, #tpu.memory_space<semaphore_mem>>) src(%arg11 : memref<80x128xf32, #tpu.memory_space<vmem>>) dst(%dma_wait3A_140 : memref<10112x128xf32, #tpu.memory_space<vmem_shared>>)
    %multiple_of3A_141 = arith.constant 2160 : i32
    %multiple_of3A_142 = tpu.assume_multiple %multiple_of3A_141, 8 : i32
    %dma_start3A_143 = arith.constant 0 : i32
    %dma_start3A_144 = arith.constant 0 : i32
    %dma_start3A_145 = tpu.memref_slice %arg11[%dma_start3A_143, %dma_start3A_144] : memref<80x128xf32, #tpu.memory_space<vmem>> -> memref<40x128xf32, #tpu.memory_space<vmem>>
    %dma_start3A_146 = tpu.memref_slice %arg8[%multiple_of3A_142] : memref<10000xi32, #tpu.memory_space<vmem>> -> memref<40xi32, #tpu.memory_space<vmem>>
    %dma_start3A_147 = arith.constant 0 : i32
    %dma_start3A_148 = arith.constant 0 : i32
    %dma_start3A_149 = tpu.memref_slice %arg2[%dma_start3A_147, %dma_start3A_148] : memref<10000x128xf32, #tpu.memory_space<hbm>> -> memref<10000x128xf32, #tpu.memory_space<hbm>>
    tpu.enqueue_indirect_dma source(%dma_start3A_149 : memref<10000x128xf32, #tpu.memory_space<hbm>>) target(%dma_start3A_145 : memref<40x128xf32, #tpu.memory_space<vmem>>) offsets(%dma_start3A_146 : memref<40xi32, #tpu.memory_space<vmem>>) semaphore(%arg14 : memref<!tpu.dma_semaphore, #tpu.memory_space<semaphore_mem>>)
    %multiple_of3A_150 = arith.constant 2200 : i32
    %multiple_of3A_151 = tpu.assume_multiple %multiple_of3A_150, 8 : i32
    %dma_start3A_152 = arith.constant 40 : i32
    %dma_start3A_153 = arith.constant 0 : i32
    %dma_start3A_154 = tpu.memref_slice %arg11[%dma_start3A_152, %dma_start3A_153] : memref<80x128xf32, #tpu.memory_space<vmem>> -> memref<40x128xf32, #tpu.memory_space<vmem>>
    %dma_start3A_155 = tpu.memref_slice %arg8[%multiple_of3A_151] : memref<10000xi32, #tpu.memory_space<vmem>> -> memref<40xi32, #tpu.memory_space<vmem>>
    %dma_start3A_156 = arith.constant 0 : i32
    %dma_start3A_157 = arith.constant 0 : i32
    %dma_start3A_158 = tpu.memref_slice %arg2[%dma_start3A_156, %dma_start3A_157] : memref<10000x128xf32, #tpu.memory_space<hbm>> -> memref<10000x128xf32, #tpu.memory_space<hbm>>
    tpu.enqueue_indirect_dma source(%dma_start3A_158 : memref<10000x128xf32, #tpu.memory_space<hbm>>) target(%dma_start3A_154 : memref<40x128xf32, #tpu.memory_space<vmem>>) offsets(%dma_start3A_155 : memref<40xi32, #tpu.memory_space<vmem>>) semaphore(%arg14 : memref<!tpu.dma_semaphore, #tpu.memory_space<semaphore_mem>>)
    %multiple_of3A_159 = arith.constant 2000 : i32
    %multiple_of3A_160 = tpu.assume_multiple %multiple_of3A_159, 8 : i32
    %dma_wait3A_161 = arith.constant 0 : i32
    %dma_wait3A_162 = arith.constant 0 : i32
    %dma_wait3A_163 = tpu.memref_slice %arg12[%dma_wait3A_161, %dma_wait3A_162] : memref<80x128xf32, #tpu.memory_space<vmem>> -> memref<40x128xf32, #tpu.memory_space<vmem>>
    %dma_wait3A_164 = tpu.memref_slice %arg8[%multiple_of3A_160] : memref<10000xi32, #tpu.memory_space<vmem>> -> memref<40xi32, #tpu.memory_space<vmem>>
    %dma_wait3A_165 = arith.constant 0 : i32
    %dma_wait3A_166 = arith.constant 0 : i32
    %dma_wait3A_167 = tpu.memref_slice %arg2[%dma_wait3A_165, %dma_wait3A_166] : memref<10000x128xf32, #tpu.memory_space<hbm>> -> memref<10000x128xf32, #tpu.memory_space<hbm>>
    tpu.wait_indirect_dma semaphore(%arg15 : memref<!tpu.dma_semaphore, #tpu.memory_space<semaphore_mem>>) src(%dma_wait3A_167 : memref<10000x128xf32, #tpu.memory_space<hbm>>) dst(%dma_wait3A_163 : memref<40x128xf32, #tpu.memory_space<vmem>>)
    %multiple_of3A_168 = arith.constant 2040 : i32
    %multiple_of3A_169 = tpu.assume_multiple %multiple_of3A_168, 8 : i32
    %dma_wait3A_170 = arith.constant 40 : i32
    %dma_wait3A_171 = arith.constant 0 : i32
    %dma_wait3A_172 = tpu.memref_slice %arg12[%dma_wait3A_170, %dma_wait3A_171] : memref<80x128xf32, #tpu.memory_space<vmem>> -> memref<40x128xf32, #tpu.memory_space<vmem>>
    %dma_wait3A_173 = tpu.memref_slice %arg8[%multiple_of3A_169] : memref<10000xi32, #tpu.memory_space<vmem>> -> memref<40xi32, #tpu.memory_space<vmem>>
    %dma_wait3A_174 = arith.constant 0 : i32
    %dma_wait3A_175 = arith.constant 0 : i32
    %dma_wait3A_176 = tpu.memref_slice %arg2[%dma_wait3A_174, %dma_wait3A_175] : memref<10000x128xf32, #tpu.memory_space<hbm>> -> memref<10000x128xf32, #tpu.memory_space<hbm>>
    tpu.wait_indirect_dma semaphore(%arg15 : memref<!tpu.dma_semaphore, #tpu.memory_space<semaphore_mem>>) src(%dma_wait3A_176 : memref<10000x128xf32, #tpu.memory_space<hbm>>) dst(%dma_wait3A_172 : memref<40x128xf32, #tpu.memory_space<vmem>>)
    %dma_start3A_177 = arith.constant 0 : i32
    %dma_start3A_178 = arith.constant 0 : i32
    %dma_start3A_179 = tpu.memref_slice %arg10[%dma_start3A_177, %dma_start3A_178] : memref<25x80xi32, #tpu.memory_space<vmem>> -> memref<1x80xi32, #tpu.memory_space<vmem>>
    %dma_start3A_180 = tpu.memref_squeeze %dma_start3A_179 : memref<1x80xi32, #tpu.memory_space<vmem>> -> memref<80xi32, #tpu.memory_space<vmem>>
    %dma_start3A_181 = arith.constant 0 : i32
    %dma_start3A_182 = arith.constant 0 : i32
    %dma_start3A_183 = tpu.memref_slice %arg7[%dma_start3A_181, %dma_start3A_182] : memref<10112x128xf32, #tpu.memory_space<vmem_shared>> -> memref<10112x128xf32, #tpu.memory_space<vmem_shared>>
    tpu.enqueue_indirect_dma source(%arg12 : memref<80x128xf32, #tpu.memory_space<vmem>>) target(%dma_start3A_183 : memref<10112x128xf32, #tpu.memory_space<vmem_shared>>) offsets(%dma_start3A_180 : memref<80xi32, #tpu.memory_space<vmem>>) semaphore(%arg18 : memref<!tpu.dma_semaphore, #tpu.memory_space<semaphore_mem>>) {add = true}
    %dma_start3A_184 = arith.constant 2 : i32
    %dma_start3A_185 = arith.constant 0 : i32
    %dma_start3A_186 = arith.constant 0 : i32
    %dma_start3A_187 = tpu.memref_slice %arg4[%add3A, %dma_start3A_184, %dma_start3A_185, %dma_start3A_186] : memref<32x5x25x80xi32, #tpu.memory_space<hbm>> -> memref<1x1x25x80xi32, #tpu.memory_space<hbm>>
    %dma_start3A_188 = tpu.memref_squeeze %dma_start3A_187 : memref<1x1x25x80xi32, #tpu.memory_space<hbm>> -> memref<25x80xi32, #tpu.memory_space<hbm>>
    %dma_start3A_189 = arith.constant 0 : i32
    %dma_start3A_190 = arith.constant 0 : i32
    %dma_start3A_191 = tpu.memref_slice %arg4[%add3A, %dma_start3A_184, %dma_start3A_189, %dma_start3A_190] : memref<32x5x25x80xi32, #tpu.memory_space<hbm>> -> memref<1x1x25x80xi32, #tpu.memory_space<hbm>>
    %dma_start3A_192 = tpu.memref_squeeze %dma_start3A_191 : memref<1x1x25x80xi32, #tpu.memory_space<hbm>> -> memref<25x80xi32, #tpu.memory_space<hbm>>
    tpu.enqueue_dma source(%dma_start3A_192 : memref<25x80xi32, #tpu.memory_space<hbm>>) target(%arg9 : memref<25x80xi32, #tpu.memory_space<vmem>>) target_semaphore(%arg20 : memref<!tpu.dma_semaphore, #tpu.memory_space<semaphore_mem>>)
    %scan3A_193 = arith.constant 0 : i32
    %scan3A_194 = arith.constant 0 : i32
    %scan3A_195 = arith.constant 8 : i32
    %scan3A_196 = arith.addi %scan3A_194, %scan3A_195 : i32
    %scan3A_197 = arith.constant 1 : i32
    scf.for %scan3A_534 = %scan3A_194 to %scan3A_196 step %scan3A_197  : i32 {
      %mul3A_535 = arith.constant 3 : i32
      %mul3A_536 = arith.muli %mul3A_535, %scan3A_534 : i32
      %add3A_537 = arith.constant 1 : i32
      %add3A_538 = arith.addi %mul3A_536, %add3A_537 : i32
      %add3A_539 = arith.constant 25 : i32
      %add3A_540 = arith.addi %add3A_539, %add3A_538 : i32
      %dma_wait3A_541 = arith.constant 0 : i32
      %dma_wait3A_542 = arith.constant 0 : i32
      %dma_wait3A_543 = tpu.memref_slice %arg10[%dma_wait3A_541, %dma_wait3A_542] : memref<25x80xi32, #tpu.memory_space<vmem>> -> memref<1x80xi32, #tpu.memory_space<vmem>>
      %dma_wait3A_544 = tpu.memref_squeeze %dma_wait3A_543 : memref<1x80xi32, #tpu.memory_space<vmem>> -> memref<80xi32, #tpu.memory_space<vmem>>
      %dma_wait3A_545 = arith.constant 0 : i32
      %dma_wait3A_546 = arith.constant 0 : i32
      %dma_wait3A_547 = tpu.memref_slice %arg7[%dma_wait3A_545, %dma_wait3A_546] : memref<10112x128xf32, #tpu.memory_space<vmem_shared>> -> memref<10112x128xf32, #tpu.memory_space<vmem_shared>>
      tpu.wait_indirect_dma semaphore(%arg18 : memref<!tpu.dma_semaphore, #tpu.memory_space<semaphore_mem>>) src(%arg12 : memref<80x128xf32, #tpu.memory_space<vmem>>) dst(%dma_wait3A_547 : memref<10112x128xf32, #tpu.memory_space<vmem_shared>>)
      %add3A_548 = arith.constant 2 : i32
      %add3A_549 = arith.addi %add3A_540, %add3A_548 : i32
      %mul3A_550 = arith.constant 80 : i32
      %mul3A_551 = arith.muli %add3A_549, %mul3A_550 : i32
      %add3A_552 = arith.constant 0 : i32
      %add3A_553 = arith.addi %mul3A_551, %add3A_552 : i32
      %multiple_of3A_554 = tpu.assume_multiple %add3A_553, 8 : i32
      %dma_start3A_555 = arith.constant 0 : i32
      %dma_start3A_556 = arith.constant 0 : i32
      %dma_start3A_557 = tpu.memref_slice %arg12[%dma_start3A_555, %dma_start3A_556] : memref<80x128xf32, #tpu.memory_space<vmem>> -> memref<40x128xf32, #tpu.memory_space<vmem>>
      %dma_start3A_558 = tpu.memref_slice %arg8[%multiple_of3A_554] : memref<10000xi32, #tpu.memory_space<vmem>> -> memref<40xi32, #tpu.memory_space<vmem>>
      %dma_start3A_559 = arith.constant 0 : i32
      %dma_start3A_560 = arith.constant 0 : i32
      %dma_start3A_561 = tpu.memref_slice %arg2[%dma_start3A_559, %dma_start3A_560] : memref<10000x128xf32, #tpu.memory_space<hbm>> -> memref<10000x128xf32, #tpu.memory_space<hbm>>
      tpu.enqueue_indirect_dma source(%dma_start3A_561 : memref<10000x128xf32, #tpu.memory_space<hbm>>) target(%dma_start3A_557 : memref<40x128xf32, #tpu.memory_space<vmem>>) offsets(%dma_start3A_558 : memref<40xi32, #tpu.memory_space<vmem>>) semaphore(%arg15 : memref<!tpu.dma_semaphore, #tpu.memory_space<semaphore_mem>>)
      %mul3A_562 = arith.constant 80 : i32
      %mul3A_563 = arith.muli %add3A_549, %mul3A_562 : i32
      %add3A_564 = arith.constant 40 : i32
      %add3A_565 = arith.addi %mul3A_563, %add3A_564 : i32
      %multiple_of3A_566 = tpu.assume_multiple %add3A_565, 8 : i32
      %dma_start3A_567 = arith.constant 40 : i32
      %dma_start3A_568 = arith.constant 0 : i32
      %dma_start3A_569 = tpu.memref_slice %arg12[%dma_start3A_567, %dma_start3A_568] : memref<80x128xf32, #tpu.memory_space<vmem>> -> memref<40x128xf32, #tpu.memory_space<vmem>>
      %dma_start3A_570 = tpu.memref_slice %arg8[%multiple_of3A_566] : memref<10000xi32, #tpu.memory_space<vmem>> -> memref<40xi32, #tpu.memory_space<vmem>>
      %dma_start3A_571 = arith.constant 0 : i32
      %dma_start3A_572 = arith.constant 0 : i32
      %dma_start3A_573 = tpu.memref_slice %arg2[%dma_start3A_571, %dma_start3A_572] : memref<10000x128xf32, #tpu.memory_space<hbm>> -> memref<10000x128xf32, #tpu.memory_space<hbm>>
      tpu.enqueue_indirect_dma source(%dma_start3A_573 : memref<10000x128xf32, #tpu.memory_space<hbm>>) target(%dma_start3A_569 : memref<40x128xf32, #tpu.memory_space<vmem>>) offsets(%dma_start3A_570 : memref<40xi32, #tpu.memory_space<vmem>>) semaphore(%arg15 : memref<!tpu.dma_semaphore, #tpu.memory_space<semaphore_mem>>)
      %mul3A_574 = arith.constant 80 : i32
      %mul3A_575 = arith.muli %add3A_540, %mul3A_574 : i32
      %add3A_576 = arith.constant 0 : i32
      %add3A_577 = arith.addi %mul3A_575, %add3A_576 : i32
      %multiple_of3A_578 = tpu.assume_multiple %add3A_577, 8 : i32
      %dma_wait3A_579 = arith.constant 0 : i32
      %dma_wait3A_580 = arith.constant 0 : i32
      %dma_wait3A_581 = tpu.memref_slice %arg13[%dma_wait3A_579, %dma_wait3A_580] : memref<80x128xf32, #tpu.memory_space<vmem>> -> memref<40x128xf32, #tpu.memory_space<vmem>>
      %dma_wait3A_582 = tpu.memref_slice %arg8[%multiple_of3A_578] : memref<10000xi32, #tpu.memory_space<vmem>> -> memref<40xi32, #tpu.memory_space<vmem>>
      %dma_wait3A_583 = arith.constant 0 : i32
      %dma_wait3A_584 = arith.constant 0 : i32
      %dma_wait3A_585 = tpu.memref_slice %arg2[%dma_wait3A_583, %dma_wait3A_584] : memref<10000x128xf32, #tpu.memory_space<hbm>> -> memref<10000x128xf32, #tpu.memory_space<hbm>>
      tpu.wait_indirect_dma semaphore(%arg16 : memref<!tpu.dma_semaphore, #tpu.memory_space<semaphore_mem>>) src(%dma_wait3A_585 : memref<10000x128xf32, #tpu.memory_space<hbm>>) dst(%dma_wait3A_581 : memref<40x128xf32, #tpu.memory_space<vmem>>)
      %mul3A_586 = arith.constant 80 : i32
      %mul3A_587 = arith.muli %add3A_540, %mul3A_586 : i32
      %add3A_588 = arith.constant 40 : i32
      %add3A_589 = arith.addi %mul3A_587, %add3A_588 : i32
      %multiple_of3A_590 = tpu.assume_multiple %add3A_589, 8 : i32
      %dma_wait3A_591 = arith.constant 40 : i32
      %dma_wait3A_592 = arith.constant 0 : i32
      %dma_wait3A_593 = tpu.memref_slice %arg13[%dma_wait3A_591, %dma_wait3A_592] : memref<80x128xf32, #tpu.memory_space<vmem>> -> memref<40x128xf32, #tpu.memory_space<vmem>>
      %dma_wait3A_594 = tpu.memref_slice %arg8[%multiple_of3A_590] : memref<10000xi32, #tpu.memory_space<vmem>> -> memref<40xi32, #tpu.memory_space<vmem>>
      %dma_wait3A_595 = arith.constant 0 : i32
      %dma_wait3A_596 = arith.constant 0 : i32
      %dma_wait3A_597 = tpu.memref_slice %arg2[%dma_wait3A_595, %dma_wait3A_596] : memref<10000x128xf32, #tpu.memory_space<hbm>> -> memref<10000x128xf32, #tpu.memory_space<hbm>>
      tpu.wait_indirect_dma semaphore(%arg16 : memref<!tpu.dma_semaphore, #tpu.memory_space<semaphore_mem>>) src(%dma_wait3A_597 : memref<10000x128xf32, #tpu.memory_space<hbm>>) dst(%dma_wait3A_593 : memref<40x128xf32, #tpu.memory_space<vmem>>)
      %dma_start3A_598 = arith.constant 0 : i32
      %dma_start3A_599 = tpu.memref_slice %arg10[%add3A_538, %dma_start3A_598] : memref<25x80xi32, #tpu.memory_space<vmem>> -> memref<1x80xi32, #tpu.memory_space<vmem>>
      %dma_start3A_600 = tpu.memref_squeeze %dma_start3A_599 : memref<1x80xi32, #tpu.memory_space<vmem>> -> memref<80xi32, #tpu.memory_space<vmem>>
      %dma_start3A_601 = arith.constant 0 : i32
      %dma_start3A_602 = arith.constant 0 : i32
      %dma_start3A_603 = tpu.memref_slice %arg7[%dma_start3A_601, %dma_start3A_602] : memref<10112x128xf32, #tpu.memory_space<vmem_shared>> -> memref<10112x128xf32, #tpu.memory_space<vmem_shared>>
      tpu.enqueue_indirect_dma source(%arg13 : memref<80x128xf32, #tpu.memory_space<vmem>>) target(%dma_start3A_603 : memref<10112x128xf32, #tpu.memory_space<vmem_shared>>) offsets(%dma_start3A_600 : memref<80xi32, #tpu.memory_space<vmem>>) semaphore(%arg19 : memref<!tpu.dma_semaphore, #tpu.memory_space<semaphore_mem>>) {add = true}
      %add3A_604 = arith.constant 25 : i32
      %add3A_605 = arith.addi %add3A_604, %add3A_538 : i32
      %add3A_606 = arith.constant 1 : i32
      %add3A_607 = arith.addi %add3A_605, %add3A_606 : i32
      %add3A_608 = arith.constant 1 : i32
      %add3A_609 = arith.addi %add3A_538, %add3A_608 : i32
      %dma_wait3A_610 = arith.constant 0 : i32
      %dma_wait3A_611 = arith.constant 0 : i32
      %dma_wait3A_612 = tpu.memref_slice %arg10[%dma_wait3A_610, %dma_wait3A_611] : memref<25x80xi32, #tpu.memory_space<vmem>> -> memref<1x80xi32, #tpu.memory_space<vmem>>
      %dma_wait3A_613 = tpu.memref_squeeze %dma_wait3A_612 : memref<1x80xi32, #tpu.memory_space<vmem>> -> memref<80xi32, #tpu.memory_space<vmem>>
      %dma_wait3A_614 = arith.constant 0 : i32
      %dma_wait3A_615 = arith.constant 0 : i32
      %dma_wait3A_616 = tpu.memref_slice %arg7[%dma_wait3A_614, %dma_wait3A_615] : memref<10112x128xf32, #tpu.memory_space<vmem_shared>> -> memref<10112x128xf32, #tpu.memory_space<vmem_shared>>
      tpu.wait_indirect_dma semaphore(%arg19 : memref<!tpu.dma_semaphore, #tpu.memory_space<semaphore_mem>>) src(%arg13 : memref<80x128xf32, #tpu.memory_space<vmem>>) dst(%dma_wait3A_616 : memref<10112x128xf32, #tpu.memory_space<vmem_shared>>)
      %add3A_617 = arith.constant 2 : i32
      %add3A_618 = arith.addi %add3A_607, %add3A_617 : i32
      %mul3A_619 = arith.constant 80 : i32
      %mul3A_620 = arith.muli %add3A_618, %mul3A_619 : i32
      %add3A_621 = arith.constant 0 : i32
      %add3A_622 = arith.addi %mul3A_620, %add3A_621 : i32
      %multiple_of3A_623 = tpu.assume_multiple %add3A_622, 8 : i32
      %dma_start3A_624 = arith.constant 0 : i32
      %dma_start3A_625 = arith.constant 0 : i32
      %dma_start3A_626 = tpu.memref_slice %arg13[%dma_start3A_624, %dma_start3A_625] : memref<80x128xf32, #tpu.memory_space<vmem>> -> memref<40x128xf32, #tpu.memory_space<vmem>>
      %dma_start3A_627 = tpu.memref_slice %arg8[%multiple_of3A_623] : memref<10000xi32, #tpu.memory_space<vmem>> -> memref<40xi32, #tpu.memory_space<vmem>>
      %dma_start3A_628 = arith.constant 0 : i32
      %dma_start3A_629 = arith.constant 0 : i32
      %dma_start3A_630 = tpu.memref_slice %arg2[%dma_start3A_628, %dma_start3A_629] : memref<10000x128xf32, #tpu.memory_space<hbm>> -> memref<10000x128xf32, #tpu.memory_space<hbm>>
      tpu.enqueue_indirect_dma source(%dma_start3A_630 : memref<10000x128xf32, #tpu.memory_space<hbm>>) target(%dma_start3A_626 : memref<40x128xf32, #tpu.memory_space<vmem>>) offsets(%dma_start3A_627 : memref<40xi32, #tpu.memory_space<vmem>>) semaphore(%arg16 : memref<!tpu.dma_semaphore, #tpu.memory_space<semaphore_mem>>)
      %mul3A_631 = arith.constant 80 : i32
      %mul3A_632 = arith.muli %add3A_618, %mul3A_631 : i32
      %add3A_633 = arith.constant 40 : i32
      %add3A_634 = arith.addi %mul3A_632, %add3A_633 : i32
      %multiple_of3A_635 = tpu.assume_multiple %add3A_634, 8 : i32
      %dma_start3A_636 = arith.constant 40 : i32
      %dma_start3A_637 = arith.constant 0 : i32
      %dma_start3A_638 = tpu.memref_slice %arg13[%dma_start3A_636, %dma_start3A_637] : memref<80x128xf32, #tpu.memory_space<vmem>> -> memref<40x128xf32, #tpu.memory_space<vmem>>
      %dma_start3A_639 = tpu.memref_slice %arg8[%multiple_of3A_635] : memref<10000xi32, #tpu.memory_space<vmem>> -> memref<40xi32, #tpu.memory_space<vmem>>
      %dma_start3A_640 = arith.constant 0 : i32
      %dma_start3A_641 = arith.constant 0 : i32
      %dma_start3A_642 = tpu.memref_slice %arg2[%dma_start3A_640, %dma_start3A_641] : memref<10000x128xf32, #tpu.memory_space<hbm>> -> memref<10000x128xf32, #tpu.memory_space<hbm>>
      tpu.enqueue_indirect_dma source(%dma_start3A_642 : memref<10000x128xf32, #tpu.memory_space<hbm>>) target(%dma_start3A_638 : memref<40x128xf32, #tpu.memory_space<vmem>>) offsets(%dma_start3A_639 : memref<40xi32, #tpu.memory_space<vmem>>) semaphore(%arg16 : memref<!tpu.dma_semaphore, #tpu.memory_space<semaphore_mem>>)
      %mul3A_643 = arith.constant 80 : i32
      %mul3A_644 = arith.muli %add3A_607, %mul3A_643 : i32
      %add3A_645 = arith.constant 0 : i32
      %add3A_646 = arith.addi %mul3A_644, %add3A_645 : i32
      %multiple_of3A_647 = tpu.assume_multiple %add3A_646, 8 : i32
      %dma_wait3A_648 = arith.constant 0 : i32
      %dma_wait3A_649 = arith.constant 0 : i32
      %dma_wait3A_650 = tpu.memref_slice %arg11[%dma_wait3A_648, %dma_wait3A_649] : memref<80x128xf32, #tpu.memory_space<vmem>> -> memref<40x128xf32, #tpu.memory_space<vmem>>
      %dma_wait3A_651 = tpu.memref_slice %arg8[%multiple_of3A_647] : memref<10000xi32, #tpu.memory_space<vmem>> -> memref<40xi32, #tpu.memory_space<vmem>>
      %dma_wait3A_652 = arith.constant 0 : i32
      %dma_wait3A_653 = arith.constant 0 : i32
      %dma_wait3A_654 = tpu.memref_slice %arg2[%dma_wait3A_652, %dma_wait3A_653] : memref<10000x128xf32, #tpu.memory_space<hbm>> -> memref<10000x128xf32, #tpu.memory_space<hbm>>
      tpu.wait_indirect_dma semaphore(%arg14 : memref<!tpu.dma_semaphore, #tpu.memory_space<semaphore_mem>>) src(%dma_wait3A_654 : memref<10000x128xf32, #tpu.memory_space<hbm>>) dst(%dma_wait3A_650 : memref<40x128xf32, #tpu.memory_space<vmem>>)
      %mul3A_655 = arith.constant 80 : i32
      %mul3A_656 = arith.muli %add3A_607, %mul3A_655 : i32
      %add3A_657 = arith.constant 40 : i32
      %add3A_658 = arith.addi %mul3A_656, %add3A_657 : i32
      %multiple_of3A_659 = tpu.assume_multiple %add3A_658, 8 : i32
      %dma_wait3A_660 = arith.constant 40 : i32
      %dma_wait3A_661 = arith.constant 0 : i32
      %dma_wait3A_662 = tpu.memref_slice %arg11[%dma_wait3A_660, %dma_wait3A_661] : memref<80x128xf32, #tpu.memory_space<vmem>> -> memref<40x128xf32, #tpu.memory_space<vmem>>
      %dma_wait3A_663 = tpu.memref_slice %arg8[%multiple_of3A_659] : memref<10000xi32, #tpu.memory_space<vmem>> -> memref<40xi32, #tpu.memory_space<vmem>>
      %dma_wait3A_664 = arith.constant 0 : i32
      %dma_wait3A_665 = arith.constant 0 : i32
      %dma_wait3A_666 = tpu.memref_slice %arg2[%dma_wait3A_664, %dma_wait3A_665] : memref<10000x128xf32, #tpu.memory_space<hbm>> -> memref<10000x128xf32, #tpu.memory_space<hbm>>
      tpu.wait_indirect_dma semaphore(%arg14 : memref<!tpu.dma_semaphore, #tpu.memory_space<semaphore_mem>>) src(%dma_wait3A_666 : memref<10000x128xf32, #tpu.memory_space<hbm>>) dst(%dma_wait3A_662 : memref<40x128xf32, #tpu.memory_space<vmem>>)
      %dma_start3A_667 = arith.constant 0 : i32
      %dma_start3A_668 = tpu.memref_slice %arg10[%add3A_609, %dma_start3A_667] : memref<25x80xi32, #tpu.memory_space<vmem>> -> memref<1x80xi32, #tpu.memory_space<vmem>>
      %dma_start3A_669 = tpu.memref_squeeze %dma_start3A_668 : memref<1x80xi32, #tpu.memory_space<vmem>> -> memref<80xi32, #tpu.memory_space<vmem>>
      %dma_start3A_670 = arith.constant 0 : i32
      %dma_start3A_671 = arith.constant 0 : i32
      %dma_start3A_672 = tpu.memref_slice %arg7[%dma_start3A_670, %dma_start3A_671] : memref<10112x128xf32, #tpu.memory_space<vmem_shared>> -> memref<10112x128xf32, #tpu.memory_space<vmem_shared>>
      tpu.enqueue_indirect_dma source(%arg11 : memref<80x128xf32, #tpu.memory_space<vmem>>) target(%dma_start3A_672 : memref<10112x128xf32, #tpu.memory_space<vmem_shared>>) offsets(%dma_start3A_669 : memref<80xi32, #tpu.memory_space<vmem>>) semaphore(%arg17 : memref<!tpu.dma_semaphore, #tpu.memory_space<semaphore_mem>>) {add = true}
      %add3A_673 = arith.constant 25 : i32
      %add3A_674 = arith.addi %add3A_673, %add3A_538 : i32
      %add3A_675 = arith.constant 2 : i32
      %add3A_676 = arith.addi %add3A_674, %add3A_675 : i32
      %add3A_677 = arith.constant 2 : i32
      %add3A_678 = arith.addi %add3A_538, %add3A_677 : i32
      %dma_wait3A_679 = arith.constant 0 : i32
      %dma_wait3A_680 = arith.constant 0 : i32
      %dma_wait3A_681 = tpu.memref_slice %arg10[%dma_wait3A_679, %dma_wait3A_680] : memref<25x80xi32, #tpu.memory_space<vmem>> -> memref<1x80xi32, #tpu.memory_space<vmem>>
      %dma_wait3A_682 = tpu.memref_squeeze %dma_wait3A_681 : memref<1x80xi32, #tpu.memory_space<vmem>> -> memref<80xi32, #tpu.memory_space<vmem>>
      %dma_wait3A_683 = arith.constant 0 : i32
      %dma_wait3A_684 = arith.constant 0 : i32
      %dma_wait3A_685 = tpu.memref_slice %arg7[%dma_wait3A_683, %dma_wait3A_684] : memref<10112x128xf32, #tpu.memory_space<vmem_shared>> -> memref<10112x128xf32, #tpu.memory_space<vmem_shared>>
      tpu.wait_indirect_dma semaphore(%arg17 : memref<!tpu.dma_semaphore, #tpu.memory_space<semaphore_mem>>) src(%arg11 : memref<80x128xf32, #tpu.memory_space<vmem>>) dst(%dma_wait3A_685 : memref<10112x128xf32, #tpu.memory_space<vmem_shared>>)
      %add3A_686 = arith.constant 2 : i32
      %add3A_687 = arith.addi %add3A_676, %add3A_686 : i32
      %mul3A_688 = arith.constant 80 : i32
      %mul3A_689 = arith.muli %add3A_687, %mul3A_688 : i32
      %add3A_690 = arith.constant 0 : i32
      %add3A_691 = arith.addi %mul3A_689, %add3A_690 : i32
      %multiple_of3A_692 = tpu.assume_multiple %add3A_691, 8 : i32
      %dma_start3A_693 = arith.constant 0 : i32
      %dma_start3A_694 = arith.constant 0 : i32
      %dma_start3A_695 = tpu.memref_slice %arg11[%dma_start3A_693, %dma_start3A_694] : memref<80x128xf32, #tpu.memory_space<vmem>> -> memref<40x128xf32, #tpu.memory_space<vmem>>
      %dma_start3A_696 = tpu.memref_slice %arg8[%multiple_of3A_692] : memref<10000xi32, #tpu.memory_space<vmem>> -> memref<40xi32, #tpu.memory_space<vmem>>
      %dma_start3A_697 = arith.constant 0 : i32
      %dma_start3A_698 = arith.constant 0 : i32
      %dma_start3A_699 = tpu.memref_slice %arg2[%dma_start3A_697, %dma_start3A_698] : memref<10000x128xf32, #tpu.memory_space<hbm>> -> memref<10000x128xf32, #tpu.memory_space<hbm>>
      tpu.enqueue_indirect_dma source(%dma_start3A_699 : memref<10000x128xf32, #tpu.memory_space<hbm>>) target(%dma_start3A_695 : memref<40x128xf32, #tpu.memory_space<vmem>>) offsets(%dma_start3A_696 : memref<40xi32, #tpu.memory_space<vmem>>) semaphore(%arg14 : memref<!tpu.dma_semaphore, #tpu.memory_space<semaphore_mem>>)
      %mul3A_700 = arith.constant 80 : i32
      %mul3A_701 = arith.muli %add3A_687, %mul3A_700 : i32
      %add3A_702 = arith.constant 40 : i32
      %add3A_703 = arith.addi %mul3A_701, %add3A_702 : i32
      %multiple_of3A_704 = tpu.assume_multiple %add3A_703, 8 : i32
      %dma_start3A_705 = arith.constant 40 : i32
      %dma_start3A_706 = arith.constant 0 : i32
      %dma_start3A_707 = tpu.memref_slice %arg11[%dma_start3A_705, %dma_start3A_706] : memref<80x128xf32, #tpu.memory_space<vmem>> -> memref<40x128xf32, #tpu.memory_space<vmem>>
      %dma_start3A_708 = tpu.memref_slice %arg8[%multiple_of3A_704] : memref<10000xi32, #tpu.memory_space<vmem>> -> memref<40xi32, #tpu.memory_space<vmem>>
      %dma_start3A_709 = arith.constant 0 : i32
      %dma_start3A_710 = arith.constant 0 : i32
      %dma_start3A_711 = tpu.memref_slice %arg2[%dma_start3A_709, %dma_start3A_710] : memref<10000x128xf32, #tpu.memory_space<hbm>> -> memref<10000x128xf32, #tpu.memory_space<hbm>>
      tpu.enqueue_indirect_dma source(%dma_start3A_711 : memref<10000x128xf32, #tpu.memory_space<hbm>>) target(%dma_start3A_707 : memref<40x128xf32, #tpu.memory_space<vmem>>) offsets(%dma_start3A_708 : memref<40xi32, #tpu.memory_space<vmem>>) semaphore(%arg14 : memref<!tpu.dma_semaphore, #tpu.memory_space<semaphore_mem>>)
      %mul3A_712 = arith.constant 80 : i32
      %mul3A_713 = arith.muli %add3A_676, %mul3A_712 : i32
      %add3A_714 = arith.constant 0 : i32
      %add3A_715 = arith.addi %mul3A_713, %add3A_714 : i32
      %multiple_of3A_716 = tpu.assume_multiple %add3A_715, 8 : i32
      %dma_wait3A_717 = arith.constant 0 : i32
      %dma_wait3A_718 = arith.constant 0 : i32
      %dma_wait3A_719 = tpu.memref_slice %arg12[%dma_wait3A_717, %dma_wait3A_718] : memref<80x128xf32, #tpu.memory_space<vmem>> -> memref<40x128xf32, #tpu.memory_space<vmem>>
      %dma_wait3A_720 = tpu.memref_slice %arg8[%multiple_of3A_716] : memref<10000xi32, #tpu.memory_space<vmem>> -> memref<40xi32, #tpu.memory_space<vmem>>
      %dma_wait3A_721 = arith.constant 0 : i32
      %dma_wait3A_722 = arith.constant 0 : i32
      %dma_wait3A_723 = tpu.memref_slice %arg2[%dma_wait3A_721, %dma_wait3A_722] : memref<10000x128xf32, #tpu.memory_space<hbm>> -> memref<10000x128xf32, #tpu.memory_space<hbm>>
      tpu.wait_indirect_dma semaphore(%arg15 : memref<!tpu.dma_semaphore, #tpu.memory_space<semaphore_mem>>) src(%dma_wait3A_723 : memref<10000x128xf32, #tpu.memory_space<hbm>>) dst(%dma_wait3A_719 : memref<40x128xf32, #tpu.memory_space<vmem>>)
      %mul3A_724 = arith.constant 80 : i32
      %mul3A_725 = arith.muli %add3A_676, %mul3A_724 : i32
      %add3A_726 = arith.constant 40 : i32
      %add3A_727 = arith.addi %mul3A_725, %add3A_726 : i32
      %multiple_of3A_728 = tpu.assume_multiple %add3A_727, 8 : i32
      %dma_wait3A_729 = arith.constant 40 : i32
      %dma_wait3A_730 = arith.constant 0 : i32
      %dma_wait3A_731 = tpu.memref_slice %arg12[%dma_wait3A_729, %dma_wait3A_730] : memref<80x128xf32, #tpu.memory_space<vmem>> -> memref<40x128xf32, #tpu.memory_space<vmem>>
      %dma_wait3A_732 = tpu.memref_slice %arg8[%multiple_of3A_728] : memref<10000xi32, #tpu.memory_space<vmem>> -> memref<40xi32, #tpu.memory_space<vmem>>
      %dma_wait3A_733 = arith.constant 0 : i32
      %dma_wait3A_734 = arith.constant 0 : i32
      %dma_wait3A_735 = tpu.memref_slice %arg2[%dma_wait3A_733, %dma_wait3A_734] : memref<10000x128xf32, #tpu.memory_space<hbm>> -> memref<10000x128xf32, #tpu.memory_space<hbm>>
      tpu.wait_indirect_dma semaphore(%arg15 : memref<!tpu.dma_semaphore, #tpu.memory_space<semaphore_mem>>) src(%dma_wait3A_735 : memref<10000x128xf32, #tpu.memory_space<hbm>>) dst(%dma_wait3A_731 : memref<40x128xf32, #tpu.memory_space<vmem>>)
      %dma_start3A_736 = arith.constant 0 : i32
      %dma_start3A_737 = tpu.memref_slice %arg10[%add3A_678, %dma_start3A_736] : memref<25x80xi32, #tpu.memory_space<vmem>> -> memref<1x80xi32, #tpu.memory_space<vmem>>
      %dma_start3A_738 = tpu.memref_squeeze %dma_start3A_737 : memref<1x80xi32, #tpu.memory_space<vmem>> -> memref<80xi32, #tpu.memory_space<vmem>>
      %dma_start3A_739 = arith.constant 0 : i32
      %dma_start3A_740 = arith.constant 0 : i32
      %dma_start3A_741 = tpu.memref_slice %arg7[%dma_start3A_739, %dma_start3A_740] : memref<10112x128xf32, #tpu.memory_space<vmem_shared>> -> memref<10112x128xf32, #tpu.memory_space<vmem_shared>>
      tpu.enqueue_indirect_dma source(%arg12 : memref<80x128xf32, #tpu.memory_space<vmem>>) target(%dma_start3A_741 : memref<10112x128xf32, #tpu.memory_space<vmem_shared>>) offsets(%dma_start3A_738 : memref<80xi32, #tpu.memory_space<vmem>>) semaphore(%arg18 : memref<!tpu.dma_semaphore, #tpu.memory_space<semaphore_mem>>) {add = true}
    }
    %scan3A_198 = arith.constant 8 : i32
    %dma_wait3A_199 = arith.constant 2 : i32
    %dma_wait3A_200 = arith.constant 0 : i32
    %dma_wait3A_201 = arith.constant 0 : i32
    %dma_wait3A_202 = tpu.memref_slice %arg4[%add3A, %dma_wait3A_199, %dma_wait3A_200, %dma_wait3A_201] : memref<32x5x25x80xi32, #tpu.memory_space<hbm>> -> memref<1x1x25x80xi32, #tpu.memory_space<hbm>>
    %dma_wait3A_203 = tpu.memref_squeeze %dma_wait3A_202 : memref<1x1x25x80xi32, #tpu.memory_space<hbm>> -> memref<25x80xi32, #tpu.memory_space<hbm>>
    %dma_wait3A_204 = arith.constant 0 : i32
    %dma_wait3A_205 = arith.constant 0 : i32
    %dma_wait3A_206 = tpu.memref_slice %arg4[%add3A, %dma_wait3A_199, %dma_wait3A_204, %dma_wait3A_205] : memref<32x5x25x80xi32, #tpu.memory_space<hbm>> -> memref<1x1x25x80xi32, #tpu.memory_space<hbm>>
    %dma_wait3A_207 = tpu.memref_squeeze %dma_wait3A_206 : memref<1x1x25x80xi32, #tpu.memory_space<hbm>> -> memref<25x80xi32, #tpu.memory_space<hbm>>
    tpu.wait_dma2 semaphore(%arg20 : memref<!tpu.dma_semaphore, #tpu.memory_space<semaphore_mem>>) src(%dma_wait3A_207 : memref<25x80xi32, #tpu.memory_space<hbm>>) dst(%arg9 : memref<25x80xi32, #tpu.memory_space<vmem>>)
    %dma_wait3A_208 = arith.constant 0 : i32
    %dma_wait3A_209 = arith.constant 0 : i32
    %dma_wait3A_210 = tpu.memref_slice %arg9[%dma_wait3A_208, %dma_wait3A_209] : memref<25x80xi32, #tpu.memory_space<vmem>> -> memref<1x80xi32, #tpu.memory_space<vmem>>
    %dma_wait3A_211 = tpu.memref_squeeze %dma_wait3A_210 : memref<1x80xi32, #tpu.memory_space<vmem>> -> memref<80xi32, #tpu.memory_space<vmem>>
    %dma_wait3A_212 = arith.constant 0 : i32
    %dma_wait3A_213 = arith.constant 0 : i32
    %dma_wait3A_214 = tpu.memref_slice %arg7[%dma_wait3A_212, %dma_wait3A_213] : memref<10112x128xf32, #tpu.memory_space<vmem_shared>> -> memref<10112x128xf32, #tpu.memory_space<vmem_shared>>
    tpu.wait_indirect_dma semaphore(%arg18 : memref<!tpu.dma_semaphore, #tpu.memory_space<semaphore_mem>>) src(%arg12 : memref<80x128xf32, #tpu.memory_space<vmem>>) dst(%dma_wait3A_214 : memref<10112x128xf32, #tpu.memory_space<vmem_shared>>)
    %multiple_of3A_215 = arith.constant 4160 : i32
    %multiple_of3A_216 = tpu.assume_multiple %multiple_of3A_215, 8 : i32
    %dma_start3A_217 = arith.constant 0 : i32
    %dma_start3A_218 = arith.constant 0 : i32
    %dma_start3A_219 = tpu.memref_slice %arg12[%dma_start3A_217, %dma_start3A_218] : memref<80x128xf32, #tpu.memory_space<vmem>> -> memref<40x128xf32, #tpu.memory_space<vmem>>
    %dma_start3A_220 = tpu.memref_slice %arg8[%multiple_of3A_216] : memref<10000xi32, #tpu.memory_space<vmem>> -> memref<40xi32, #tpu.memory_space<vmem>>
    %dma_start3A_221 = arith.constant 0 : i32
    %dma_start3A_222 = arith.constant 0 : i32
    %dma_start3A_223 = tpu.memref_slice %arg2[%dma_start3A_221, %dma_start3A_222] : memref<10000x128xf32, #tpu.memory_space<hbm>> -> memref<10000x128xf32, #tpu.memory_space<hbm>>
    tpu.enqueue_indirect_dma source(%dma_start3A_223 : memref<10000x128xf32, #tpu.memory_space<hbm>>) target(%dma_start3A_219 : memref<40x128xf32, #tpu.memory_space<vmem>>) offsets(%dma_start3A_220 : memref<40xi32, #tpu.memory_space<vmem>>) semaphore(%arg15 : memref<!tpu.dma_semaphore, #tpu.memory_space<semaphore_mem>>)
    %multiple_of3A_224 = arith.constant 4200 : i32
    %multiple_of3A_225 = tpu.assume_multiple %multiple_of3A_224, 8 : i32
    %dma_start3A_226 = arith.constant 40 : i32
    %dma_start3A_227 = arith.constant 0 : i32
    %dma_start3A_228 = tpu.memref_slice %arg12[%dma_start3A_226, %dma_start3A_227] : memref<80x128xf32, #tpu.memory_space<vmem>> -> memref<40x128xf32, #tpu.memory_space<vmem>>
    %dma_start3A_229 = tpu.memref_slice %arg8[%multiple_of3A_225] : memref<10000xi32, #tpu.memory_space<vmem>> -> memref<40xi32, #tpu.memory_space<vmem>>
    %dma_start3A_230 = arith.constant 0 : i32
    %dma_start3A_231 = arith.constant 0 : i32
    %dma_start3A_232 = tpu.memref_slice %arg2[%dma_start3A_230, %dma_start3A_231] : memref<10000x128xf32, #tpu.memory_space<hbm>> -> memref<10000x128xf32, #tpu.memory_space<hbm>>
    tpu.enqueue_indirect_dma source(%dma_start3A_232 : memref<10000x128xf32, #tpu.memory_space<hbm>>) target(%dma_start3A_228 : memref<40x128xf32, #tpu.memory_space<vmem>>) offsets(%dma_start3A_229 : memref<40xi32, #tpu.memory_space<vmem>>) semaphore(%arg15 : memref<!tpu.dma_semaphore, #tpu.memory_space<semaphore_mem>>)
    %multiple_of3A_233 = arith.constant 4000 : i32
    %multiple_of3A_234 = tpu.assume_multiple %multiple_of3A_233, 8 : i32
    %dma_wait3A_235 = arith.constant 0 : i32
    %dma_wait3A_236 = arith.constant 0 : i32
    %dma_wait3A_237 = tpu.memref_slice %arg13[%dma_wait3A_235, %dma_wait3A_236] : memref<80x128xf32, #tpu.memory_space<vmem>> -> memref<40x128xf32, #tpu.memory_space<vmem>>
    %dma_wait3A_238 = tpu.memref_slice %arg8[%multiple_of3A_234] : memref<10000xi32, #tpu.memory_space<vmem>> -> memref<40xi32, #tpu.memory_space<vmem>>
    %dma_wait3A_239 = arith.constant 0 : i32
    %dma_wait3A_240 = arith.constant 0 : i32
    %dma_wait3A_241 = tpu.memref_slice %arg2[%dma_wait3A_239, %dma_wait3A_240] : memref<10000x128xf32, #tpu.memory_space<hbm>> -> memref<10000x128xf32, #tpu.memory_space<hbm>>
    tpu.wait_indirect_dma semaphore(%arg16 : memref<!tpu.dma_semaphore, #tpu.memory_space<semaphore_mem>>) src(%dma_wait3A_241 : memref<10000x128xf32, #tpu.memory_space<hbm>>) dst(%dma_wait3A_237 : memref<40x128xf32, #tpu.memory_space<vmem>>)
    %multiple_of3A_242 = arith.constant 4040 : i32
    %multiple_of3A_243 = tpu.assume_multiple %multiple_of3A_242, 8 : i32
    %dma_wait3A_244 = arith.constant 40 : i32
    %dma_wait3A_245 = arith.constant 0 : i32
    %dma_wait3A_246 = tpu.memref_slice %arg13[%dma_wait3A_244, %dma_wait3A_245] : memref<80x128xf32, #tpu.memory_space<vmem>> -> memref<40x128xf32, #tpu.memory_space<vmem>>
    %dma_wait3A_247 = tpu.memref_slice %arg8[%multiple_of3A_243] : memref<10000xi32, #tpu.memory_space<vmem>> -> memref<40xi32, #tpu.memory_space<vmem>>
    %dma_wait3A_248 = arith.constant 0 : i32
    %dma_wait3A_249 = arith.constant 0 : i32
    %dma_wait3A_250 = tpu.memref_slice %arg2[%dma_wait3A_248, %dma_wait3A_249] : memref<10000x128xf32, #tpu.memory_space<hbm>> -> memref<10000x128xf32, #tpu.memory_space<hbm>>
    tpu.wait_indirect_dma semaphore(%arg16 : memref<!tpu.dma_semaphore, #tpu.memory_space<semaphore_mem>>) src(%dma_wait3A_250 : memref<10000x128xf32, #tpu.memory_space<hbm>>) dst(%dma_wait3A_246 : memref<40x128xf32, #tpu.memory_space<vmem>>)
    %dma_start3A_251 = arith.constant 0 : i32
    %dma_start3A_252 = arith.constant 0 : i32
    %dma_start3A_253 = tpu.memref_slice %arg9[%dma_start3A_251, %dma_start3A_252] : memref<25x80xi32, #tpu.memory_space<vmem>> -> memref<1x80xi32, #tpu.memory_space<vmem>>
    %dma_start3A_254 = tpu.memref_squeeze %dma_start3A_253 : memref<1x80xi32, #tpu.memory_space<vmem>> -> memref<80xi32, #tpu.memory_space<vmem>>
    %dma_start3A_255 = arith.constant 0 : i32
    %dma_start3A_256 = arith.constant 0 : i32
    %dma_start3A_257 = tpu.memref_slice %arg7[%dma_start3A_255, %dma_start3A_256] : memref<10112x128xf32, #tpu.memory_space<vmem_shared>> -> memref<10112x128xf32, #tpu.memory_space<vmem_shared>>
    tpu.enqueue_indirect_dma source(%arg13 : memref<80x128xf32, #tpu.memory_space<vmem>>) target(%dma_start3A_257 : memref<10112x128xf32, #tpu.memory_space<vmem_shared>>) offsets(%dma_start3A_254 : memref<80xi32, #tpu.memory_space<vmem>>) semaphore(%arg19 : memref<!tpu.dma_semaphore, #tpu.memory_space<semaphore_mem>>) {add = true}
    %dma_start3A_258 = arith.constant 3 : i32
    %dma_start3A_259 = arith.constant 0 : i32
    %dma_start3A_260 = arith.constant 0 : i32
    %dma_start3A_261 = tpu.memref_slice %arg4[%add3A, %dma_start3A_258, %dma_start3A_259, %dma_start3A_260] : memref<32x5x25x80xi32, #tpu.memory_space<hbm>> -> memref<1x1x25x80xi32, #tpu.memory_space<hbm>>
    %dma_start3A_262 = tpu.memref_squeeze %dma_start3A_261 : memref<1x1x25x80xi32, #tpu.memory_space<hbm>> -> memref<25x80xi32, #tpu.memory_space<hbm>>
    %dma_start3A_263 = arith.constant 0 : i32
    %dma_start3A_264 = arith.constant 0 : i32
    %dma_start3A_265 = tpu.memref_slice %arg4[%add3A, %dma_start3A_258, %dma_start3A_263, %dma_start3A_264] : memref<32x5x25x80xi32, #tpu.memory_space<hbm>> -> memref<1x1x25x80xi32, #tpu.memory_space<hbm>>
    %dma_start3A_266 = tpu.memref_squeeze %dma_start3A_265 : memref<1x1x25x80xi32, #tpu.memory_space<hbm>> -> memref<25x80xi32, #tpu.memory_space<hbm>>
    tpu.enqueue_dma source(%dma_start3A_266 : memref<25x80xi32, #tpu.memory_space<hbm>>) target(%arg10 : memref<25x80xi32, #tpu.memory_space<vmem>>) target_semaphore(%arg20 : memref<!tpu.dma_semaphore, #tpu.memory_space<semaphore_mem>>)
    %scan3A_267 = arith.constant 0 : i32
    %scan3A_268 = arith.constant 0 : i32
    %scan3A_269 = arith.constant 8 : i32
    %scan3A_270 = arith.addi %scan3A_268, %scan3A_269 : i32
    %scan3A_271 = arith.constant 1 : i32
    scf.for %scan3A_534 = %scan3A_268 to %scan3A_270 step %scan3A_271  : i32 {
      %mul3A_535 = arith.constant 3 : i32
      %mul3A_536 = arith.muli %mul3A_535, %scan3A_534 : i32
      %add3A_537 = arith.constant 1 : i32
      %add3A_538 = arith.addi %mul3A_536, %add3A_537 : i32
      %add3A_539 = arith.constant 50 : i32
      %add3A_540 = arith.addi %add3A_539, %add3A_538 : i32
      %dma_wait3A_541 = arith.constant 0 : i32
      %dma_wait3A_542 = arith.constant 0 : i32
      %dma_wait3A_543 = tpu.memref_slice %arg9[%dma_wait3A_541, %dma_wait3A_542] : memref<25x80xi32, #tpu.memory_space<vmem>> -> memref<1x80xi32, #tpu.memory_space<vmem>>
      %dma_wait3A_544 = tpu.memref_squeeze %dma_wait3A_543 : memref<1x80xi32, #tpu.memory_space<vmem>> -> memref<80xi32, #tpu.memory_space<vmem>>
      %dma_wait3A_545 = arith.constant 0 : i32
      %dma_wait3A_546 = arith.constant 0 : i32
      %dma_wait3A_547 = tpu.memref_slice %arg7[%dma_wait3A_545, %dma_wait3A_546] : memref<10112x128xf32, #tpu.memory_space<vmem_shared>> -> memref<10112x128xf32, #tpu.memory_space<vmem_shared>>
      tpu.wait_indirect_dma semaphore(%arg19 : memref<!tpu.dma_semaphore, #tpu.memory_space<semaphore_mem>>) src(%arg13 : memref<80x128xf32, #tpu.memory_space<vmem>>) dst(%dma_wait3A_547 : memref<10112x128xf32, #tpu.memory_space<vmem_shared>>)
      %add3A_548 = arith.constant 2 : i32
      %add3A_549 = arith.addi %add3A_540, %add3A_548 : i32
      %mul3A_550 = arith.constant 80 : i32
      %mul3A_551 = arith.muli %add3A_549, %mul3A_550 : i32
      %add3A_552 = arith.constant 0 : i32
      %add3A_553 = arith.addi %mul3A_551, %add3A_552 : i32
      %multiple_of3A_554 = tpu.assume_multiple %add3A_553, 8 : i32
      %dma_start3A_555 = arith.constant 0 : i32
      %dma_start3A_556 = arith.constant 0 : i32
      %dma_start3A_557 = tpu.memref_slice %arg13[%dma_start3A_555, %dma_start3A_556] : memref<80x128xf32, #tpu.memory_space<vmem>> -> memref<40x128xf32, #tpu.memory_space<vmem>>
      %dma_start3A_558 = tpu.memref_slice %arg8[%multiple_of3A_554] : memref<10000xi32, #tpu.memory_space<vmem>> -> memref<40xi32, #tpu.memory_space<vmem>>
      %dma_start3A_559 = arith.constant 0 : i32
      %dma_start3A_560 = arith.constant 0 : i32
      %dma_start3A_561 = tpu.memref_slice %arg2[%dma_start3A_559, %dma_start3A_560] : memref<10000x128xf32, #tpu.memory_space<hbm>> -> memref<10000x128xf32, #tpu.memory_space<hbm>>
      tpu.enqueue_indirect_dma source(%dma_start3A_561 : memref<10000x128xf32, #tpu.memory_space<hbm>>) target(%dma_start3A_557 : memref<40x128xf32, #tpu.memory_space<vmem>>) offsets(%dma_start3A_558 : memref<40xi32, #tpu.memory_space<vmem>>) semaphore(%arg16 : memref<!tpu.dma_semaphore, #tpu.memory_space<semaphore_mem>>)
      %mul3A_562 = arith.constant 80 : i32
      %mul3A_563 = arith.muli %add3A_549, %mul3A_562 : i32
      %add3A_564 = arith.constant 40 : i32
      %add3A_565 = arith.addi %mul3A_563, %add3A_564 : i32
      %multiple_of3A_566 = tpu.assume_multiple %add3A_565, 8 : i32
      %dma_start3A_567 = arith.constant 40 : i32
      %dma_start3A_568 = arith.constant 0 : i32
      %dma_start3A_569 = tpu.memref_slice %arg13[%dma_start3A_567, %dma_start3A_568] : memref<80x128xf32, #tpu.memory_space<vmem>> -> memref<40x128xf32, #tpu.memory_space<vmem>>
      %dma_start3A_570 = tpu.memref_slice %arg8[%multiple_of3A_566] : memref<10000xi32, #tpu.memory_space<vmem>> -> memref<40xi32, #tpu.memory_space<vmem>>
      %dma_start3A_571 = arith.constant 0 : i32
      %dma_start3A_572 = arith.constant 0 : i32
      %dma_start3A_573 = tpu.memref_slice %arg2[%dma_start3A_571, %dma_start3A_572] : memref<10000x128xf32, #tpu.memory_space<hbm>> -> memref<10000x128xf32, #tpu.memory_space<hbm>>
      tpu.enqueue_indirect_dma source(%dma_start3A_573 : memref<10000x128xf32, #tpu.memory_space<hbm>>) target(%dma_start3A_569 : memref<40x128xf32, #tpu.memory_space<vmem>>) offsets(%dma_start3A_570 : memref<40xi32, #tpu.memory_space<vmem>>) semaphore(%arg16 : memref<!tpu.dma_semaphore, #tpu.memory_space<semaphore_mem>>)
      %mul3A_574 = arith.constant 80 : i32
      %mul3A_575 = arith.muli %add3A_540, %mul3A_574 : i32
      %add3A_576 = arith.constant 0 : i32
      %add3A_577 = arith.addi %mul3A_575, %add3A_576 : i32
      %multiple_of3A_578 = tpu.assume_multiple %add3A_577, 8 : i32
      %dma_wait3A_579 = arith.constant 0 : i32
      %dma_wait3A_580 = arith.constant 0 : i32
      %dma_wait3A_581 = tpu.memref_slice %arg11[%dma_wait3A_579, %dma_wait3A_580] : memref<80x128xf32, #tpu.memory_space<vmem>> -> memref<40x128xf32, #tpu.memory_space<vmem>>
      %dma_wait3A_582 = tpu.memref_slice %arg8[%multiple_of3A_578] : memref<10000xi32, #tpu.memory_space<vmem>> -> memref<40xi32, #tpu.memory_space<vmem>>
      %dma_wait3A_583 = arith.constant 0 : i32
      %dma_wait3A_584 = arith.constant 0 : i32
      %dma_wait3A_585 = tpu.memref_slice %arg2[%dma_wait3A_583, %dma_wait3A_584] : memref<10000x128xf32, #tpu.memory_space<hbm>> -> memref<10000x128xf32, #tpu.memory_space<hbm>>
      tpu.wait_indirect_dma semaphore(%arg14 : memref<!tpu.dma_semaphore, #tpu.memory_space<semaphore_mem>>) src(%dma_wait3A_585 : memref<10000x128xf32, #tpu.memory_space<hbm>>) dst(%dma_wait3A_581 : memref<40x128xf32, #tpu.memory_space<vmem>>)
      %mul3A_586 = arith.constant 80 : i32
      %mul3A_587 = arith.muli %add3A_540, %mul3A_586 : i32
      %add3A_588 = arith.constant 40 : i32
      %add3A_589 = arith.addi %mul3A_587, %add3A_588 : i32
      %multiple_of3A_590 = tpu.assume_multiple %add3A_589, 8 : i32
      %dma_wait3A_591 = arith.constant 40 : i32
      %dma_wait3A_592 = arith.constant 0 : i32
      %dma_wait3A_593 = tpu.memref_slice %arg11[%dma_wait3A_591, %dma_wait3A_592] : memref<80x128xf32, #tpu.memory_space<vmem>> -> memref<40x128xf32, #tpu.memory_space<vmem>>
      %dma_wait3A_594 = tpu.memref_slice %arg8[%multiple_of3A_590] : memref<10000xi32, #tpu.memory_space<vmem>> -> memref<40xi32, #tpu.memory_space<vmem>>
      %dma_wait3A_595 = arith.constant 0 : i32
      %dma_wait3A_596 = arith.constant 0 : i32
      %dma_wait3A_597 = tpu.memref_slice %arg2[%dma_wait3A_595, %dma_wait3A_596] : memref<10000x128xf32, #tpu.memory_space<hbm>> -> memref<10000x128xf32, #tpu.memory_space<hbm>>
      tpu.wait_indirect_dma semaphore(%arg14 : memref<!tpu.dma_semaphore, #tpu.memory_space<semaphore_mem>>) src(%dma_wait3A_597 : memref<10000x128xf32, #tpu.memory_space<hbm>>) dst(%dma_wait3A_593 : memref<40x128xf32, #tpu.memory_space<vmem>>)
      %dma_start3A_598 = arith.constant 0 : i32
      %dma_start3A_599 = tpu.memref_slice %arg9[%add3A_538, %dma_start3A_598] : memref<25x80xi32, #tpu.memory_space<vmem>> -> memref<1x80xi32, #tpu.memory_space<vmem>>
      %dma_start3A_600 = tpu.memref_squeeze %dma_start3A_599 : memref<1x80xi32, #tpu.memory_space<vmem>> -> memref<80xi32, #tpu.memory_space<vmem>>
      %dma_start3A_601 = arith.constant 0 : i32
      %dma_start3A_602 = arith.constant 0 : i32
      %dma_start3A_603 = tpu.memref_slice %arg7[%dma_start3A_601, %dma_start3A_602] : memref<10112x128xf32, #tpu.memory_space<vmem_shared>> -> memref<10112x128xf32, #tpu.memory_space<vmem_shared>>
      tpu.enqueue_indirect_dma source(%arg11 : memref<80x128xf32, #tpu.memory_space<vmem>>) target(%dma_start3A_603 : memref<10112x128xf32, #tpu.memory_space<vmem_shared>>) offsets(%dma_start3A_600 : memref<80xi32, #tpu.memory_space<vmem>>) semaphore(%arg17 : memref<!tpu.dma_semaphore, #tpu.memory_space<semaphore_mem>>) {add = true}
      %add3A_604 = arith.constant 50 : i32
      %add3A_605 = arith.addi %add3A_604, %add3A_538 : i32
      %add3A_606 = arith.constant 1 : i32
      %add3A_607 = arith.addi %add3A_605, %add3A_606 : i32
      %add3A_608 = arith.constant 1 : i32
      %add3A_609 = arith.addi %add3A_538, %add3A_608 : i32
      %dma_wait3A_610 = arith.constant 0 : i32
      %dma_wait3A_611 = arith.constant 0 : i32
      %dma_wait3A_612 = tpu.memref_slice %arg9[%dma_wait3A_610, %dma_wait3A_611] : memref<25x80xi32, #tpu.memory_space<vmem>> -> memref<1x80xi32, #tpu.memory_space<vmem>>
      %dma_wait3A_613 = tpu.memref_squeeze %dma_wait3A_612 : memref<1x80xi32, #tpu.memory_space<vmem>> -> memref<80xi32, #tpu.memory_space<vmem>>
      %dma_wait3A_614 = arith.constant 0 : i32
      %dma_wait3A_615 = arith.constant 0 : i32
      %dma_wait3A_616 = tpu.memref_slice %arg7[%dma_wait3A_614, %dma_wait3A_615] : memref<10112x128xf32, #tpu.memory_space<vmem_shared>> -> memref<10112x128xf32, #tpu.memory_space<vmem_shared>>
      tpu.wait_indirect_dma semaphore(%arg17 : memref<!tpu.dma_semaphore, #tpu.memory_space<semaphore_mem>>) src(%arg11 : memref<80x128xf32, #tpu.memory_space<vmem>>) dst(%dma_wait3A_616 : memref<10112x128xf32, #tpu.memory_space<vmem_shared>>)
      %add3A_617 = arith.constant 2 : i32
      %add3A_618 = arith.addi %add3A_607, %add3A_617 : i32
      %mul3A_619 = arith.constant 80 : i32
      %mul3A_620 = arith.muli %add3A_618, %mul3A_619 : i32
      %add3A_621 = arith.constant 0 : i32
      %add3A_622 = arith.addi %mul3A_620, %add3A_621 : i32
      %multiple_of3A_623 = tpu.assume_multiple %add3A_622, 8 : i32
      %dma_start3A_624 = arith.constant 0 : i32
      %dma_start3A_625 = arith.constant 0 : i32
      %dma_start3A_626 = tpu.memref_slice %arg11[%dma_start3A_624, %dma_start3A_625] : memref<80x128xf32, #tpu.memory_space<vmem>> -> memref<40x128xf32, #tpu.memory_space<vmem>>
      %dma_start3A_627 = tpu.memref_slice %arg8[%multiple_of3A_623] : memref<10000xi32, #tpu.memory_space<vmem>> -> memref<40xi32, #tpu.memory_space<vmem>>
      %dma_start3A_628 = arith.constant 0 : i32
      %dma_start3A_629 = arith.constant 0 : i32
      %dma_start3A_630 = tpu.memref_slice %arg2[%dma_start3A_628, %dma_start3A_629] : memref<10000x128xf32, #tpu.memory_space<hbm>> -> memref<10000x128xf32, #tpu.memory_space<hbm>>
      tpu.enqueue_indirect_dma source(%dma_start3A_630 : memref<10000x128xf32, #tpu.memory_space<hbm>>) target(%dma_start3A_626 : memref<40x128xf32, #tpu.memory_space<vmem>>) offsets(%dma_start3A_627 : memref<40xi32, #tpu.memory_space<vmem>>) semaphore(%arg14 : memref<!tpu.dma_semaphore, #tpu.memory_space<semaphore_mem>>)
      %mul3A_631 = arith.constant 80 : i32
      %mul3A_632 = arith.muli %add3A_618, %mul3A_631 : i32
      %add3A_633 = arith.constant 40 : i32
      %add3A_634 = arith.addi %mul3A_632, %add3A_633 : i32
      %multiple_of3A_635 = tpu.assume_multiple %add3A_634, 8 : i32
      %dma_start3A_636 = arith.constant 40 : i32
      %dma_start3A_637 = arith.constant 0 : i32
      %dma_start3A_638 = tpu.memref_slice %arg11[%dma_start3A_636, %dma_start3A_637] : memref<80x128xf32, #tpu.memory_space<vmem>> -> memref<40x128xf32, #tpu.memory_space<vmem>>
      %dma_start3A_639 = tpu.memref_slice %arg8[%multiple_of3A_635] : memref<10000xi32, #tpu.memory_space<vmem>> -> memref<40xi32, #tpu.memory_space<vmem>>
      %dma_start3A_640 = arith.constant 0 : i32
      %dma_start3A_641 = arith.constant 0 : i32
      %dma_start3A_642 = tpu.memref_slice %arg2[%dma_start3A_640, %dma_start3A_641] : memref<10000x128xf32, #tpu.memory_space<hbm>> -> memref<10000x128xf32, #tpu.memory_space<hbm>>
      tpu.enqueue_indirect_dma source(%dma_start3A_642 : memref<10000x128xf32, #tpu.memory_space<hbm>>) target(%dma_start3A_638 : memref<40x128xf32, #tpu.memory_space<vmem>>) offsets(%dma_start3A_639 : memref<40xi32, #tpu.memory_space<vmem>>) semaphore(%arg14 : memref<!tpu.dma_semaphore, #tpu.memory_space<semaphore_mem>>)
      %mul3A_643 = arith.constant 80 : i32
      %mul3A_644 = arith.muli %add3A_607, %mul3A_643 : i32
      %add3A_645 = arith.constant 0 : i32
      %add3A_646 = arith.addi %mul3A_644, %add3A_645 : i32
      %multiple_of3A_647 = tpu.assume_multiple %add3A_646, 8 : i32
      %dma_wait3A_648 = arith.constant 0 : i32
      %dma_wait3A_649 = arith.constant 0 : i32
      %dma_wait3A_650 = tpu.memref_slice %arg12[%dma_wait3A_648, %dma_wait3A_649] : memref<80x128xf32, #tpu.memory_space<vmem>> -> memref<40x128xf32, #tpu.memory_space<vmem>>
      %dma_wait3A_651 = tpu.memref_slice %arg8[%multiple_of3A_647] : memref<10000xi32, #tpu.memory_space<vmem>> -> memref<40xi32, #tpu.memory_space<vmem>>
      %dma_wait3A_652 = arith.constant 0 : i32
      %dma_wait3A_653 = arith.constant 0 : i32
      %dma_wait3A_654 = tpu.memref_slice %arg2[%dma_wait3A_652, %dma_wait3A_653] : memref<10000x128xf32, #tpu.memory_space<hbm>> -> memref<10000x128xf32, #tpu.memory_space<hbm>>
      tpu.wait_indirect_dma semaphore(%arg15 : memref<!tpu.dma_semaphore, #tpu.memory_space<semaphore_mem>>) src(%dma_wait3A_654 : memref<10000x128xf32, #tpu.memory_space<hbm>>) dst(%dma_wait3A_650 : memref<40x128xf32, #tpu.memory_space<vmem>>)
      %mul3A_655 = arith.constant 80 : i32
      %mul3A_656 = arith.muli %add3A_607, %mul3A_655 : i32
      %add3A_657 = arith.constant 40 : i32
      %add3A_658 = arith.addi %mul3A_656, %add3A_657 : i32
      %multiple_of3A_659 = tpu.assume_multiple %add3A_658, 8 : i32
      %dma_wait3A_660 = arith.constant 40 : i32
      %dma_wait3A_661 = arith.constant 0 : i32
      %dma_wait3A_662 = tpu.memref_slice %arg12[%dma_wait3A_660, %dma_wait3A_661] : memref<80x128xf32, #tpu.memory_space<vmem>> -> memref<40x128xf32, #tpu.memory_space<vmem>>
      %dma_wait3A_663 = tpu.memref_slice %arg8[%multiple_of3A_659] : memref<10000xi32, #tpu.memory_space<vmem>> -> memref<40xi32, #tpu.memory_space<vmem>>
      %dma_wait3A_664 = arith.constant 0 : i32
      %dma_wait3A_665 = arith.constant 0 : i32
      %dma_wait3A_666 = tpu.memref_slice %arg2[%dma_wait3A_664, %dma_wait3A_665] : memref<10000x128xf32, #tpu.memory_space<hbm>> -> memref<10000x128xf32, #tpu.memory_space<hbm>>
      tpu.wait_indirect_dma semaphore(%arg15 : memref<!tpu.dma_semaphore, #tpu.memory_space<semaphore_mem>>) src(%dma_wait3A_666 : memref<10000x128xf32, #tpu.memory_space<hbm>>) dst(%dma_wait3A_662 : memref<40x128xf32, #tpu.memory_space<vmem>>)
      %dma_start3A_667 = arith.constant 0 : i32
      %dma_start3A_668 = tpu.memref_slice %arg9[%add3A_609, %dma_start3A_667] : memref<25x80xi32, #tpu.memory_space<vmem>> -> memref<1x80xi32, #tpu.memory_space<vmem>>
      %dma_start3A_669 = tpu.memref_squeeze %dma_start3A_668 : memref<1x80xi32, #tpu.memory_space<vmem>> -> memref<80xi32, #tpu.memory_space<vmem>>
      %dma_start3A_670 = arith.constant 0 : i32
      %dma_start3A_671 = arith.constant 0 : i32
      %dma_start3A_672 = tpu.memref_slice %arg7[%dma_start3A_670, %dma_start3A_671] : memref<10112x128xf32, #tpu.memory_space<vmem_shared>> -> memref<10112x128xf32, #tpu.memory_space<vmem_shared>>
      tpu.enqueue_indirect_dma source(%arg12 : memref<80x128xf32, #tpu.memory_space<vmem>>) target(%dma_start3A_672 : memref<10112x128xf32, #tpu.memory_space<vmem_shared>>) offsets(%dma_start3A_669 : memref<80xi32, #tpu.memory_space<vmem>>) semaphore(%arg18 : memref<!tpu.dma_semaphore, #tpu.memory_space<semaphore_mem>>) {add = true}
      %add3A_673 = arith.constant 50 : i32
      %add3A_674 = arith.addi %add3A_673, %add3A_538 : i32
      %add3A_675 = arith.constant 2 : i32
      %add3A_676 = arith.addi %add3A_674, %add3A_675 : i32
      %add3A_677 = arith.constant 2 : i32
      %add3A_678 = arith.addi %add3A_538, %add3A_677 : i32
      %dma_wait3A_679 = arith.constant 0 : i32
      %dma_wait3A_680 = arith.constant 0 : i32
      %dma_wait3A_681 = tpu.memref_slice %arg9[%dma_wait3A_679, %dma_wait3A_680] : memref<25x80xi32, #tpu.memory_space<vmem>> -> memref<1x80xi32, #tpu.memory_space<vmem>>
      %dma_wait3A_682 = tpu.memref_squeeze %dma_wait3A_681 : memref<1x80xi32, #tpu.memory_space<vmem>> -> memref<80xi32, #tpu.memory_space<vmem>>
      %dma_wait3A_683 = arith.constant 0 : i32
      %dma_wait3A_684 = arith.constant 0 : i32
      %dma_wait3A_685 = tpu.memref_slice %arg7[%dma_wait3A_683, %dma_wait3A_684] : memref<10112x128xf32, #tpu.memory_space<vmem_shared>> -> memref<10112x128xf32, #tpu.memory_space<vmem_shared>>
      tpu.wait_indirect_dma semaphore(%arg18 : memref<!tpu.dma_semaphore, #tpu.memory_space<semaphore_mem>>) src(%arg12 : memref<80x128xf32, #tpu.memory_space<vmem>>) dst(%dma_wait3A_685 : memref<10112x128xf32, #tpu.memory_space<vmem_shared>>)
      %add3A_686 = arith.constant 2 : i32
      %add3A_687 = arith.addi %add3A_676, %add3A_686 : i32
      %mul3A_688 = arith.constant 80 : i32
      %mul3A_689 = arith.muli %add3A_687, %mul3A_688 : i32
      %add3A_690 = arith.constant 0 : i32
      %add3A_691 = arith.addi %mul3A_689, %add3A_690 : i32
      %multiple_of3A_692 = tpu.assume_multiple %add3A_691, 8 : i32
      %dma_start3A_693 = arith.constant 0 : i32
      %dma_start3A_694 = arith.constant 0 : i32
      %dma_start3A_695 = tpu.memref_slice %arg12[%dma_start3A_693, %dma_start3A_694] : memref<80x128xf32, #tpu.memory_space<vmem>> -> memref<40x128xf32, #tpu.memory_space<vmem>>
      %dma_start3A_696 = tpu.memref_slice %arg8[%multiple_of3A_692] : memref<10000xi32, #tpu.memory_space<vmem>> -> memref<40xi32, #tpu.memory_space<vmem>>
      %dma_start3A_697 = arith.constant 0 : i32
      %dma_start3A_698 = arith.constant 0 : i32
      %dma_start3A_699 = tpu.memref_slice %arg2[%dma_start3A_697, %dma_start3A_698] : memref<10000x128xf32, #tpu.memory_space<hbm>> -> memref<10000x128xf32, #tpu.memory_space<hbm>>
      tpu.enqueue_indirect_dma source(%dma_start3A_699 : memref<10000x128xf32, #tpu.memory_space<hbm>>) target(%dma_start3A_695 : memref<40x128xf32, #tpu.memory_space<vmem>>) offsets(%dma_start3A_696 : memref<40xi32, #tpu.memory_space<vmem>>) semaphore(%arg15 : memref<!tpu.dma_semaphore, #tpu.memory_space<semaphore_mem>>)
      %mul3A_700 = arith.constant 80 : i32
      %mul3A_701 = arith.muli %add3A_687, %mul3A_700 : i32
      %add3A_702 = arith.constant 40 : i32
      %add3A_703 = arith.addi %mul3A_701, %add3A_702 : i32
      %multiple_of3A_704 = tpu.assume_multiple %add3A_703, 8 : i32
      %dma_start3A_705 = arith.constant 40 : i32
      %dma_start3A_706 = arith.constant 0 : i32
      %dma_start3A_707 = tpu.memref_slice %arg12[%dma_start3A_705, %dma_start3A_706] : memref<80x128xf32, #tpu.memory_space<vmem>> -> memref<40x128xf32, #tpu.memory_space<vmem>>
      %dma_start3A_708 = tpu.memref_slice %arg8[%multiple_of3A_704] : memref<10000xi32, #tpu.memory_space<vmem>> -> memref<40xi32, #tpu.memory_space<vmem>>
      %dma_start3A_709 = arith.constant 0 : i32
      %dma_start3A_710 = arith.constant 0 : i32
      %dma_start3A_711 = tpu.memref_slice %arg2[%dma_start3A_709, %dma_start3A_710] : memref<10000x128xf32, #tpu.memory_space<hbm>> -> memref<10000x128xf32, #tpu.memory_space<hbm>>
      tpu.enqueue_indirect_dma source(%dma_start3A_711 : memref<10000x128xf32, #tpu.memory_space<hbm>>) target(%dma_start3A_707 : memref<40x128xf32, #tpu.memory_space<vmem>>) offsets(%dma_start3A_708 : memref<40xi32, #tpu.memory_space<vmem>>) semaphore(%arg15 : memref<!tpu.dma_semaphore, #tpu.memory_space<semaphore_mem>>)
      %mul3A_712 = arith.constant 80 : i32
      %mul3A_713 = arith.muli %add3A_676, %mul3A_712 : i32
      %add3A_714 = arith.constant 0 : i32
      %add3A_715 = arith.addi %mul3A_713, %add3A_714 : i32
      %multiple_of3A_716 = tpu.assume_multiple %add3A_715, 8 : i32
      %dma_wait3A_717 = arith.constant 0 : i32
      %dma_wait3A_718 = arith.constant 0 : i32
      %dma_wait3A_719 = tpu.memref_slice %arg13[%dma_wait3A_717, %dma_wait3A_718] : memref<80x128xf32, #tpu.memory_space<vmem>> -> memref<40x128xf32, #tpu.memory_space<vmem>>
      %dma_wait3A_720 = tpu.memref_slice %arg8[%multiple_of3A_716] : memref<10000xi32, #tpu.memory_space<vmem>> -> memref<40xi32, #tpu.memory_space<vmem>>
      %dma_wait3A_721 = arith.constant 0 : i32
      %dma_wait3A_722 = arith.constant 0 : i32
      %dma_wait3A_723 = tpu.memref_slice %arg2[%dma_wait3A_721, %dma_wait3A_722] : memref<10000x128xf32, #tpu.memory_space<hbm>> -> memref<10000x128xf32, #tpu.memory_space<hbm>>
      tpu.wait_indirect_dma semaphore(%arg16 : memref<!tpu.dma_semaphore, #tpu.memory_space<semaphore_mem>>) src(%dma_wait3A_723 : memref<10000x128xf32, #tpu.memory_space<hbm>>) dst(%dma_wait3A_719 : memref<40x128xf32, #tpu.memory_space<vmem>>)
      %mul3A_724 = arith.constant 80 : i32
      %mul3A_725 = arith.muli %add3A_676, %mul3A_724 : i32
      %add3A_726 = arith.constant 40 : i32
      %add3A_727 = arith.addi %mul3A_725, %add3A_726 : i32
      %multiple_of3A_728 = tpu.assume_multiple %add3A_727, 8 : i32
      %dma_wait3A_729 = arith.constant 40 : i32
      %dma_wait3A_730 = arith.constant 0 : i32
      %dma_wait3A_731 = tpu.memref_slice %arg13[%dma_wait3A_729, %dma_wait3A_730] : memref<80x128xf32, #tpu.memory_space<vmem>> -> memref<40x128xf32, #tpu.memory_space<vmem>>
      %dma_wait3A_732 = tpu.memref_slice %arg8[%multiple_of3A_728] : memref<10000xi32, #tpu.memory_space<vmem>> -> memref<40xi32, #tpu.memory_space<vmem>>
      %dma_wait3A_733 = arith.constant 0 : i32
      %dma_wait3A_734 = arith.constant 0 : i32
      %dma_wait3A_735 = tpu.memref_slice %arg2[%dma_wait3A_733, %dma_wait3A_734] : memref<10000x128xf32, #tpu.memory_space<hbm>> -> memref<10000x128xf32, #tpu.memory_space<hbm>>
      tpu.wait_indirect_dma semaphore(%arg16 : memref<!tpu.dma_semaphore, #tpu.memory_space<semaphore_mem>>) src(%dma_wait3A_735 : memref<10000x128xf32, #tpu.memory_space<hbm>>) dst(%dma_wait3A_731 : memref<40x128xf32, #tpu.memory_space<vmem>>)
      %dma_start3A_736 = arith.constant 0 : i32
      %dma_start3A_737 = tpu.memref_slice %arg9[%add3A_678, %dma_start3A_736] : memref<25x80xi32, #tpu.memory_space<vmem>> -> memref<1x80xi32, #tpu.memory_space<vmem>>
      %dma_start3A_738 = tpu.memref_squeeze %dma_start3A_737 : memref<1x80xi32, #tpu.memory_space<vmem>> -> memref<80xi32, #tpu.memory_space<vmem>>
      %dma_start3A_739 = arith.constant 0 : i32
      %dma_start3A_740 = arith.constant 0 : i32
      %dma_start3A_741 = tpu.memref_slice %arg7[%dma_start3A_739, %dma_start3A_740] : memref<10112x128xf32, #tpu.memory_space<vmem_shared>> -> memref<10112x128xf32, #tpu.memory_space<vmem_shared>>
      tpu.enqueue_indirect_dma source(%arg13 : memref<80x128xf32, #tpu.memory_space<vmem>>) target(%dma_start3A_741 : memref<10112x128xf32, #tpu.memory_space<vmem_shared>>) offsets(%dma_start3A_738 : memref<80xi32, #tpu.memory_space<vmem>>) semaphore(%arg19 : memref<!tpu.dma_semaphore, #tpu.memory_space<semaphore_mem>>) {add = true}
    }
    %scan3A_272 = arith.constant 8 : i32
    %dma_wait3A_273 = arith.constant 3 : i32
    %dma_wait3A_274 = arith.constant 0 : i32
    %dma_wait3A_275 = arith.constant 0 : i32
    %dma_wait3A_276 = tpu.memref_slice %arg4[%add3A, %dma_wait3A_273, %dma_wait3A_274, %dma_wait3A_275] : memref<32x5x25x80xi32, #tpu.memory_space<hbm>> -> memref<1x1x25x80xi32, #tpu.memory_space<hbm>>
    %dma_wait3A_277 = tpu.memref_squeeze %dma_wait3A_276 : memref<1x1x25x80xi32, #tpu.memory_space<hbm>> -> memref<25x80xi32, #tpu.memory_space<hbm>>
    %dma_wait3A_278 = arith.constant 0 : i32
    %dma_wait3A_279 = arith.constant 0 : i32
    %dma_wait3A_280 = tpu.memref_slice %arg4[%add3A, %dma_wait3A_273, %dma_wait3A_278, %dma_wait3A_279] : memref<32x5x25x80xi32, #tpu.memory_space<hbm>> -> memref<1x1x25x80xi32, #tpu.memory_space<hbm>>
    %dma_wait3A_281 = tpu.memref_squeeze %dma_wait3A_280 : memref<1x1x25x80xi32, #tpu.memory_space<hbm>> -> memref<25x80xi32, #tpu.memory_space<hbm>>
    tpu.wait_dma2 semaphore(%arg20 : memref<!tpu.dma_semaphore, #tpu.memory_space<semaphore_mem>>) src(%dma_wait3A_281 : memref<25x80xi32, #tpu.memory_space<hbm>>) dst(%arg10 : memref<25x80xi32, #tpu.memory_space<vmem>>)
    %dma_wait3A_282 = arith.constant 0 : i32
    %dma_wait3A_283 = arith.constant 0 : i32
    %dma_wait3A_284 = tpu.memref_slice %arg10[%dma_wait3A_282, %dma_wait3A_283] : memref<25x80xi32, #tpu.memory_space<vmem>> -> memref<1x80xi32, #tpu.memory_space<vmem>>
    %dma_wait3A_285 = tpu.memref_squeeze %dma_wait3A_284 : memref<1x80xi32, #tpu.memory_space<vmem>> -> memref<80xi32, #tpu.memory_space<vmem>>
    %dma_wait3A_286 = arith.constant 0 : i32
    %dma_wait3A_287 = arith.constant 0 : i32
    %dma_wait3A_288 = tpu.memref_slice %arg7[%dma_wait3A_286, %dma_wait3A_287] : memref<10112x128xf32, #tpu.memory_space<vmem_shared>> -> memref<10112x128xf32, #tpu.memory_space<vmem_shared>>
    tpu.wait_indirect_dma semaphore(%arg19 : memref<!tpu.dma_semaphore, #tpu.memory_space<semaphore_mem>>) src(%arg13 : memref<80x128xf32, #tpu.memory_space<vmem>>) dst(%dma_wait3A_288 : memref<10112x128xf32, #tpu.memory_space<vmem_shared>>)
    %multiple_of3A_289 = arith.constant 6160 : i32
    %multiple_of3A_290 = tpu.assume_multiple %multiple_of3A_289, 8 : i32
    %dma_start3A_291 = arith.constant 0 : i32
    %dma_start3A_292 = arith.constant 0 : i32
    %dma_start3A_293 = tpu.memref_slice %arg13[%dma_start3A_291, %dma_start3A_292] : memref<80x128xf32, #tpu.memory_space<vmem>> -> memref<40x128xf32, #tpu.memory_space<vmem>>
    %dma_start3A_294 = tpu.memref_slice %arg8[%multiple_of3A_290] : memref<10000xi32, #tpu.memory_space<vmem>> -> memref<40xi32, #tpu.memory_space<vmem>>
    %dma_start3A_295 = arith.constant 0 : i32
    %dma_start3A_296 = arith.constant 0 : i32
    %dma_start3A_297 = tpu.memref_slice %arg2[%dma_start3A_295, %dma_start3A_296] : memref<10000x128xf32, #tpu.memory_space<hbm>> -> memref<10000x128xf32, #tpu.memory_space<hbm>>
    tpu.enqueue_indirect_dma source(%dma_start3A_297 : memref<10000x128xf32, #tpu.memory_space<hbm>>) target(%dma_start3A_293 : memref<40x128xf32, #tpu.memory_space<vmem>>) offsets(%dma_start3A_294 : memref<40xi32, #tpu.memory_space<vmem>>) semaphore(%arg16 : memref<!tpu.dma_semaphore, #tpu.memory_space<semaphore_mem>>)
    %multiple_of3A_298 = arith.constant 6200 : i32
    %multiple_of3A_299 = tpu.assume_multiple %multiple_of3A_298, 8 : i32
    %dma_start3A_300 = arith.constant 40 : i32
    %dma_start3A_301 = arith.constant 0 : i32
    %dma_start3A_302 = tpu.memref_slice %arg13[%dma_start3A_300, %dma_start3A_301] : memref<80x128xf32, #tpu.memory_space<vmem>> -> memref<40x128xf32, #tpu.memory_space<vmem>>
    %dma_start3A_303 = tpu.memref_slice %arg8[%multiple_of3A_299] : memref<10000xi32, #tpu.memory_space<vmem>> -> memref<40xi32, #tpu.memory_space<vmem>>
    %dma_start3A_304 = arith.constant 0 : i32
    %dma_start3A_305 = arith.constant 0 : i32
    %dma_start3A_306 = tpu.memref_slice %arg2[%dma_start3A_304, %dma_start3A_305] : memref<10000x128xf32, #tpu.memory_space<hbm>> -> memref<10000x128xf32, #tpu.memory_space<hbm>>
    tpu.enqueue_indirect_dma source(%dma_start3A_306 : memref<10000x128xf32, #tpu.memory_space<hbm>>) target(%dma_start3A_302 : memref<40x128xf32, #tpu.memory_space<vmem>>) offsets(%dma_start3A_303 : memref<40xi32, #tpu.memory_space<vmem>>) semaphore(%arg16 : memref<!tpu.dma_semaphore, #tpu.memory_space<semaphore_mem>>)
    %multiple_of3A_307 = arith.constant 6000 : i32
    %multiple_of3A_308 = tpu.assume_multiple %multiple_of3A_307, 8 : i32
    %dma_wait3A_309 = arith.constant 0 : i32
    %dma_wait3A_310 = arith.constant 0 : i32
    %dma_wait3A_311 = tpu.memref_slice %arg11[%dma_wait3A_309, %dma_wait3A_310] : memref<80x128xf32, #tpu.memory_space<vmem>> -> memref<40x128xf32, #tpu.memory_space<vmem>>
    %dma_wait3A_312 = tpu.memref_slice %arg8[%multiple_of3A_308] : memref<10000xi32, #tpu.memory_space<vmem>> -> memref<40xi32, #tpu.memory_space<vmem>>
    %dma_wait3A_313 = arith.constant 0 : i32
    %dma_wait3A_314 = arith.constant 0 : i32
    %dma_wait3A_315 = tpu.memref_slice %arg2[%dma_wait3A_313, %dma_wait3A_314] : memref<10000x128xf32, #tpu.memory_space<hbm>> -> memref<10000x128xf32, #tpu.memory_space<hbm>>
    tpu.wait_indirect_dma semaphore(%arg14 : memref<!tpu.dma_semaphore, #tpu.memory_space<semaphore_mem>>) src(%dma_wait3A_315 : memref<10000x128xf32, #tpu.memory_space<hbm>>) dst(%dma_wait3A_311 : memref<40x128xf32, #tpu.memory_space<vmem>>)
    %multiple_of3A_316 = arith.constant 6040 : i32
    %multiple_of3A_317 = tpu.assume_multiple %multiple_of3A_316, 8 : i32
    %dma_wait3A_318 = arith.constant 40 : i32
    %dma_wait3A_319 = arith.constant 0 : i32
    %dma_wait3A_320 = tpu.memref_slice %arg11[%dma_wait3A_318, %dma_wait3A_319] : memref<80x128xf32, #tpu.memory_space<vmem>> -> memref<40x128xf32, #tpu.memory_space<vmem>>
    %dma_wait3A_321 = tpu.memref_slice %arg8[%multiple_of3A_317] : memref<10000xi32, #tpu.memory_space<vmem>> -> memref<40xi32, #tpu.memory_space<vmem>>
    %dma_wait3A_322 = arith.constant 0 : i32
    %dma_wait3A_323 = arith.constant 0 : i32
    %dma_wait3A_324 = tpu.memref_slice %arg2[%dma_wait3A_322, %dma_wait3A_323] : memref<10000x128xf32, #tpu.memory_space<hbm>> -> memref<10000x128xf32, #tpu.memory_space<hbm>>
    tpu.wait_indirect_dma semaphore(%arg14 : memref<!tpu.dma_semaphore, #tpu.memory_space<semaphore_mem>>) src(%dma_wait3A_324 : memref<10000x128xf32, #tpu.memory_space<hbm>>) dst(%dma_wait3A_320 : memref<40x128xf32, #tpu.memory_space<vmem>>)
    %dma_start3A_325 = arith.constant 0 : i32
    %dma_start3A_326 = arith.constant 0 : i32
    %dma_start3A_327 = tpu.memref_slice %arg10[%dma_start3A_325, %dma_start3A_326] : memref<25x80xi32, #tpu.memory_space<vmem>> -> memref<1x80xi32, #tpu.memory_space<vmem>>
    %dma_start3A_328 = tpu.memref_squeeze %dma_start3A_327 : memref<1x80xi32, #tpu.memory_space<vmem>> -> memref<80xi32, #tpu.memory_space<vmem>>
    %dma_start3A_329 = arith.constant 0 : i32
    %dma_start3A_330 = arith.constant 0 : i32
    %dma_start3A_331 = tpu.memref_slice %arg7[%dma_start3A_329, %dma_start3A_330] : memref<10112x128xf32, #tpu.memory_space<vmem_shared>> -> memref<10112x128xf32, #tpu.memory_space<vmem_shared>>
    tpu.enqueue_indirect_dma source(%arg11 : memref<80x128xf32, #tpu.memory_space<vmem>>) target(%dma_start3A_331 : memref<10112x128xf32, #tpu.memory_space<vmem_shared>>) offsets(%dma_start3A_328 : memref<80xi32, #tpu.memory_space<vmem>>) semaphore(%arg17 : memref<!tpu.dma_semaphore, #tpu.memory_space<semaphore_mem>>) {add = true}
    %dma_start3A_332 = arith.constant 4 : i32
    %dma_start3A_333 = arith.constant 0 : i32
    %dma_start3A_334 = arith.constant 0 : i32
    %dma_start3A_335 = tpu.memref_slice %arg4[%add3A, %dma_start3A_332, %dma_start3A_333, %dma_start3A_334] : memref<32x5x25x80xi32, #tpu.memory_space<hbm>> -> memref<1x1x25x80xi32, #tpu.memory_space<hbm>>
    %dma_start3A_336 = tpu.memref_squeeze %dma_start3A_335 : memref<1x1x25x80xi32, #tpu.memory_space<hbm>> -> memref<25x80xi32, #tpu.memory_space<hbm>>
    %dma_start3A_337 = arith.constant 0 : i32
    %dma_start3A_338 = arith.constant 0 : i32
    %dma_start3A_339 = tpu.memref_slice %arg4[%add3A, %dma_start3A_332, %dma_start3A_337, %dma_start3A_338] : memref<32x5x25x80xi32, #tpu.memory_space<hbm>> -> memref<1x1x25x80xi32, #tpu.memory_space<hbm>>
    %dma_start3A_340 = tpu.memref_squeeze %dma_start3A_339 : memref<1x1x25x80xi32, #tpu.memory_space<hbm>> -> memref<25x80xi32, #tpu.memory_space<hbm>>
    tpu.enqueue_dma source(%dma_start3A_340 : memref<25x80xi32, #tpu.memory_space<hbm>>) target(%arg9 : memref<25x80xi32, #tpu.memory_space<vmem>>) target_semaphore(%arg20 : memref<!tpu.dma_semaphore, #tpu.memory_space<semaphore_mem>>)
    %scan3A_341 = arith.constant 0 : i32
    %scan3A_342 = arith.constant 0 : i32
    %scan3A_343 = arith.constant 8 : i32
    %scan3A_344 = arith.addi %scan3A_342, %scan3A_343 : i32
    %scan3A_345 = arith.constant 1 : i32
    scf.for %scan3A_534 = %scan3A_342 to %scan3A_344 step %scan3A_345  : i32 {
      %mul3A_535 = arith.constant 3 : i32
      %mul3A_536 = arith.muli %mul3A_535, %scan3A_534 : i32
      %add3A_537 = arith.constant 1 : i32
      %add3A_538 = arith.addi %mul3A_536, %add3A_537 : i32
      %add3A_539 = arith.constant 75 : i32
      %add3A_540 = arith.addi %add3A_539, %add3A_538 : i32
      %dma_wait3A_541 = arith.constant 0 : i32
      %dma_wait3A_542 = arith.constant 0 : i32
      %dma_wait3A_543 = tpu.memref_slice %arg10[%dma_wait3A_541, %dma_wait3A_542] : memref<25x80xi32, #tpu.memory_space<vmem>> -> memref<1x80xi32, #tpu.memory_space<vmem>>
      %dma_wait3A_544 = tpu.memref_squeeze %dma_wait3A_543 : memref<1x80xi32, #tpu.memory_space<vmem>> -> memref<80xi32, #tpu.memory_space<vmem>>
      %dma_wait3A_545 = arith.constant 0 : i32
      %dma_wait3A_546 = arith.constant 0 : i32
      %dma_wait3A_547 = tpu.memref_slice %arg7[%dma_wait3A_545, %dma_wait3A_546] : memref<10112x128xf32, #tpu.memory_space<vmem_shared>> -> memref<10112x128xf32, #tpu.memory_space<vmem_shared>>
      tpu.wait_indirect_dma semaphore(%arg17 : memref<!tpu.dma_semaphore, #tpu.memory_space<semaphore_mem>>) src(%arg11 : memref<80x128xf32, #tpu.memory_space<vmem>>) dst(%dma_wait3A_547 : memref<10112x128xf32, #tpu.memory_space<vmem_shared>>)
      %add3A_548 = arith.constant 2 : i32
      %add3A_549 = arith.addi %add3A_540, %add3A_548 : i32
      %mul3A_550 = arith.constant 80 : i32
      %mul3A_551 = arith.muli %add3A_549, %mul3A_550 : i32
      %add3A_552 = arith.constant 0 : i32
      %add3A_553 = arith.addi %mul3A_551, %add3A_552 : i32
      %multiple_of3A_554 = tpu.assume_multiple %add3A_553, 8 : i32
      %dma_start3A_555 = arith.constant 0 : i32
      %dma_start3A_556 = arith.constant 0 : i32
      %dma_start3A_557 = tpu.memref_slice %arg11[%dma_start3A_555, %dma_start3A_556] : memref<80x128xf32, #tpu.memory_space<vmem>> -> memref<40x128xf32, #tpu.memory_space<vmem>>
      %dma_start3A_558 = tpu.memref_slice %arg8[%multiple_of3A_554] : memref<10000xi32, #tpu.memory_space<vmem>> -> memref<40xi32, #tpu.memory_space<vmem>>
      %dma_start3A_559 = arith.constant 0 : i32
      %dma_start3A_560 = arith.constant 0 : i32
      %dma_start3A_561 = tpu.memref_slice %arg2[%dma_start3A_559, %dma_start3A_560] : memref<10000x128xf32, #tpu.memory_space<hbm>> -> memref<10000x128xf32, #tpu.memory_space<hbm>>
      tpu.enqueue_indirect_dma source(%dma_start3A_561 : memref<10000x128xf32, #tpu.memory_space<hbm>>) target(%dma_start3A_557 : memref<40x128xf32, #tpu.memory_space<vmem>>) offsets(%dma_start3A_558 : memref<40xi32, #tpu.memory_space<vmem>>) semaphore(%arg14 : memref<!tpu.dma_semaphore, #tpu.memory_space<semaphore_mem>>)
      %mul3A_562 = arith.constant 80 : i32
      %mul3A_563 = arith.muli %add3A_549, %mul3A_562 : i32
      %add3A_564 = arith.constant 40 : i32
      %add3A_565 = arith.addi %mul3A_563, %add3A_564 : i32
      %multiple_of3A_566 = tpu.assume_multiple %add3A_565, 8 : i32
      %dma_start3A_567 = arith.constant 40 : i32
      %dma_start3A_568 = arith.constant 0 : i32
      %dma_start3A_569 = tpu.memref_slice %arg11[%dma_start3A_567, %dma_start3A_568] : memref<80x128xf32, #tpu.memory_space<vmem>> -> memref<40x128xf32, #tpu.memory_space<vmem>>
      %dma_start3A_570 = tpu.memref_slice %arg8[%multiple_of3A_566] : memref<10000xi32, #tpu.memory_space<vmem>> -> memref<40xi32, #tpu.memory_space<vmem>>
      %dma_start3A_571 = arith.constant 0 : i32
      %dma_start3A_572 = arith.constant 0 : i32
      %dma_start3A_573 = tpu.memref_slice %arg2[%dma_start3A_571, %dma_start3A_572] : memref<10000x128xf32, #tpu.memory_space<hbm>> -> memref<10000x128xf32, #tpu.memory_space<hbm>>
      tpu.enqueue_indirect_dma source(%dma_start3A_573 : memref<10000x128xf32, #tpu.memory_space<hbm>>) target(%dma_start3A_569 : memref<40x128xf32, #tpu.memory_space<vmem>>) offsets(%dma_start3A_570 : memref<40xi32, #tpu.memory_space<vmem>>) semaphore(%arg14 : memref<!tpu.dma_semaphore, #tpu.memory_space<semaphore_mem>>)
      %mul3A_574 = arith.constant 80 : i32
      %mul3A_575 = arith.muli %add3A_540, %mul3A_574 : i32
      %add3A_576 = arith.constant 0 : i32
      %add3A_577 = arith.addi %mul3A_575, %add3A_576 : i32
      %multiple_of3A_578 = tpu.assume_multiple %add3A_577, 8 : i32
      %dma_wait3A_579 = arith.constant 0 : i32
      %dma_wait3A_580 = arith.constant 0 : i32
      %dma_wait3A_581 = tpu.memref_slice %arg12[%dma_wait3A_579, %dma_wait3A_580] : memref<80x128xf32, #tpu.memory_space<vmem>> -> memref<40x128xf32, #tpu.memory_space<vmem>>
      %dma_wait3A_582 = tpu.memref_slice %arg8[%multiple_of3A_578] : memref<10000xi32, #tpu.memory_space<vmem>> -> memref<40xi32, #tpu.memory_space<vmem>>
      %dma_wait3A_583 = arith.constant 0 : i32
      %dma_wait3A_584 = arith.constant 0 : i32
      %dma_wait3A_585 = tpu.memref_slice %arg2[%dma_wait3A_583, %dma_wait3A_584] : memref<10000x128xf32, #tpu.memory_space<hbm>> -> memref<10000x128xf32, #tpu.memory_space<hbm>>
      tpu.wait_indirect_dma semaphore(%arg15 : memref<!tpu.dma_semaphore, #tpu.memory_space<semaphore_mem>>) src(%dma_wait3A_585 : memref<10000x128xf32, #tpu.memory_space<hbm>>) dst(%dma_wait3A_581 : memref<40x128xf32, #tpu.memory_space<vmem>>)
      %mul3A_586 = arith.constant 80 : i32
      %mul3A_587 = arith.muli %add3A_540, %mul3A_586 : i32
      %add3A_588 = arith.constant 40 : i32
      %add3A_589 = arith.addi %mul3A_587, %add3A_588 : i32
      %multiple_of3A_590 = tpu.assume_multiple %add3A_589, 8 : i32
      %dma_wait3A_591 = arith.constant 40 : i32
      %dma_wait3A_592 = arith.constant 0 : i32
      %dma_wait3A_593 = tpu.memref_slice %arg12[%dma_wait3A_591, %dma_wait3A_592] : memref<80x128xf32, #tpu.memory_space<vmem>> -> memref<40x128xf32, #tpu.memory_space<vmem>>
      %dma_wait3A_594 = tpu.memref_slice %arg8[%multiple_of3A_590] : memref<10000xi32, #tpu.memory_space<vmem>> -> memref<40xi32, #tpu.memory_space<vmem>>
      %dma_wait3A_595 = arith.constant 0 : i32
      %dma_wait3A_596 = arith.constant 0 : i32
      %dma_wait3A_597 = tpu.memref_slice %arg2[%dma_wait3A_595, %dma_wait3A_596] : memref<10000x128xf32, #tpu.memory_space<hbm>> -> memref<10000x128xf32, #tpu.memory_space<hbm>>
      tpu.wait_indirect_dma semaphore(%arg15 : memref<!tpu.dma_semaphore, #tpu.memory_space<semaphore_mem>>) src(%dma_wait3A_597 : memref<10000x128xf32, #tpu.memory_space<hbm>>) dst(%dma_wait3A_593 : memref<40x128xf32, #tpu.memory_space<vmem>>)
      %dma_start3A_598 = arith.constant 0 : i32
      %dma_start3A_599 = tpu.memref_slice %arg10[%add3A_538, %dma_start3A_598] : memref<25x80xi32, #tpu.memory_space<vmem>> -> memref<1x80xi32, #tpu.memory_space<vmem>>
      %dma_start3A_600 = tpu.memref_squeeze %dma_start3A_599 : memref<1x80xi32, #tpu.memory_space<vmem>> -> memref<80xi32, #tpu.memory_space<vmem>>
      %dma_start3A_601 = arith.constant 0 : i32
      %dma_start3A_602 = arith.constant 0 : i32
      %dma_start3A_603 = tpu.memref_slice %arg7[%dma_start3A_601, %dma_start3A_602] : memref<10112x128xf32, #tpu.memory_space<vmem_shared>> -> memref<10112x128xf32, #tpu.memory_space<vmem_shared>>
      tpu.enqueue_indirect_dma source(%arg12 : memref<80x128xf32, #tpu.memory_space<vmem>>) target(%dma_start3A_603 : memref<10112x128xf32, #tpu.memory_space<vmem_shared>>) offsets(%dma_start3A_600 : memref<80xi32, #tpu.memory_space<vmem>>) semaphore(%arg18 : memref<!tpu.dma_semaphore, #tpu.memory_space<semaphore_mem>>) {add = true}
      %add3A_604 = arith.constant 75 : i32
      %add3A_605 = arith.addi %add3A_604, %add3A_538 : i32
      %add3A_606 = arith.constant 1 : i32
      %add3A_607 = arith.addi %add3A_605, %add3A_606 : i32
      %add3A_608 = arith.constant 1 : i32
      %add3A_609 = arith.addi %add3A_538, %add3A_608 : i32
      %dma_wait3A_610 = arith.constant 0 : i32
      %dma_wait3A_611 = arith.constant 0 : i32
      %dma_wait3A_612 = tpu.memref_slice %arg10[%dma_wait3A_610, %dma_wait3A_611] : memref<25x80xi32, #tpu.memory_space<vmem>> -> memref<1x80xi32, #tpu.memory_space<vmem>>
      %dma_wait3A_613 = tpu.memref_squeeze %dma_wait3A_612 : memref<1x80xi32, #tpu.memory_space<vmem>> -> memref<80xi32, #tpu.memory_space<vmem>>
      %dma_wait3A_614 = arith.constant 0 : i32
      %dma_wait3A_615 = arith.constant 0 : i32
      %dma_wait3A_616 = tpu.memref_slice %arg7[%dma_wait3A_614, %dma_wait3A_615] : memref<10112x128xf32, #tpu.memory_space<vmem_shared>> -> memref<10112x128xf32, #tpu.memory_space<vmem_shared>>
      tpu.wait_indirect_dma semaphore(%arg18 : memref<!tpu.dma_semaphore, #tpu.memory_space<semaphore_mem>>) src(%arg12 : memref<80x128xf32, #tpu.memory_space<vmem>>) dst(%dma_wait3A_616 : memref<10112x128xf32, #tpu.memory_space<vmem_shared>>)
      %add3A_617 = arith.constant 2 : i32
      %add3A_618 = arith.addi %add3A_607, %add3A_617 : i32
      %mul3A_619 = arith.constant 80 : i32
      %mul3A_620 = arith.muli %add3A_618, %mul3A_619 : i32
      %add3A_621 = arith.constant 0 : i32
      %add3A_622 = arith.addi %mul3A_620, %add3A_621 : i32
      %multiple_of3A_623 = tpu.assume_multiple %add3A_622, 8 : i32
      %dma_start3A_624 = arith.constant 0 : i32
      %dma_start3A_625 = arith.constant 0 : i32
      %dma_start3A_626 = tpu.memref_slice %arg12[%dma_start3A_624, %dma_start3A_625] : memref<80x128xf32, #tpu.memory_space<vmem>> -> memref<40x128xf32, #tpu.memory_space<vmem>>
      %dma_start3A_627 = tpu.memref_slice %arg8[%multiple_of3A_623] : memref<10000xi32, #tpu.memory_space<vmem>> -> memref<40xi32, #tpu.memory_space<vmem>>
      %dma_start3A_628 = arith.constant 0 : i32
      %dma_start3A_629 = arith.constant 0 : i32
      %dma_start3A_630 = tpu.memref_slice %arg2[%dma_start3A_628, %dma_start3A_629] : memref<10000x128xf32, #tpu.memory_space<hbm>> -> memref<10000x128xf32, #tpu.memory_space<hbm>>
      tpu.enqueue_indirect_dma source(%dma_start3A_630 : memref<10000x128xf32, #tpu.memory_space<hbm>>) target(%dma_start3A_626 : memref<40x128xf32, #tpu.memory_space<vmem>>) offsets(%dma_start3A_627 : memref<40xi32, #tpu.memory_space<vmem>>) semaphore(%arg15 : memref<!tpu.dma_semaphore, #tpu.memory_space<semaphore_mem>>)
      %mul3A_631 = arith.constant 80 : i32
      %mul3A_632 = arith.muli %add3A_618, %mul3A_631 : i32
      %add3A_633 = arith.constant 40 : i32
      %add3A_634 = arith.addi %mul3A_632, %add3A_633 : i32
      %multiple_of3A_635 = tpu.assume_multiple %add3A_634, 8 : i32
      %dma_start3A_636 = arith.constant 40 : i32
      %dma_start3A_637 = arith.constant 0 : i32
      %dma_start3A_638 = tpu.memref_slice %arg12[%dma_start3A_636, %dma_start3A_637] : memref<80x128xf32, #tpu.memory_space<vmem>> -> memref<40x128xf32, #tpu.memory_space<vmem>>
      %dma_start3A_639 = tpu.memref_slice %arg8[%multiple_of3A_635] : memref<10000xi32, #tpu.memory_space<vmem>> -> memref<40xi32, #tpu.memory_space<vmem>>
      %dma_start3A_640 = arith.constant 0 : i32
      %dma_start3A_641 = arith.constant 0 : i32
      %dma_start3A_642 = tpu.memref_slice %arg2[%dma_start3A_640, %dma_start3A_641] : memref<10000x128xf32, #tpu.memory_space<hbm>> -> memref<10000x128xf32, #tpu.memory_space<hbm>>
      tpu.enqueue_indirect_dma source(%dma_start3A_642 : memref<10000x128xf32, #tpu.memory_space<hbm>>) target(%dma_start3A_638 : memref<40x128xf32, #tpu.memory_space<vmem>>) offsets(%dma_start3A_639 : memref<40xi32, #tpu.memory_space<vmem>>) semaphore(%arg15 : memref<!tpu.dma_semaphore, #tpu.memory_space<semaphore_mem>>)
      %mul3A_643 = arith.constant 80 : i32
      %mul3A_644 = arith.muli %add3A_607, %mul3A_643 : i32
      %add3A_645 = arith.constant 0 : i32
      %add3A_646 = arith.addi %mul3A_644, %add3A_645 : i32
      %multiple_of3A_647 = tpu.assume_multiple %add3A_646, 8 : i32
      %dma_wait3A_648 = arith.constant 0 : i32
      %dma_wait3A_649 = arith.constant 0 : i32
      %dma_wait3A_650 = tpu.memref_slice %arg13[%dma_wait3A_648, %dma_wait3A_649] : memref<80x128xf32, #tpu.memory_space<vmem>> -> memref<40x128xf32, #tpu.memory_space<vmem>>
      %dma_wait3A_651 = tpu.memref_slice %arg8[%multiple_of3A_647] : memref<10000xi32, #tpu.memory_space<vmem>> -> memref<40xi32, #tpu.memory_space<vmem>>
      %dma_wait3A_652 = arith.constant 0 : i32
      %dma_wait3A_653 = arith.constant 0 : i32
      %dma_wait3A_654 = tpu.memref_slice %arg2[%dma_wait3A_652, %dma_wait3A_653] : memref<10000x128xf32, #tpu.memory_space<hbm>> -> memref<10000x128xf32, #tpu.memory_space<hbm>>
      tpu.wait_indirect_dma semaphore(%arg16 : memref<!tpu.dma_semaphore, #tpu.memory_space<semaphore_mem>>) src(%dma_wait3A_654 : memref<10000x128xf32, #tpu.memory_space<hbm>>) dst(%dma_wait3A_650 : memref<40x128xf32, #tpu.memory_space<vmem>>)
      %mul3A_655 = arith.constant 80 : i32
      %mul3A_656 = arith.muli %add3A_607, %mul3A_655 : i32
      %add3A_657 = arith.constant 40 : i32
      %add3A_658 = arith.addi %mul3A_656, %add3A_657 : i32
      %multiple_of3A_659 = tpu.assume_multiple %add3A_658, 8 : i32
      %dma_wait3A_660 = arith.constant 40 : i32
      %dma_wait3A_661 = arith.constant 0 : i32
      %dma_wait3A_662 = tpu.memref_slice %arg13[%dma_wait3A_660, %dma_wait3A_661] : memref<80x128xf32, #tpu.memory_space<vmem>> -> memref<40x128xf32, #tpu.memory_space<vmem>>
      %dma_wait3A_663 = tpu.memref_slice %arg8[%multiple_of3A_659] : memref<10000xi32, #tpu.memory_space<vmem>> -> memref<40xi32, #tpu.memory_space<vmem>>
      %dma_wait3A_664 = arith.constant 0 : i32
      %dma_wait3A_665 = arith.constant 0 : i32
      %dma_wait3A_666 = tpu.memref_slice %arg2[%dma_wait3A_664, %dma_wait3A_665] : memref<10000x128xf32, #tpu.memory_space<hbm>> -> memref<10000x128xf32, #tpu.memory_space<hbm>>
      tpu.wait_indirect_dma semaphore(%arg16 : memref<!tpu.dma_semaphore, #tpu.memory_space<semaphore_mem>>) src(%dma_wait3A_666 : memref<10000x128xf32, #tpu.memory_space<hbm>>) dst(%dma_wait3A_662 : memref<40x128xf32, #tpu.memory_space<vmem>>)
      %dma_start3A_667 = arith.constant 0 : i32
      %dma_start3A_668 = tpu.memref_slice %arg10[%add3A_609, %dma_start3A_667] : memref<25x80xi32, #tpu.memory_space<vmem>> -> memref<1x80xi32, #tpu.memory_space<vmem>>
      %dma_start3A_669 = tpu.memref_squeeze %dma_start3A_668 : memref<1x80xi32, #tpu.memory_space<vmem>> -> memref<80xi32, #tpu.memory_space<vmem>>
      %dma_start3A_670 = arith.constant 0 : i32
      %dma_start3A_671 = arith.constant 0 : i32
      %dma_start3A_672 = tpu.memref_slice %arg7[%dma_start3A_670, %dma_start3A_671] : memref<10112x128xf32, #tpu.memory_space<vmem_shared>> -> memref<10112x128xf32, #tpu.memory_space<vmem_shared>>
      tpu.enqueue_indirect_dma source(%arg13 : memref<80x128xf32, #tpu.memory_space<vmem>>) target(%dma_start3A_672 : memref<10112x128xf32, #tpu.memory_space<vmem_shared>>) offsets(%dma_start3A_669 : memref<80xi32, #tpu.memory_space<vmem>>) semaphore(%arg19 : memref<!tpu.dma_semaphore, #tpu.memory_space<semaphore_mem>>) {add = true}
      %add3A_673 = arith.constant 75 : i32
      %add3A_674 = arith.addi %add3A_673, %add3A_538 : i32
      %add3A_675 = arith.constant 2 : i32
      %add3A_676 = arith.addi %add3A_674, %add3A_675 : i32
      %add3A_677 = arith.constant 2 : i32
      %add3A_678 = arith.addi %add3A_538, %add3A_677 : i32
      %dma_wait3A_679 = arith.constant 0 : i32
      %dma_wait3A_680 = arith.constant 0 : i32
      %dma_wait3A_681 = tpu.memref_slice %arg10[%dma_wait3A_679, %dma_wait3A_680] : memref<25x80xi32, #tpu.memory_space<vmem>> -> memref<1x80xi32, #tpu.memory_space<vmem>>
      %dma_wait3A_682 = tpu.memref_squeeze %dma_wait3A_681 : memref<1x80xi32, #tpu.memory_space<vmem>> -> memref<80xi32, #tpu.memory_space<vmem>>
      %dma_wait3A_683 = arith.constant 0 : i32
      %dma_wait3A_684 = arith.constant 0 : i32
      %dma_wait3A_685 = tpu.memref_slice %arg7[%dma_wait3A_683, %dma_wait3A_684] : memref<10112x128xf32, #tpu.memory_space<vmem_shared>> -> memref<10112x128xf32, #tpu.memory_space<vmem_shared>>
      tpu.wait_indirect_dma semaphore(%arg19 : memref<!tpu.dma_semaphore, #tpu.memory_space<semaphore_mem>>) src(%arg13 : memref<80x128xf32, #tpu.memory_space<vmem>>) dst(%dma_wait3A_685 : memref<10112x128xf32, #tpu.memory_space<vmem_shared>>)
      %add3A_686 = arith.constant 2 : i32
      %add3A_687 = arith.addi %add3A_676, %add3A_686 : i32
      %mul3A_688 = arith.constant 80 : i32
      %mul3A_689 = arith.muli %add3A_687, %mul3A_688 : i32
      %add3A_690 = arith.constant 0 : i32
      %add3A_691 = arith.addi %mul3A_689, %add3A_690 : i32
      %multiple_of3A_692 = tpu.assume_multiple %add3A_691, 8 : i32
      %dma_start3A_693 = arith.constant 0 : i32
      %dma_start3A_694 = arith.constant 0 : i32
      %dma_start3A_695 = tpu.memref_slice %arg13[%dma_start3A_693, %dma_start3A_694] : memref<80x128xf32, #tpu.memory_space<vmem>> -> memref<40x128xf32, #tpu.memory_space<vmem>>
      %dma_start3A_696 = tpu.memref_slice %arg8[%multiple_of3A_692] : memref<10000xi32, #tpu.memory_space<vmem>> -> memref<40xi32, #tpu.memory_space<vmem>>
      %dma_start3A_697 = arith.constant 0 : i32
      %dma_start3A_698 = arith.constant 0 : i32
      %dma_start3A_699 = tpu.memref_slice %arg2[%dma_start3A_697, %dma_start3A_698] : memref<10000x128xf32, #tpu.memory_space<hbm>> -> memref<10000x128xf32, #tpu.memory_space<hbm>>
      tpu.enqueue_indirect_dma source(%dma_start3A_699 : memref<10000x128xf32, #tpu.memory_space<hbm>>) target(%dma_start3A_695 : memref<40x128xf32, #tpu.memory_space<vmem>>) offsets(%dma_start3A_696 : memref<40xi32, #tpu.memory_space<vmem>>) semaphore(%arg16 : memref<!tpu.dma_semaphore, #tpu.memory_space<semaphore_mem>>)
      %mul3A_700 = arith.constant 80 : i32
      %mul3A_701 = arith.muli %add3A_687, %mul3A_700 : i32
      %add3A_702 = arith.constant 40 : i32
      %add3A_703 = arith.addi %mul3A_701, %add3A_702 : i32
      %multiple_of3A_704 = tpu.assume_multiple %add3A_703, 8 : i32
      %dma_start3A_705 = arith.constant 40 : i32
      %dma_start3A_706 = arith.constant 0 : i32
      %dma_start3A_707 = tpu.memref_slice %arg13[%dma_start3A_705, %dma_start3A_706] : memref<80x128xf32, #tpu.memory_space<vmem>> -> memref<40x128xf32, #tpu.memory_space<vmem>>
      %dma_start3A_708 = tpu.memref_slice %arg8[%multiple_of3A_704] : memref<10000xi32, #tpu.memory_space<vmem>> -> memref<40xi32, #tpu.memory_space<vmem>>
      %dma_start3A_709 = arith.constant 0 : i32
      %dma_start3A_710 = arith.constant 0 : i32
      %dma_start3A_711 = tpu.memref_slice %arg2[%dma_start3A_709, %dma_start3A_710] : memref<10000x128xf32, #tpu.memory_space<hbm>> -> memref<10000x128xf32, #tpu.memory_space<hbm>>
      tpu.enqueue_indirect_dma source(%dma_start3A_711 : memref<10000x128xf32, #tpu.memory_space<hbm>>) target(%dma_start3A_707 : memref<40x128xf32, #tpu.memory_space<vmem>>) offsets(%dma_start3A_708 : memref<40xi32, #tpu.memory_space<vmem>>) semaphore(%arg16 : memref<!tpu.dma_semaphore, #tpu.memory_space<semaphore_mem>>)
      %mul3A_712 = arith.constant 80 : i32
      %mul3A_713 = arith.muli %add3A_676, %mul3A_712 : i32
      %add3A_714 = arith.constant 0 : i32
      %add3A_715 = arith.addi %mul3A_713, %add3A_714 : i32
      %multiple_of3A_716 = tpu.assume_multiple %add3A_715, 8 : i32
      %dma_wait3A_717 = arith.constant 0 : i32
      %dma_wait3A_718 = arith.constant 0 : i32
      %dma_wait3A_719 = tpu.memref_slice %arg11[%dma_wait3A_717, %dma_wait3A_718] : memref<80x128xf32, #tpu.memory_space<vmem>> -> memref<40x128xf32, #tpu.memory_space<vmem>>
      %dma_wait3A_720 = tpu.memref_slice %arg8[%multiple_of3A_716] : memref<10000xi32, #tpu.memory_space<vmem>> -> memref<40xi32, #tpu.memory_space<vmem>>
      %dma_wait3A_721 = arith.constant 0 : i32
      %dma_wait3A_722 = arith.constant 0 : i32
      %dma_wait3A_723 = tpu.memref_slice %arg2[%dma_wait3A_721, %dma_wait3A_722] : memref<10000x128xf32, #tpu.memory_space<hbm>> -> memref<10000x128xf32, #tpu.memory_space<hbm>>
      tpu.wait_indirect_dma semaphore(%arg14 : memref<!tpu.dma_semaphore, #tpu.memory_space<semaphore_mem>>) src(%dma_wait3A_723 : memref<10000x128xf32, #tpu.memory_space<hbm>>) dst(%dma_wait3A_719 : memref<40x128xf32, #tpu.memory_space<vmem>>)
      %mul3A_724 = arith.constant 80 : i32
      %mul3A_725 = arith.muli %add3A_676, %mul3A_724 : i32
      %add3A_726 = arith.constant 40 : i32
      %add3A_727 = arith.addi %mul3A_725, %add3A_726 : i32
      %multiple_of3A_728 = tpu.assume_multiple %add3A_727, 8 : i32
      %dma_wait3A_729 = arith.constant 40 : i32
      %dma_wait3A_730 = arith.constant 0 : i32
      %dma_wait3A_731 = tpu.memref_slice %arg11[%dma_wait3A_729, %dma_wait3A_730] : memref<80x128xf32, #tpu.memory_space<vmem>> -> memref<40x128xf32, #tpu.memory_space<vmem>>
      %dma_wait3A_732 = tpu.memref_slice %arg8[%multiple_of3A_728] : memref<10000xi32, #tpu.memory_space<vmem>> -> memref<40xi32, #tpu.memory_space<vmem>>
      %dma_wait3A_733 = arith.constant 0 : i32
      %dma_wait3A_734 = arith.constant 0 : i32
      %dma_wait3A_735 = tpu.memref_slice %arg2[%dma_wait3A_733, %dma_wait3A_734] : memref<10000x128xf32, #tpu.memory_space<hbm>> -> memref<10000x128xf32, #tpu.memory_space<hbm>>
      tpu.wait_indirect_dma semaphore(%arg14 : memref<!tpu.dma_semaphore, #tpu.memory_space<semaphore_mem>>) src(%dma_wait3A_735 : memref<10000x128xf32, #tpu.memory_space<hbm>>) dst(%dma_wait3A_731 : memref<40x128xf32, #tpu.memory_space<vmem>>)
      %dma_start3A_736 = arith.constant 0 : i32
      %dma_start3A_737 = tpu.memref_slice %arg10[%add3A_678, %dma_start3A_736] : memref<25x80xi32, #tpu.memory_space<vmem>> -> memref<1x80xi32, #tpu.memory_space<vmem>>
      %dma_start3A_738 = tpu.memref_squeeze %dma_start3A_737 : memref<1x80xi32, #tpu.memory_space<vmem>> -> memref<80xi32, #tpu.memory_space<vmem>>
      %dma_start3A_739 = arith.constant 0 : i32
      %dma_start3A_740 = arith.constant 0 : i32
      %dma_start3A_741 = tpu.memref_slice %arg7[%dma_start3A_739, %dma_start3A_740] : memref<10112x128xf32, #tpu.memory_space<vmem_shared>> -> memref<10112x128xf32, #tpu.memory_space<vmem_shared>>
      tpu.enqueue_indirect_dma source(%arg11 : memref<80x128xf32, #tpu.memory_space<vmem>>) target(%dma_start3A_741 : memref<10112x128xf32, #tpu.memory_space<vmem_shared>>) offsets(%dma_start3A_738 : memref<80xi32, #tpu.memory_space<vmem>>) semaphore(%arg17 : memref<!tpu.dma_semaphore, #tpu.memory_space<semaphore_mem>>) {add = true}
    }
    %scan3A_346 = arith.constant 8 : i32
    %dma_wait3A_347 = arith.constant 4 : i32
    %dma_wait3A_348 = arith.constant 0 : i32
    %dma_wait3A_349 = arith.constant 0 : i32
    %dma_wait3A_350 = tpu.memref_slice %arg4[%add3A, %dma_wait3A_347, %dma_wait3A_348, %dma_wait3A_349] : memref<32x5x25x80xi32, #tpu.memory_space<hbm>> -> memref<1x1x25x80xi32, #tpu.memory_space<hbm>>
    %dma_wait3A_351 = tpu.memref_squeeze %dma_wait3A_350 : memref<1x1x25x80xi32, #tpu.memory_space<hbm>> -> memref<25x80xi32, #tpu.memory_space<hbm>>
    %dma_wait3A_352 = arith.constant 0 : i32
    %dma_wait3A_353 = arith.constant 0 : i32
    %dma_wait3A_354 = tpu.memref_slice %arg4[%add3A, %dma_wait3A_347, %dma_wait3A_352, %dma_wait3A_353] : memref<32x5x25x80xi32, #tpu.memory_space<hbm>> -> memref<1x1x25x80xi32, #tpu.memory_space<hbm>>
    %dma_wait3A_355 = tpu.memref_squeeze %dma_wait3A_354 : memref<1x1x25x80xi32, #tpu.memory_space<hbm>> -> memref<25x80xi32, #tpu.memory_space<hbm>>
    tpu.wait_dma2 semaphore(%arg20 : memref<!tpu.dma_semaphore, #tpu.memory_space<semaphore_mem>>) src(%dma_wait3A_355 : memref<25x80xi32, #tpu.memory_space<hbm>>) dst(%arg9 : memref<25x80xi32, #tpu.memory_space<vmem>>)
    %dma_wait3A_356 = arith.constant 0 : i32
    %dma_wait3A_357 = arith.constant 0 : i32
    %dma_wait3A_358 = tpu.memref_slice %arg9[%dma_wait3A_356, %dma_wait3A_357] : memref<25x80xi32, #tpu.memory_space<vmem>> -> memref<1x80xi32, #tpu.memory_space<vmem>>
    %dma_wait3A_359 = tpu.memref_squeeze %dma_wait3A_358 : memref<1x80xi32, #tpu.memory_space<vmem>> -> memref<80xi32, #tpu.memory_space<vmem>>
    %dma_wait3A_360 = arith.constant 0 : i32
    %dma_wait3A_361 = arith.constant 0 : i32
    %dma_wait3A_362 = tpu.memref_slice %arg7[%dma_wait3A_360, %dma_wait3A_361] : memref<10112x128xf32, #tpu.memory_space<vmem_shared>> -> memref<10112x128xf32, #tpu.memory_space<vmem_shared>>
    tpu.wait_indirect_dma semaphore(%arg17 : memref<!tpu.dma_semaphore, #tpu.memory_space<semaphore_mem>>) src(%arg11 : memref<80x128xf32, #tpu.memory_space<vmem>>) dst(%dma_wait3A_362 : memref<10112x128xf32, #tpu.memory_space<vmem_shared>>)
    %multiple_of3A_363 = arith.constant 8160 : i32
    %multiple_of3A_364 = tpu.assume_multiple %multiple_of3A_363, 8 : i32
    %dma_start3A_365 = arith.constant 0 : i32
    %dma_start3A_366 = arith.constant 0 : i32
    %dma_start3A_367 = tpu.memref_slice %arg11[%dma_start3A_365, %dma_start3A_366] : memref<80x128xf32, #tpu.memory_space<vmem>> -> memref<40x128xf32, #tpu.memory_space<vmem>>
    %dma_start3A_368 = tpu.memref_slice %arg8[%multiple_of3A_364] : memref<10000xi32, #tpu.memory_space<vmem>> -> memref<40xi32, #tpu.memory_space<vmem>>
    %dma_start3A_369 = arith.constant 0 : i32
    %dma_start3A_370 = arith.constant 0 : i32
    %dma_start3A_371 = tpu.memref_slice %arg2[%dma_start3A_369, %dma_start3A_370] : memref<10000x128xf32, #tpu.memory_space<hbm>> -> memref<10000x128xf32, #tpu.memory_space<hbm>>
    tpu.enqueue_indirect_dma source(%dma_start3A_371 : memref<10000x128xf32, #tpu.memory_space<hbm>>) target(%dma_start3A_367 : memref<40x128xf32, #tpu.memory_space<vmem>>) offsets(%dma_start3A_368 : memref<40xi32, #tpu.memory_space<vmem>>) semaphore(%arg14 : memref<!tpu.dma_semaphore, #tpu.memory_space<semaphore_mem>>)
    %multiple_of3A_372 = arith.constant 8200 : i32
    %multiple_of3A_373 = tpu.assume_multiple %multiple_of3A_372, 8 : i32
    %dma_start3A_374 = arith.constant 40 : i32
    %dma_start3A_375 = arith.constant 0 : i32
    %dma_start3A_376 = tpu.memref_slice %arg11[%dma_start3A_374, %dma_start3A_375] : memref<80x128xf32, #tpu.memory_space<vmem>> -> memref<40x128xf32, #tpu.memory_space<vmem>>
    %dma_start3A_377 = tpu.memref_slice %arg8[%multiple_of3A_373] : memref<10000xi32, #tpu.memory_space<vmem>> -> memref<40xi32, #tpu.memory_space<vmem>>
    %dma_start3A_378 = arith.constant 0 : i32
    %dma_start3A_379 = arith.constant 0 : i32
    %dma_start3A_380 = tpu.memref_slice %arg2[%dma_start3A_378, %dma_start3A_379] : memref<10000x128xf32, #tpu.memory_space<hbm>> -> memref<10000x128xf32, #tpu.memory_space<hbm>>
    tpu.enqueue_indirect_dma source(%dma_start3A_380 : memref<10000x128xf32, #tpu.memory_space<hbm>>) target(%dma_start3A_376 : memref<40x128xf32, #tpu.memory_space<vmem>>) offsets(%dma_start3A_377 : memref<40xi32, #tpu.memory_space<vmem>>) semaphore(%arg14 : memref<!tpu.dma_semaphore, #tpu.memory_space<semaphore_mem>>)
    %multiple_of3A_381 = arith.constant 8000 : i32
    %multiple_of3A_382 = tpu.assume_multiple %multiple_of3A_381, 8 : i32
    %dma_wait3A_383 = arith.constant 0 : i32
    %dma_wait3A_384 = arith.constant 0 : i32
    %dma_wait3A_385 = tpu.memref_slice %arg12[%dma_wait3A_383, %dma_wait3A_384] : memref<80x128xf32, #tpu.memory_space<vmem>> -> memref<40x128xf32, #tpu.memory_space<vmem>>
    %dma_wait3A_386 = tpu.memref_slice %arg8[%multiple_of3A_382] : memref<10000xi32, #tpu.memory_space<vmem>> -> memref<40xi32, #tpu.memory_space<vmem>>
    %dma_wait3A_387 = arith.constant 0 : i32
    %dma_wait3A_388 = arith.constant 0 : i32
    %dma_wait3A_389 = tpu.memref_slice %arg2[%dma_wait3A_387, %dma_wait3A_388] : memref<10000x128xf32, #tpu.memory_space<hbm>> -> memref<10000x128xf32, #tpu.memory_space<hbm>>
    tpu.wait_indirect_dma semaphore(%arg15 : memref<!tpu.dma_semaphore, #tpu.memory_space<semaphore_mem>>) src(%dma_wait3A_389 : memref<10000x128xf32, #tpu.memory_space<hbm>>) dst(%dma_wait3A_385 : memref<40x128xf32, #tpu.memory_space<vmem>>)
    %multiple_of3A_390 = arith.constant 8040 : i32
    %multiple_of3A_391 = tpu.assume_multiple %multiple_of3A_390, 8 : i32
    %dma_wait3A_392 = arith.constant 40 : i32
    %dma_wait3A_393 = arith.constant 0 : i32
    %dma_wait3A_394 = tpu.memref_slice %arg12[%dma_wait3A_392, %dma_wait3A_393] : memref<80x128xf32, #tpu.memory_space<vmem>> -> memref<40x128xf32, #tpu.memory_space<vmem>>
    %dma_wait3A_395 = tpu.memref_slice %arg8[%multiple_of3A_391] : memref<10000xi32, #tpu.memory_space<vmem>> -> memref<40xi32, #tpu.memory_space<vmem>>
    %dma_wait3A_396 = arith.constant 0 : i32
    %dma_wait3A_397 = arith.constant 0 : i32
    %dma_wait3A_398 = tpu.memref_slice %arg2[%dma_wait3A_396, %dma_wait3A_397] : memref<10000x128xf32, #tpu.memory_space<hbm>> -> memref<10000x128xf32, #tpu.memory_space<hbm>>
    tpu.wait_indirect_dma semaphore(%arg15 : memref<!tpu.dma_semaphore, #tpu.memory_space<semaphore_mem>>) src(%dma_wait3A_398 : memref<10000x128xf32, #tpu.memory_space<hbm>>) dst(%dma_wait3A_394 : memref<40x128xf32, #tpu.memory_space<vmem>>)
    %dma_start3A_399 = arith.constant 0 : i32
    %dma_start3A_400 = arith.constant 0 : i32
    %dma_start3A_401 = tpu.memref_slice %arg9[%dma_start3A_399, %dma_start3A_400] : memref<25x80xi32, #tpu.memory_space<vmem>> -> memref<1x80xi32, #tpu.memory_space<vmem>>
    %dma_start3A_402 = tpu.memref_squeeze %dma_start3A_401 : memref<1x80xi32, #tpu.memory_space<vmem>> -> memref<80xi32, #tpu.memory_space<vmem>>
    %dma_start3A_403 = arith.constant 0 : i32
    %dma_start3A_404 = arith.constant 0 : i32
    %dma_start3A_405 = tpu.memref_slice %arg7[%dma_start3A_403, %dma_start3A_404] : memref<10112x128xf32, #tpu.memory_space<vmem_shared>> -> memref<10112x128xf32, #tpu.memory_space<vmem_shared>>
    tpu.enqueue_indirect_dma source(%arg12 : memref<80x128xf32, #tpu.memory_space<vmem>>) target(%dma_start3A_405 : memref<10112x128xf32, #tpu.memory_space<vmem_shared>>) offsets(%dma_start3A_402 : memref<80xi32, #tpu.memory_space<vmem>>) semaphore(%arg18 : memref<!tpu.dma_semaphore, #tpu.memory_space<semaphore_mem>>) {add = true}
    %scan3A_406 = arith.constant 0 : i32
    %scan3A_407 = arith.constant 0 : i32
    %scan3A_408 = arith.constant 7 : i32
    %scan3A_409 = arith.addi %scan3A_407, %scan3A_408 : i32
    %scan3A_410 = arith.constant 1 : i32
    scf.for %scan3A_534 = %scan3A_407 to %scan3A_409 step %scan3A_410  : i32 {
      %mul3A_535 = arith.constant 3 : i32
      %mul3A_536 = arith.muli %mul3A_535, %scan3A_534 : i32
      %add3A_537 = arith.constant 1 : i32
      %add3A_538 = arith.addi %mul3A_536, %add3A_537 : i32
      %add3A_539 = arith.constant 100 : i32
      %add3A_540 = arith.addi %add3A_539, %add3A_538 : i32
      %dma_wait3A_541 = arith.constant 0 : i32
      %dma_wait3A_542 = arith.constant 0 : i32
      %dma_wait3A_543 = tpu.memref_slice %arg9[%dma_wait3A_541, %dma_wait3A_542] : memref<25x80xi32, #tpu.memory_space<vmem>> -> memref<1x80xi32, #tpu.memory_space<vmem>>
      %dma_wait3A_544 = tpu.memref_squeeze %dma_wait3A_543 : memref<1x80xi32, #tpu.memory_space<vmem>> -> memref<80xi32, #tpu.memory_space<vmem>>
      %dma_wait3A_545 = arith.constant 0 : i32
      %dma_wait3A_546 = arith.constant 0 : i32
      %dma_wait3A_547 = tpu.memref_slice %arg7[%dma_wait3A_545, %dma_wait3A_546] : memref<10112x128xf32, #tpu.memory_space<vmem_shared>> -> memref<10112x128xf32, #tpu.memory_space<vmem_shared>>
      tpu.wait_indirect_dma semaphore(%arg18 : memref<!tpu.dma_semaphore, #tpu.memory_space<semaphore_mem>>) src(%arg12 : memref<80x128xf32, #tpu.memory_space<vmem>>) dst(%dma_wait3A_547 : memref<10112x128xf32, #tpu.memory_space<vmem_shared>>)
      %add3A_548 = arith.constant 2 : i32
      %add3A_549 = arith.addi %add3A_540, %add3A_548 : i32
      %mul3A_550 = arith.constant 80 : i32
      %mul3A_551 = arith.muli %add3A_549, %mul3A_550 : i32
      %add3A_552 = arith.constant 0 : i32
      %add3A_553 = arith.addi %mul3A_551, %add3A_552 : i32
      %multiple_of3A_554 = tpu.assume_multiple %add3A_553, 8 : i32
      %dma_start3A_555 = arith.constant 0 : i32
      %dma_start3A_556 = arith.constant 0 : i32
      %dma_start3A_557 = tpu.memref_slice %arg12[%dma_start3A_555, %dma_start3A_556] : memref<80x128xf32, #tpu.memory_space<vmem>> -> memref<40x128xf32, #tpu.memory_space<vmem>>
      %dma_start3A_558 = tpu.memref_slice %arg8[%multiple_of3A_554] : memref<10000xi32, #tpu.memory_space<vmem>> -> memref<40xi32, #tpu.memory_space<vmem>>
      %dma_start3A_559 = arith.constant 0 : i32
      %dma_start3A_560 = arith.constant 0 : i32
      %dma_start3A_561 = tpu.memref_slice %arg2[%dma_start3A_559, %dma_start3A_560] : memref<10000x128xf32, #tpu.memory_space<hbm>> -> memref<10000x128xf32, #tpu.memory_space<hbm>>
      tpu.enqueue_indirect_dma source(%dma_start3A_561 : memref<10000x128xf32, #tpu.memory_space<hbm>>) target(%dma_start3A_557 : memref<40x128xf32, #tpu.memory_space<vmem>>) offsets(%dma_start3A_558 : memref<40xi32, #tpu.memory_space<vmem>>) semaphore(%arg15 : memref<!tpu.dma_semaphore, #tpu.memory_space<semaphore_mem>>)
      %mul3A_562 = arith.constant 80 : i32
      %mul3A_563 = arith.muli %add3A_549, %mul3A_562 : i32
      %add3A_564 = arith.constant 40 : i32
      %add3A_565 = arith.addi %mul3A_563, %add3A_564 : i32
      %multiple_of3A_566 = tpu.assume_multiple %add3A_565, 8 : i32
      %dma_start3A_567 = arith.constant 40 : i32
      %dma_start3A_568 = arith.constant 0 : i32
      %dma_start3A_569 = tpu.memref_slice %arg12[%dma_start3A_567, %dma_start3A_568] : memref<80x128xf32, #tpu.memory_space<vmem>> -> memref<40x128xf32, #tpu.memory_space<vmem>>
      %dma_start3A_570 = tpu.memref_slice %arg8[%multiple_of3A_566] : memref<10000xi32, #tpu.memory_space<vmem>> -> memref<40xi32, #tpu.memory_space<vmem>>
      %dma_start3A_571 = arith.constant 0 : i32
      %dma_start3A_572 = arith.constant 0 : i32
      %dma_start3A_573 = tpu.memref_slice %arg2[%dma_start3A_571, %dma_start3A_572] : memref<10000x128xf32, #tpu.memory_space<hbm>> -> memref<10000x128xf32, #tpu.memory_space<hbm>>
      tpu.enqueue_indirect_dma source(%dma_start3A_573 : memref<10000x128xf32, #tpu.memory_space<hbm>>) target(%dma_start3A_569 : memref<40x128xf32, #tpu.memory_space<vmem>>) offsets(%dma_start3A_570 : memref<40xi32, #tpu.memory_space<vmem>>) semaphore(%arg15 : memref<!tpu.dma_semaphore, #tpu.memory_space<semaphore_mem>>)
      %mul3A_574 = arith.constant 80 : i32
      %mul3A_575 = arith.muli %add3A_540, %mul3A_574 : i32
      %add3A_576 = arith.constant 0 : i32
      %add3A_577 = arith.addi %mul3A_575, %add3A_576 : i32
      %multiple_of3A_578 = tpu.assume_multiple %add3A_577, 8 : i32
      %dma_wait3A_579 = arith.constant 0 : i32
      %dma_wait3A_580 = arith.constant 0 : i32
      %dma_wait3A_581 = tpu.memref_slice %arg13[%dma_wait3A_579, %dma_wait3A_580] : memref<80x128xf32, #tpu.memory_space<vmem>> -> memref<40x128xf32, #tpu.memory_space<vmem>>
      %dma_wait3A_582 = tpu.memref_slice %arg8[%multiple_of3A_578] : memref<10000xi32, #tpu.memory_space<vmem>> -> memref<40xi32, #tpu.memory_space<vmem>>
      %dma_wait3A_583 = arith.constant 0 : i32
      %dma_wait3A_584 = arith.constant 0 : i32
      %dma_wait3A_585 = tpu.memref_slice %arg2[%dma_wait3A_583, %dma_wait3A_584] : memref<10000x128xf32, #tpu.memory_space<hbm>> -> memref<10000x128xf32, #tpu.memory_space<hbm>>
      tpu.wait_indirect_dma semaphore(%arg16 : memref<!tpu.dma_semaphore, #tpu.memory_space<semaphore_mem>>) src(%dma_wait3A_585 : memref<10000x128xf32, #tpu.memory_space<hbm>>) dst(%dma_wait3A_581 : memref<40x128xf32, #tpu.memory_space<vmem>>)
      %mul3A_586 = arith.constant 80 : i32
      %mul3A_587 = arith.muli %add3A_540, %mul3A_586 : i32
      %add3A_588 = arith.constant 40 : i32
      %add3A_589 = arith.addi %mul3A_587, %add3A_588 : i32
      %multiple_of3A_590 = tpu.assume_multiple %add3A_589, 8 : i32
      %dma_wait3A_591 = arith.constant 40 : i32
      %dma_wait3A_592 = arith.constant 0 : i32
      %dma_wait3A_593 = tpu.memref_slice %arg13[%dma_wait3A_591, %dma_wait3A_592] : memref<80x128xf32, #tpu.memory_space<vmem>> -> memref<40x128xf32, #tpu.memory_space<vmem>>
      %dma_wait3A_594 = tpu.memref_slice %arg8[%multiple_of3A_590] : memref<10000xi32, #tpu.memory_space<vmem>> -> memref<40xi32, #tpu.memory_space<vmem>>
      %dma_wait3A_595 = arith.constant 0 : i32
      %dma_wait3A_596 = arith.constant 0 : i32
      %dma_wait3A_597 = tpu.memref_slice %arg2[%dma_wait3A_595, %dma_wait3A_596] : memref<10000x128xf32, #tpu.memory_space<hbm>> -> memref<10000x128xf32, #tpu.memory_space<hbm>>
      tpu.wait_indirect_dma semaphore(%arg16 : memref<!tpu.dma_semaphore, #tpu.memory_space<semaphore_mem>>) src(%dma_wait3A_597 : memref<10000x128xf32, #tpu.memory_space<hbm>>) dst(%dma_wait3A_593 : memref<40x128xf32, #tpu.memory_space<vmem>>)
      %dma_start3A_598 = arith.constant 0 : i32
      %dma_start3A_599 = tpu.memref_slice %arg9[%add3A_538, %dma_start3A_598] : memref<25x80xi32, #tpu.memory_space<vmem>> -> memref<1x80xi32, #tpu.memory_space<vmem>>
      %dma_start3A_600 = tpu.memref_squeeze %dma_start3A_599 : memref<1x80xi32, #tpu.memory_space<vmem>> -> memref<80xi32, #tpu.memory_space<vmem>>
      %dma_start3A_601 = arith.constant 0 : i32
      %dma_start3A_602 = arith.constant 0 : i32
      %dma_start3A_603 = tpu.memref_slice %arg7[%dma_start3A_601, %dma_start3A_602] : memref<10112x128xf32, #tpu.memory_space<vmem_shared>> -> memref<10112x128xf32, #tpu.memory_space<vmem_shared>>
      tpu.enqueue_indirect_dma source(%arg13 : memref<80x128xf32, #tpu.memory_space<vmem>>) target(%dma_start3A_603 : memref<10112x128xf32, #tpu.memory_space<vmem_shared>>) offsets(%dma_start3A_600 : memref<80xi32, #tpu.memory_space<vmem>>) semaphore(%arg19 : memref<!tpu.dma_semaphore, #tpu.memory_space<semaphore_mem>>) {add = true}
      %add3A_604 = arith.constant 100 : i32
      %add3A_605 = arith.addi %add3A_604, %add3A_538 : i32
      %add3A_606 = arith.constant 1 : i32
      %add3A_607 = arith.addi %add3A_605, %add3A_606 : i32
      %add3A_608 = arith.constant 1 : i32
      %add3A_609 = arith.addi %add3A_538, %add3A_608 : i32
      %dma_wait3A_610 = arith.constant 0 : i32
      %dma_wait3A_611 = arith.constant 0 : i32
      %dma_wait3A_612 = tpu.memref_slice %arg9[%dma_wait3A_610, %dma_wait3A_611] : memref<25x80xi32, #tpu.memory_space<vmem>> -> memref<1x80xi32, #tpu.memory_space<vmem>>
      %dma_wait3A_613 = tpu.memref_squeeze %dma_wait3A_612 : memref<1x80xi32, #tpu.memory_space<vmem>> -> memref<80xi32, #tpu.memory_space<vmem>>
      %dma_wait3A_614 = arith.constant 0 : i32
      %dma_wait3A_615 = arith.constant 0 : i32
      %dma_wait3A_616 = tpu.memref_slice %arg7[%dma_wait3A_614, %dma_wait3A_615] : memref<10112x128xf32, #tpu.memory_space<vmem_shared>> -> memref<10112x128xf32, #tpu.memory_space<vmem_shared>>
      tpu.wait_indirect_dma semaphore(%arg19 : memref<!tpu.dma_semaphore, #tpu.memory_space<semaphore_mem>>) src(%arg13 : memref<80x128xf32, #tpu.memory_space<vmem>>) dst(%dma_wait3A_616 : memref<10112x128xf32, #tpu.memory_space<vmem_shared>>)
      %add3A_617 = arith.constant 2 : i32
      %add3A_618 = arith.addi %add3A_607, %add3A_617 : i32
      %mul3A_619 = arith.constant 80 : i32
      %mul3A_620 = arith.muli %add3A_618, %mul3A_619 : i32
      %add3A_621 = arith.constant 0 : i32
      %add3A_622 = arith.addi %mul3A_620, %add3A_621 : i32
      %multiple_of3A_623 = tpu.assume_multiple %add3A_622, 8 : i32
      %dma_start3A_624 = arith.constant 0 : i32
      %dma_start3A_625 = arith.constant 0 : i32
      %dma_start3A_626 = tpu.memref_slice %arg13[%dma_start3A_624, %dma_start3A_625] : memref<80x128xf32, #tpu.memory_space<vmem>> -> memref<40x128xf32, #tpu.memory_space<vmem>>
      %dma_start3A_627 = tpu.memref_slice %arg8[%multiple_of3A_623] : memref<10000xi32, #tpu.memory_space<vmem>> -> memref<40xi32, #tpu.memory_space<vmem>>
      %dma_start3A_628 = arith.constant 0 : i32
      %dma_start3A_629 = arith.constant 0 : i32
      %dma_start3A_630 = tpu.memref_slice %arg2[%dma_start3A_628, %dma_start3A_629] : memref<10000x128xf32, #tpu.memory_space<hbm>> -> memref<10000x128xf32, #tpu.memory_space<hbm>>
      tpu.enqueue_indirect_dma source(%dma_start3A_630 : memref<10000x128xf32, #tpu.memory_space<hbm>>) target(%dma_start3A_626 : memref<40x128xf32, #tpu.memory_space<vmem>>) offsets(%dma_start3A_627 : memref<40xi32, #tpu.memory_space<vmem>>) semaphore(%arg16 : memref<!tpu.dma_semaphore, #tpu.memory_space<semaphore_mem>>)
      %mul3A_631 = arith.constant 80 : i32
      %mul3A_632 = arith.muli %add3A_618, %mul3A_631 : i32
      %add3A_633 = arith.constant 40 : i32
      %add3A_634 = arith.addi %mul3A_632, %add3A_633 : i32
      %multiple_of3A_635 = tpu.assume_multiple %add3A_634, 8 : i32
      %dma_start3A_636 = arith.constant 40 : i32
      %dma_start3A_637 = arith.constant 0 : i32
      %dma_start3A_638 = tpu.memref_slice %arg13[%dma_start3A_636, %dma_start3A_637] : memref<80x128xf32, #tpu.memory_space<vmem>> -> memref<40x128xf32, #tpu.memory_space<vmem>>
      %dma_start3A_639 = tpu.memref_slice %arg8[%multiple_of3A_635] : memref<10000xi32, #tpu.memory_space<vmem>> -> memref<40xi32, #tpu.memory_space<vmem>>
      %dma_start3A_640 = arith.constant 0 : i32
      %dma_start3A_641 = arith.constant 0 : i32
      %dma_start3A_642 = tpu.memref_slice %arg2[%dma_start3A_640, %dma_start3A_641] : memref<10000x128xf32, #tpu.memory_space<hbm>> -> memref<10000x128xf32, #tpu.memory_space<hbm>>
      tpu.enqueue_indirect_dma source(%dma_start3A_642 : memref<10000x128xf32, #tpu.memory_space<hbm>>) target(%dma_start3A_638 : memref<40x128xf32, #tpu.memory_space<vmem>>) offsets(%dma_start3A_639 : memref<40xi32, #tpu.memory_space<vmem>>) semaphore(%arg16 : memref<!tpu.dma_semaphore, #tpu.memory_space<semaphore_mem>>)
      %mul3A_643 = arith.constant 80 : i32
      %mul3A_644 = arith.muli %add3A_607, %mul3A_643 : i32
      %add3A_645 = arith.constant 0 : i32
      %add3A_646 = arith.addi %mul3A_644, %add3A_645 : i32
      %multiple_of3A_647 = tpu.assume_multiple %add3A_646, 8 : i32
      %dma_wait3A_648 = arith.constant 0 : i32
      %dma_wait3A_649 = arith.constant 0 : i32
      %dma_wait3A_650 = tpu.memref_slice %arg11[%dma_wait3A_648, %dma_wait3A_649] : memref<80x128xf32, #tpu.memory_space<vmem>> -> memref<40x128xf32, #tpu.memory_space<vmem>>
      %dma_wait3A_651 = tpu.memref_slice %arg8[%multiple_of3A_647] : memref<10000xi32, #tpu.memory_space<vmem>> -> memref<40xi32, #tpu.memory_space<vmem>>
      %dma_wait3A_652 = arith.constant 0 : i32
      %dma_wait3A_653 = arith.constant 0 : i32
      %dma_wait3A_654 = tpu.memref_slice %arg2[%dma_wait3A_652, %dma_wait3A_653] : memref<10000x128xf32, #tpu.memory_space<hbm>> -> memref<10000x128xf32, #tpu.memory_space<hbm>>
      tpu.wait_indirect_dma semaphore(%arg14 : memref<!tpu.dma_semaphore, #tpu.memory_space<semaphore_mem>>) src(%dma_wait3A_654 : memref<10000x128xf32, #tpu.memory_space<hbm>>) dst(%dma_wait3A_650 : memref<40x128xf32, #tpu.memory_space<vmem>>)
      %mul3A_655 = arith.constant 80 : i32
      %mul3A_656 = arith.muli %add3A_607, %mul3A_655 : i32
      %add3A_657 = arith.constant 40 : i32
      %add3A_658 = arith.addi %mul3A_656, %add3A_657 : i32
      %multiple_of3A_659 = tpu.assume_multiple %add3A_658, 8 : i32
      %dma_wait3A_660 = arith.constant 40 : i32
      %dma_wait3A_661 = arith.constant 0 : i32
      %dma_wait3A_662 = tpu.memref_slice %arg11[%dma_wait3A_660, %dma_wait3A_661] : memref<80x128xf32, #tpu.memory_space<vmem>> -> memref<40x128xf32, #tpu.memory_space<vmem>>
      %dma_wait3A_663 = tpu.memref_slice %arg8[%multiple_of3A_659] : memref<10000xi32, #tpu.memory_space<vmem>> -> memref<40xi32, #tpu.memory_space<vmem>>
      %dma_wait3A_664 = arith.constant 0 : i32
      %dma_wait3A_665 = arith.constant 0 : i32
      %dma_wait3A_666 = tpu.memref_slice %arg2[%dma_wait3A_664, %dma_wait3A_665] : memref<10000x128xf32, #tpu.memory_space<hbm>> -> memref<10000x128xf32, #tpu.memory_space<hbm>>
      tpu.wait_indirect_dma semaphore(%arg14 : memref<!tpu.dma_semaphore, #tpu.memory_space<semaphore_mem>>) src(%dma_wait3A_666 : memref<10000x128xf32, #tpu.memory_space<hbm>>) dst(%dma_wait3A_662 : memref<40x128xf32, #tpu.memory_space<vmem>>)
      %dma_start3A_667 = arith.constant 0 : i32
      %dma_start3A_668 = tpu.memref_slice %arg9[%add3A_609, %dma_start3A_667] : memref<25x80xi32, #tpu.memory_space<vmem>> -> memref<1x80xi32, #tpu.memory_space<vmem>>
      %dma_start3A_669 = tpu.memref_squeeze %dma_start3A_668 : memref<1x80xi32, #tpu.memory_space<vmem>> -> memref<80xi32, #tpu.memory_space<vmem>>
      %dma_start3A_670 = arith.constant 0 : i32
      %dma_start3A_671 = arith.constant 0 : i32
      %dma_start3A_672 = tpu.memref_slice %arg7[%dma_start3A_670, %dma_start3A_671] : memref<10112x128xf32, #tpu.memory_space<vmem_shared>> -> memref<10112x128xf32, #tpu.memory_space<vmem_shared>>
      tpu.enqueue_indirect_dma source(%arg11 : memref<80x128xf32, #tpu.memory_space<vmem>>) target(%dma_start3A_672 : memref<10112x128xf32, #tpu.memory_space<vmem_shared>>) offsets(%dma_start3A_669 : memref<80xi32, #tpu.memory_space<vmem>>) semaphore(%arg17 : memref<!tpu.dma_semaphore, #tpu.memory_space<semaphore_mem>>) {add = true}
      %add3A_673 = arith.constant 100 : i32
      %add3A_674 = arith.addi %add3A_673, %add3A_538 : i32
      %add3A_675 = arith.constant 2 : i32
      %add3A_676 = arith.addi %add3A_674, %add3A_675 : i32
      %add3A_677 = arith.constant 2 : i32
      %add3A_678 = arith.addi %add3A_538, %add3A_677 : i32
      %dma_wait3A_679 = arith.constant 0 : i32
      %dma_wait3A_680 = arith.constant 0 : i32
      %dma_wait3A_681 = tpu.memref_slice %arg9[%dma_wait3A_679, %dma_wait3A_680] : memref<25x80xi32, #tpu.memory_space<vmem>> -> memref<1x80xi32, #tpu.memory_space<vmem>>
      %dma_wait3A_682 = tpu.memref_squeeze %dma_wait3A_681 : memref<1x80xi32, #tpu.memory_space<vmem>> -> memref<80xi32, #tpu.memory_space<vmem>>
      %dma_wait3A_683 = arith.constant 0 : i32
      %dma_wait3A_684 = arith.constant 0 : i32
      %dma_wait3A_685 = tpu.memref_slice %arg7[%dma_wait3A_683, %dma_wait3A_684] : memref<10112x128xf32, #tpu.memory_space<vmem_shared>> -> memref<10112x128xf32, #tpu.memory_space<vmem_shared>>
      tpu.wait_indirect_dma semaphore(%arg17 : memref<!tpu.dma_semaphore, #tpu.memory_space<semaphore_mem>>) src(%arg11 : memref<80x128xf32, #tpu.memory_space<vmem>>) dst(%dma_wait3A_685 : memref<10112x128xf32, #tpu.memory_space<vmem_shared>>)
      %add3A_686 = arith.constant 2 : i32
      %add3A_687 = arith.addi %add3A_676, %add3A_686 : i32
      %mul3A_688 = arith.constant 80 : i32
      %mul3A_689 = arith.muli %add3A_687, %mul3A_688 : i32
      %add3A_690 = arith.constant 0 : i32
      %add3A_691 = arith.addi %mul3A_689, %add3A_690 : i32
      %multiple_of3A_692 = tpu.assume_multiple %add3A_691, 8 : i32
      %dma_start3A_693 = arith.constant 0 : i32
      %dma_start3A_694 = arith.constant 0 : i32
      %dma_start3A_695 = tpu.memref_slice %arg11[%dma_start3A_693, %dma_start3A_694] : memref<80x128xf32, #tpu.memory_space<vmem>> -> memref<40x128xf32, #tpu.memory_space<vmem>>
      %dma_start3A_696 = tpu.memref_slice %arg8[%multiple_of3A_692] : memref<10000xi32, #tpu.memory_space<vmem>> -> memref<40xi32, #tpu.memory_space<vmem>>
      %dma_start3A_697 = arith.constant 0 : i32
      %dma_start3A_698 = arith.constant 0 : i32
      %dma_start3A_699 = tpu.memref_slice %arg2[%dma_start3A_697, %dma_start3A_698] : memref<10000x128xf32, #tpu.memory_space<hbm>> -> memref<10000x128xf32, #tpu.memory_space<hbm>>
      tpu.enqueue_indirect_dma source(%dma_start3A_699 : memref<10000x128xf32, #tpu.memory_space<hbm>>) target(%dma_start3A_695 : memref<40x128xf32, #tpu.memory_space<vmem>>) offsets(%dma_start3A_696 : memref<40xi32, #tpu.memory_space<vmem>>) semaphore(%arg14 : memref<!tpu.dma_semaphore, #tpu.memory_space<semaphore_mem>>)
      %mul3A_700 = arith.constant 80 : i32
      %mul3A_701 = arith.muli %add3A_687, %mul3A_700 : i32
      %add3A_702 = arith.constant 40 : i32
      %add3A_703 = arith.addi %mul3A_701, %add3A_702 : i32
      %multiple_of3A_704 = tpu.assume_multiple %add3A_703, 8 : i32
      %dma_start3A_705 = arith.constant 40 : i32
      %dma_start3A_706 = arith.constant 0 : i32
      %dma_start3A_707 = tpu.memref_slice %arg11[%dma_start3A_705, %dma_start3A_706] : memref<80x128xf32, #tpu.memory_space<vmem>> -> memref<40x128xf32, #tpu.memory_space<vmem>>
      %dma_start3A_708 = tpu.memref_slice %arg8[%multiple_of3A_704] : memref<10000xi32, #tpu.memory_space<vmem>> -> memref<40xi32, #tpu.memory_space<vmem>>
      %dma_start3A_709 = arith.constant 0 : i32
      %dma_start3A_710 = arith.constant 0 : i32
      %dma_start3A_711 = tpu.memref_slice %arg2[%dma_start3A_709, %dma_start3A_710] : memref<10000x128xf32, #tpu.memory_space<hbm>> -> memref<10000x128xf32, #tpu.memory_space<hbm>>
      tpu.enqueue_indirect_dma source(%dma_start3A_711 : memref<10000x128xf32, #tpu.memory_space<hbm>>) target(%dma_start3A_707 : memref<40x128xf32, #tpu.memory_space<vmem>>) offsets(%dma_start3A_708 : memref<40xi32, #tpu.memory_space<vmem>>) semaphore(%arg14 : memref<!tpu.dma_semaphore, #tpu.memory_space<semaphore_mem>>)
      %mul3A_712 = arith.constant 80 : i32
      %mul3A_713 = arith.muli %add3A_676, %mul3A_712 : i32
      %add3A_714 = arith.constant 0 : i32
      %add3A_715 = arith.addi %mul3A_713, %add3A_714 : i32
      %multiple_of3A_716 = tpu.assume_multiple %add3A_715, 8 : i32
      %dma_wait3A_717 = arith.constant 0 : i32
      %dma_wait3A_718 = arith.constant 0 : i32
      %dma_wait3A_719 = tpu.memref_slice %arg12[%dma_wait3A_717, %dma_wait3A_718] : memref<80x128xf32, #tpu.memory_space<vmem>> -> memref<40x128xf32, #tpu.memory_space<vmem>>
      %dma_wait3A_720 = tpu.memref_slice %arg8[%multiple_of3A_716] : memref<10000xi32, #tpu.memory_space<vmem>> -> memref<40xi32, #tpu.memory_space<vmem>>
      %dma_wait3A_721 = arith.constant 0 : i32
      %dma_wait3A_722 = arith.constant 0 : i32
      %dma_wait3A_723 = tpu.memref_slice %arg2[%dma_wait3A_721, %dma_wait3A_722] : memref<10000x128xf32, #tpu.memory_space<hbm>> -> memref<10000x128xf32, #tpu.memory_space<hbm>>
      tpu.wait_indirect_dma semaphore(%arg15 : memref<!tpu.dma_semaphore, #tpu.memory_space<semaphore_mem>>) src(%dma_wait3A_723 : memref<10000x128xf32, #tpu.memory_space<hbm>>) dst(%dma_wait3A_719 : memref<40x128xf32, #tpu.memory_space<vmem>>)
      %mul3A_724 = arith.constant 80 : i32
      %mul3A_725 = arith.muli %add3A_676, %mul3A_724 : i32
      %add3A_726 = arith.constant 40 : i32
      %add3A_727 = arith.addi %mul3A_725, %add3A_726 : i32
      %multiple_of3A_728 = tpu.assume_multiple %add3A_727, 8 : i32
      %dma_wait3A_729 = arith.constant 40 : i32
      %dma_wait3A_730 = arith.constant 0 : i32
      %dma_wait3A_731 = tpu.memref_slice %arg12[%dma_wait3A_729, %dma_wait3A_730] : memref<80x128xf32, #tpu.memory_space<vmem>> -> memref<40x128xf32, #tpu.memory_space<vmem>>
      %dma_wait3A_732 = tpu.memref_slice %arg8[%multiple_of3A_728] : memref<10000xi32, #tpu.memory_space<vmem>> -> memref<40xi32, #tpu.memory_space<vmem>>
      %dma_wait3A_733 = arith.constant 0 : i32
      %dma_wait3A_734 = arith.constant 0 : i32
      %dma_wait3A_735 = tpu.memref_slice %arg2[%dma_wait3A_733, %dma_wait3A_734] : memref<10000x128xf32, #tpu.memory_space<hbm>> -> memref<10000x128xf32, #tpu.memory_space<hbm>>
      tpu.wait_indirect_dma semaphore(%arg15 : memref<!tpu.dma_semaphore, #tpu.memory_space<semaphore_mem>>) src(%dma_wait3A_735 : memref<10000x128xf32, #tpu.memory_space<hbm>>) dst(%dma_wait3A_731 : memref<40x128xf32, #tpu.memory_space<vmem>>)
      %dma_start3A_736 = arith.constant 0 : i32
      %dma_start3A_737 = tpu.memref_slice %arg9[%add3A_678, %dma_start3A_736] : memref<25x80xi32, #tpu.memory_space<vmem>> -> memref<1x80xi32, #tpu.memory_space<vmem>>
      %dma_start3A_738 = tpu.memref_squeeze %dma_start3A_737 : memref<1x80xi32, #tpu.memory_space<vmem>> -> memref<80xi32, #tpu.memory_space<vmem>>
      %dma_start3A_739 = arith.constant 0 : i32
      %dma_start3A_740 = arith.constant 0 : i32
      %dma_start3A_741 = tpu.memref_slice %arg7[%dma_start3A_739, %dma_start3A_740] : memref<10112x128xf32, #tpu.memory_space<vmem_shared>> -> memref<10112x128xf32, #tpu.memory_space<vmem_shared>>
      tpu.enqueue_indirect_dma source(%arg12 : memref<80x128xf32, #tpu.memory_space<vmem>>) target(%dma_start3A_741 : memref<10112x128xf32, #tpu.memory_space<vmem_shared>>) offsets(%dma_start3A_738 : memref<80xi32, #tpu.memory_space<vmem>>) semaphore(%arg18 : memref<!tpu.dma_semaphore, #tpu.memory_space<semaphore_mem>>) {add = true}
    }
    %scan3A_411 = arith.constant 7 : i32
    %dma_wait3A_412 = arith.constant 0 : i32
    %dma_wait3A_413 = arith.constant 0 : i32
    %dma_wait3A_414 = tpu.memref_slice %arg9[%dma_wait3A_412, %dma_wait3A_413] : memref<25x80xi32, #tpu.memory_space<vmem>> -> memref<1x80xi32, #tpu.memory_space<vmem>>
    %dma_wait3A_415 = tpu.memref_squeeze %dma_wait3A_414 : memref<1x80xi32, #tpu.memory_space<vmem>> -> memref<80xi32, #tpu.memory_space<vmem>>
    %dma_wait3A_416 = arith.constant 0 : i32
    %dma_wait3A_417 = arith.constant 0 : i32
    %dma_wait3A_418 = tpu.memref_slice %arg7[%dma_wait3A_416, %dma_wait3A_417] : memref<10112x128xf32, #tpu.memory_space<vmem_shared>> -> memref<10112x128xf32, #tpu.memory_space<vmem_shared>>
    tpu.wait_indirect_dma semaphore(%arg18 : memref<!tpu.dma_semaphore, #tpu.memory_space<semaphore_mem>>) src(%arg12 : memref<80x128xf32, #tpu.memory_space<vmem>>) dst(%dma_wait3A_418 : memref<10112x128xf32, #tpu.memory_space<vmem_shared>>)
    %multiple_of3A_419 = arith.constant 9920 : i32
    %multiple_of3A_420 = tpu.assume_multiple %multiple_of3A_419, 8 : i32
    %dma_start3A_421 = arith.constant 0 : i32
    %dma_start3A_422 = arith.constant 0 : i32
    %dma_start3A_423 = tpu.memref_slice %arg12[%dma_start3A_421, %dma_start3A_422] : memref<80x128xf32, #tpu.memory_space<vmem>> -> memref<40x128xf32, #tpu.memory_space<vmem>>
    %dma_start3A_424 = tpu.memref_slice %arg8[%multiple_of3A_420] : memref<10000xi32, #tpu.memory_space<vmem>> -> memref<40xi32, #tpu.memory_space<vmem>>
    %dma_start3A_425 = arith.constant 0 : i32
    %dma_start3A_426 = arith.constant 0 : i32
    %dma_start3A_427 = tpu.memref_slice %arg2[%dma_start3A_425, %dma_start3A_426] : memref<10000x128xf32, #tpu.memory_space<hbm>> -> memref<10000x128xf32, #tpu.memory_space<hbm>>
    tpu.enqueue_indirect_dma source(%dma_start3A_427 : memref<10000x128xf32, #tpu.memory_space<hbm>>) target(%dma_start3A_423 : memref<40x128xf32, #tpu.memory_space<vmem>>) offsets(%dma_start3A_424 : memref<40xi32, #tpu.memory_space<vmem>>) semaphore(%arg15 : memref<!tpu.dma_semaphore, #tpu.memory_space<semaphore_mem>>)
    %multiple_of3A_428 = arith.constant 9960 : i32
    %multiple_of3A_429 = tpu.assume_multiple %multiple_of3A_428, 8 : i32
    %dma_start3A_430 = arith.constant 40 : i32
    %dma_start3A_431 = arith.constant 0 : i32
    %dma_start3A_432 = tpu.memref_slice %arg12[%dma_start3A_430, %dma_start3A_431] : memref<80x128xf32, #tpu.memory_space<vmem>> -> memref<40x128xf32, #tpu.memory_space<vmem>>
    %dma_start3A_433 = tpu.memref_slice %arg8[%multiple_of3A_429] : memref<10000xi32, #tpu.memory_space<vmem>> -> memref<40xi32, #tpu.memory_space<vmem>>
    %dma_start3A_434 = arith.constant 0 : i32
    %dma_start3A_435 = arith.constant 0 : i32
    %dma_start3A_436 = tpu.memref_slice %arg2[%dma_start3A_434, %dma_start3A_435] : memref<10000x128xf32, #tpu.memory_space<hbm>> -> memref<10000x128xf32, #tpu.memory_space<hbm>>
    tpu.enqueue_indirect_dma source(%dma_start3A_436 : memref<10000x128xf32, #tpu.memory_space<hbm>>) target(%dma_start3A_432 : memref<40x128xf32, #tpu.memory_space<vmem>>) offsets(%dma_start3A_433 : memref<40xi32, #tpu.memory_space<vmem>>) semaphore(%arg15 : memref<!tpu.dma_semaphore, #tpu.memory_space<semaphore_mem>>)
    %multiple_of3A_437 = arith.constant 9760 : i32
    %multiple_of3A_438 = tpu.assume_multiple %multiple_of3A_437, 8 : i32
    %dma_wait3A_439 = arith.constant 0 : i32
    %dma_wait3A_440 = arith.constant 0 : i32
    %dma_wait3A_441 = tpu.memref_slice %arg13[%dma_wait3A_439, %dma_wait3A_440] : memref<80x128xf32, #tpu.memory_space<vmem>> -> memref<40x128xf32, #tpu.memory_space<vmem>>
    %dma_wait3A_442 = tpu.memref_slice %arg8[%multiple_of3A_438] : memref<10000xi32, #tpu.memory_space<vmem>> -> memref<40xi32, #tpu.memory_space<vmem>>
    %dma_wait3A_443 = arith.constant 0 : i32
    %dma_wait3A_444 = arith.constant 0 : i32
    %dma_wait3A_445 = tpu.memref_slice %arg2[%dma_wait3A_443, %dma_wait3A_444] : memref<10000x128xf32, #tpu.memory_space<hbm>> -> memref<10000x128xf32, #tpu.memory_space<hbm>>
    tpu.wait_indirect_dma semaphore(%arg16 : memref<!tpu.dma_semaphore, #tpu.memory_space<semaphore_mem>>) src(%dma_wait3A_445 : memref<10000x128xf32, #tpu.memory_space<hbm>>) dst(%dma_wait3A_441 : memref<40x128xf32, #tpu.memory_space<vmem>>)
    %multiple_of3A_446 = arith.constant 9800 : i32
    %multiple_of3A_447 = tpu.assume_multiple %multiple_of3A_446, 8 : i32
    %dma_wait3A_448 = arith.constant 40 : i32
    %dma_wait3A_449 = arith.constant 0 : i32
    %dma_wait3A_450 = tpu.memref_slice %arg13[%dma_wait3A_448, %dma_wait3A_449] : memref<80x128xf32, #tpu.memory_space<vmem>> -> memref<40x128xf32, #tpu.memory_space<vmem>>
    %dma_wait3A_451 = tpu.memref_slice %arg8[%multiple_of3A_447] : memref<10000xi32, #tpu.memory_space<vmem>> -> memref<40xi32, #tpu.memory_space<vmem>>
    %dma_wait3A_452 = arith.constant 0 : i32
    %dma_wait3A_453 = arith.constant 0 : i32
    %dma_wait3A_454 = tpu.memref_slice %arg2[%dma_wait3A_452, %dma_wait3A_453] : memref<10000x128xf32, #tpu.memory_space<hbm>> -> memref<10000x128xf32, #tpu.memory_space<hbm>>
    tpu.wait_indirect_dma semaphore(%arg16 : memref<!tpu.dma_semaphore, #tpu.memory_space<semaphore_mem>>) src(%dma_wait3A_454 : memref<10000x128xf32, #tpu.memory_space<hbm>>) dst(%dma_wait3A_450 : memref<40x128xf32, #tpu.memory_space<vmem>>)
    %dma_start3A_455 = arith.constant 22 : i32
    %dma_start3A_456 = arith.constant 0 : i32
    %dma_start3A_457 = tpu.memref_slice %arg9[%dma_start3A_455, %dma_start3A_456] : memref<25x80xi32, #tpu.memory_space<vmem>> -> memref<1x80xi32, #tpu.memory_space<vmem>>
    %dma_start3A_458 = tpu.memref_squeeze %dma_start3A_457 : memref<1x80xi32, #tpu.memory_space<vmem>> -> memref<80xi32, #tpu.memory_space<vmem>>
    %dma_start3A_459 = arith.constant 0 : i32
    %dma_start3A_460 = arith.constant 0 : i32
    %dma_start3A_461 = tpu.memref_slice %arg7[%dma_start3A_459, %dma_start3A_460] : memref<10112x128xf32, #tpu.memory_space<vmem_shared>> -> memref<10112x128xf32, #tpu.memory_space<vmem_shared>>
    tpu.enqueue_indirect_dma source(%arg13 : memref<80x128xf32, #tpu.memory_space<vmem>>) target(%dma_start3A_461 : memref<10112x128xf32, #tpu.memory_space<vmem_shared>>) offsets(%dma_start3A_458 : memref<80xi32, #tpu.memory_space<vmem>>) semaphore(%arg19 : memref<!tpu.dma_semaphore, #tpu.memory_space<semaphore_mem>>) {add = true}
    %dma_wait3A_462 = arith.constant 0 : i32
    %dma_wait3A_463 = arith.constant 0 : i32
    %dma_wait3A_464 = tpu.memref_slice %arg9[%dma_wait3A_462, %dma_wait3A_463] : memref<25x80xi32, #tpu.memory_space<vmem>> -> memref<1x80xi32, #tpu.memory_space<vmem>>
    %dma_wait3A_465 = tpu.memref_squeeze %dma_wait3A_464 : memref<1x80xi32, #tpu.memory_space<vmem>> -> memref<80xi32, #tpu.memory_space<vmem>>
    %dma_wait3A_466 = arith.constant 0 : i32
    %dma_wait3A_467 = arith.constant 0 : i32
    %dma_wait3A_468 = tpu.memref_slice %arg7[%dma_wait3A_466, %dma_wait3A_467] : memref<10112x128xf32, #tpu.memory_space<vmem_shared>> -> memref<10112x128xf32, #tpu.memory_space<vmem_shared>>
    tpu.wait_indirect_dma semaphore(%arg19 : memref<!tpu.dma_semaphore, #tpu.memory_space<semaphore_mem>>) src(%arg13 : memref<80x128xf32, #tpu.memory_space<vmem>>) dst(%dma_wait3A_468 : memref<10112x128xf32, #tpu.memory_space<vmem_shared>>)
    %multiple_of3A_469 = arith.constant 9840 : i32
    %multiple_of3A_470 = tpu.assume_multiple %multiple_of3A_469, 8 : i32
    %dma_wait3A_471 = arith.constant 0 : i32
    %dma_wait3A_472 = arith.constant 0 : i32
    %dma_wait3A_473 = tpu.memref_slice %arg11[%dma_wait3A_471, %dma_wait3A_472] : memref<80x128xf32, #tpu.memory_space<vmem>> -> memref<40x128xf32, #tpu.memory_space<vmem>>
    %dma_wait3A_474 = tpu.memref_slice %arg8[%multiple_of3A_470] : memref<10000xi32, #tpu.memory_space<vmem>> -> memref<40xi32, #tpu.memory_space<vmem>>
    %dma_wait3A_475 = arith.constant 0 : i32
    %dma_wait3A_476 = arith.constant 0 : i32
    %dma_wait3A_477 = tpu.memref_slice %arg2[%dma_wait3A_475, %dma_wait3A_476] : memref<10000x128xf32, #tpu.memory_space<hbm>> -> memref<10000x128xf32, #tpu.memory_space<hbm>>
    tpu.wait_indirect_dma semaphore(%arg14 : memref<!tpu.dma_semaphore, #tpu.memory_space<semaphore_mem>>) src(%dma_wait3A_477 : memref<10000x128xf32, #tpu.memory_space<hbm>>) dst(%dma_wait3A_473 : memref<40x128xf32, #tpu.memory_space<vmem>>)
    %multiple_of3A_478 = arith.constant 9880 : i32
    %multiple_of3A_479 = tpu.assume_multiple %multiple_of3A_478, 8 : i32
    %dma_wait3A_480 = arith.constant 40 : i32
    %dma_wait3A_481 = arith.constant 0 : i32
    %dma_wait3A_482 = tpu.memref_slice %arg11[%dma_wait3A_480, %dma_wait3A_481] : memref<80x128xf32, #tpu.memory_space<vmem>> -> memref<40x128xf32, #tpu.memory_space<vmem>>
    %dma_wait3A_483 = tpu.memref_slice %arg8[%multiple_of3A_479] : memref<10000xi32, #tpu.memory_space<vmem>> -> memref<40xi32, #tpu.memory_space<vmem>>
    %dma_wait3A_484 = arith.constant 0 : i32
    %dma_wait3A_485 = arith.constant 0 : i32
    %dma_wait3A_486 = tpu.memref_slice %arg2[%dma_wait3A_484, %dma_wait3A_485] : memref<10000x128xf32, #tpu.memory_space<hbm>> -> memref<10000x128xf32, #tpu.memory_space<hbm>>
    tpu.wait_indirect_dma semaphore(%arg14 : memref<!tpu.dma_semaphore, #tpu.memory_space<semaphore_mem>>) src(%dma_wait3A_486 : memref<10000x128xf32, #tpu.memory_space<hbm>>) dst(%dma_wait3A_482 : memref<40x128xf32, #tpu.memory_space<vmem>>)
    %dma_start3A_487 = arith.constant 23 : i32
    %dma_start3A_488 = arith.constant 0 : i32
    %dma_start3A_489 = tpu.memref_slice %arg9[%dma_start3A_487, %dma_start3A_488] : memref<25x80xi32, #tpu.memory_space<vmem>> -> memref<1x80xi32, #tpu.memory_space<vmem>>
    %dma_start3A_490 = tpu.memref_squeeze %dma_start3A_489 : memref<1x80xi32, #tpu.memory_space<vmem>> -> memref<80xi32, #tpu.memory_space<vmem>>
    %dma_start3A_491 = arith.constant 0 : i32
    %dma_start3A_492 = arith.constant 0 : i32
    %dma_start3A_493 = tpu.memref_slice %arg7[%dma_start3A_491, %dma_start3A_492] : memref<10112x128xf32, #tpu.memory_space<vmem_shared>> -> memref<10112x128xf32, #tpu.memory_space<vmem_shared>>
    tpu.enqueue_indirect_dma source(%arg11 : memref<80x128xf32, #tpu.memory_space<vmem>>) target(%dma_start3A_493 : memref<10112x128xf32, #tpu.memory_space<vmem_shared>>) offsets(%dma_start3A_490 : memref<80xi32, #tpu.memory_space<vmem>>) semaphore(%arg17 : memref<!tpu.dma_semaphore, #tpu.memory_space<semaphore_mem>>) {add = true}
    %dma_wait3A_494 = arith.constant 0 : i32
    %dma_wait3A_495 = arith.constant 0 : i32
    %dma_wait3A_496 = tpu.memref_slice %arg9[%dma_wait3A_494, %dma_wait3A_495] : memref<25x80xi32, #tpu.memory_space<vmem>> -> memref<1x80xi32, #tpu.memory_space<vmem>>
    %dma_wait3A_497 = tpu.memref_squeeze %dma_wait3A_496 : memref<1x80xi32, #tpu.memory_space<vmem>> -> memref<80xi32, #tpu.memory_space<vmem>>
    %dma_wait3A_498 = arith.constant 0 : i32
    %dma_wait3A_499 = arith.constant 0 : i32
    %dma_wait3A_500 = tpu.memref_slice %arg7[%dma_wait3A_498, %dma_wait3A_499] : memref<10112x128xf32, #tpu.memory_space<vmem_shared>> -> memref<10112x128xf32, #tpu.memory_space<vmem_shared>>
    tpu.wait_indirect_dma semaphore(%arg17 : memref<!tpu.dma_semaphore, #tpu.memory_space<semaphore_mem>>) src(%arg11 : memref<80x128xf32, #tpu.memory_space<vmem>>) dst(%dma_wait3A_500 : memref<10112x128xf32, #tpu.memory_space<vmem_shared>>)
    %multiple_of3A_501 = arith.constant 9920 : i32
    %multiple_of3A_502 = tpu.assume_multiple %multiple_of3A_501, 8 : i32
    %dma_wait3A_503 = arith.constant 0 : i32
    %dma_wait3A_504 = arith.constant 0 : i32
    %dma_wait3A_505 = tpu.memref_slice %arg12[%dma_wait3A_503, %dma_wait3A_504] : memref<80x128xf32, #tpu.memory_space<vmem>> -> memref<40x128xf32, #tpu.memory_space<vmem>>
    %dma_wait3A_506 = tpu.memref_slice %arg8[%multiple_of3A_502] : memref<10000xi32, #tpu.memory_space<vmem>> -> memref<40xi32, #tpu.memory_space<vmem>>
    %dma_wait3A_507 = arith.constant 0 : i32
    %dma_wait3A_508 = arith.constant 0 : i32
    %dma_wait3A_509 = tpu.memref_slice %arg2[%dma_wait3A_507, %dma_wait3A_508] : memref<10000x128xf32, #tpu.memory_space<hbm>> -> memref<10000x128xf32, #tpu.memory_space<hbm>>
    tpu.wait_indirect_dma semaphore(%arg15 : memref<!tpu.dma_semaphore, #tpu.memory_space<semaphore_mem>>) src(%dma_wait3A_509 : memref<10000x128xf32, #tpu.memory_space<hbm>>) dst(%dma_wait3A_505 : memref<40x128xf32, #tpu.memory_space<vmem>>)
    %multiple_of3A_510 = arith.constant 9960 : i32
    %multiple_of3A_511 = tpu.assume_multiple %multiple_of3A_510, 8 : i32
    %dma_wait3A_512 = arith.constant 40 : i32
    %dma_wait3A_513 = arith.constant 0 : i32
    %dma_wait3A_514 = tpu.memref_slice %arg12[%dma_wait3A_512, %dma_wait3A_513] : memref<80x128xf32, #tpu.memory_space<vmem>> -> memref<40x128xf32, #tpu.memory_space<vmem>>
    %dma_wait3A_515 = tpu.memref_slice %arg8[%multiple_of3A_511] : memref<10000xi32, #tpu.memory_space<vmem>> -> memref<40xi32, #tpu.memory_space<vmem>>
    %dma_wait3A_516 = arith.constant 0 : i32
    %dma_wait3A_517 = arith.constant 0 : i32
    %dma_wait3A_518 = tpu.memref_slice %arg2[%dma_wait3A_516, %dma_wait3A_517] : memref<10000x128xf32, #tpu.memory_space<hbm>> -> memref<10000x128xf32, #tpu.memory_space<hbm>>
    tpu.wait_indirect_dma semaphore(%arg15 : memref<!tpu.dma_semaphore, #tpu.memory_space<semaphore_mem>>) src(%dma_wait3A_518 : memref<10000x128xf32, #tpu.memory_space<hbm>>) dst(%dma_wait3A_514 : memref<40x128xf32, #tpu.memory_space<vmem>>)
    %dma_start3A_519 = arith.constant 24 : i32
    %dma_start3A_520 = arith.constant 0 : i32
    %dma_start3A_521 = tpu.memref_slice %arg9[%dma_start3A_519, %dma_start3A_520] : memref<25x80xi32, #tpu.memory_space<vmem>> -> memref<1x80xi32, #tpu.memory_space<vmem>>
    %dma_start3A_522 = tpu.memref_squeeze %dma_start3A_521 : memref<1x80xi32, #tpu.memory_space<vmem>> -> memref<80xi32, #tpu.memory_space<vmem>>
    %dma_start3A_523 = arith.constant 0 : i32
    %dma_start3A_524 = arith.constant 0 : i32
    %dma_start3A_525 = tpu.memref_slice %arg7[%dma_start3A_523, %dma_start3A_524] : memref<10112x128xf32, #tpu.memory_space<vmem_shared>> -> memref<10112x128xf32, #tpu.memory_space<vmem_shared>>
    tpu.enqueue_indirect_dma source(%arg12 : memref<80x128xf32, #tpu.memory_space<vmem>>) target(%dma_start3A_525 : memref<10112x128xf32, #tpu.memory_space<vmem_shared>>) offsets(%dma_start3A_522 : memref<80xi32, #tpu.memory_space<vmem>>) semaphore(%arg18 : memref<!tpu.dma_semaphore, #tpu.memory_space<semaphore_mem>>) {add = true}
    %dma_wait3A_526 = arith.constant 0 : i32
    %dma_wait3A_527 = arith.constant 0 : i32
    %dma_wait3A_528 = tpu.memref_slice %arg9[%dma_wait3A_526, %dma_wait3A_527] : memref<25x80xi32, #tpu.memory_space<vmem>> -> memref<1x80xi32, #tpu.memory_space<vmem>>
    %dma_wait3A_529 = tpu.memref_squeeze %dma_wait3A_528 : memref<1x80xi32, #tpu.memory_space<vmem>> -> memref<80xi32, #tpu.memory_space<vmem>>
    %dma_wait3A_530 = arith.constant 0 : i32
    %dma_wait3A_531 = arith.constant 0 : i32
    %dma_wait3A_532 = tpu.memref_slice %arg7[%dma_wait3A_530, %dma_wait3A_531] : memref<10112x128xf32, #tpu.memory_space<vmem_shared>> -> memref<10112x128xf32, #tpu.memory_space<vmem_shared>>
    tpu.wait_indirect_dma semaphore(%arg18 : memref<!tpu.dma_semaphore, #tpu.memory_space<semaphore_mem>>) src(%arg12 : memref<80x128xf32, #tpu.memory_space<vmem>>) dst(%dma_wait3A_532 : memref<10112x128xf32, #tpu.memory_space<vmem_shared>>)
    %barrier3A_533 = arith.constant 0 : index
    tpu.barrier barrier_id(%barrier3A_533)
    "tpu.region"() ({
      %run_scoped3A = tpu.sem_alloc : memref<!tpu.dma_semaphore, #tpu.memory_space<semaphore_mem>>
      %dma_start3A_534 = arith.constant 0 : i32
      %dma_start3A_535 = tpu.memref_slice %arg6[%arg0, %mul3A_2, %dma_start3A_534] : memref<2x10112x128xf32, #tpu.memory_space<hbm>> -> memref<1x632x128xf32, #tpu.memory_space<hbm>>
      %dma_start3A_536 = tpu.memref_squeeze %dma_start3A_535 : memref<1x632x128xf32, #tpu.memory_space<hbm>> -> memref<632x128xf32, #tpu.memory_space<hbm>>
      %dma_start3A_537 = arith.constant 0 : i32
      %dma_start3A_538 = tpu.memref_slice %arg7[%mul3A_2, %dma_start3A_537] : memref<10112x128xf32, #tpu.memory_space<vmem_shared>> -> memref<632x128xf32, #tpu.memory_space<vmem_shared>>
      tpu.enqueue_dma source(%dma_start3A_538 : memref<632x128xf32, #tpu.memory_space<vmem_shared>>) target(%dma_start3A_536 : memref<632x128xf32, #tpu.memory_space<hbm>>) target_semaphore(%run_scoped3A : memref<!tpu.dma_semaphore, #tpu.memory_space<semaphore_mem>>)
      %dma_wait3A_539 = arith.constant 0 : i32
      %dma_wait3A_540 = tpu.memref_slice %arg6[%arg0, %mul3A_2, %dma_wait3A_539] : memref<2x10112x128xf32, #tpu.memory_space<hbm>> -> memref<1x632x128xf32, #tpu.memory_space<hbm>>
      %dma_wait3A_541 = tpu.memref_squeeze %dma_wait3A_540 : memref<1x632x128xf32, #tpu.memory_space<hbm>> -> memref<632x128xf32, #tpu.memory_space<hbm>>
      %dma_wait3A_542 = arith.constant 0 : i32
      %dma_wait3A_543 = tpu.memref_slice %arg7[%mul3A_2, %dma_wait3A_542] : memref<10112x128xf32, #tpu.memory_space<vmem_shared>> -> memref<632x128xf32, #tpu.memory_space<vmem_shared>>
      tpu.wait_dma2 semaphore(%run_scoped3A : memref<!tpu.dma_semaphore, #tpu.memory_space<semaphore_mem>>) src(%dma_wait3A_543 : memref<632x128xf32, #tpu.memory_space<vmem_shared>>) dst(%dma_wait3A_541 : memref<632x128xf32, #tpu.memory_space<hbm>>)
      tpu.yield
    }) : () -> ()
    return
  }
}

module attributes {stable_mosaic.version = 14 : i64} {
  func.func @_tc_body(%arg0: i32, %arg1: memref<1x1000x128xf32, #tpu.memory_space<vmem>>, %arg2: memref<1x1000x128xf32, #tpu.memory_space<vmem>>, %arg3: memref<128x128xf32, #tpu.memory_space<vmem>>, %arg4: memref<128x128xf32, #tpu.memory_space<vmem>>, %arg5: memref<128x128xf32, #tpu.memory_space<vmem>>, %arg6: memref<1000x128xf32, #tpu.memory_space<vmem>>, %arg7: memref<1000x128xf32, #tpu.memory_space<vmem>>) attributes {dimension_semantics = [#tpu.dimension_semantics<arbitrary>], iteration_bounds = array<i64: 10>, scalar_prefetch = 0 : i64, scratch_operands = 0 : i64, tpu.core_type = #tpu.core_type<tc>, window_params = [{transform_indices = @transform_0, window_bounds = array<i64: 1, 1000, 128>}, {transform_indices = @transform_1, window_bounds = array<i64: 1, 1000, 128>}, {pipeline_mode = #tpu.pipeline_mode<synchronous>, transform_indices = @transform_2, window_bounds = array<i64: 128, 128>}, {pipeline_mode = #tpu.pipeline_mode<synchronous>, transform_indices = @transform_3, window_bounds = array<i64: 128, 128>}, {pipeline_mode = #tpu.pipeline_mode<synchronous>, transform_indices = @transform_4, window_bounds = array<i64: 128, 128>}, {transform_indices = @transform_5, window_bounds = array<i64: 1000, 128>}, {transform_indices = @transform_6, window_bounds = array<i64: 1000, 128>}]} {
    %get3A = arith.constant 0 : index
    %get3A_0 = arith.constant 0 : index
    %get3A_1 = arith.constant 0 : index
    %get3A_2 = vector.load %arg1[%get3A, %get3A_0, %get3A_1] : memref<1x1000x128xf32, #tpu.memory_space<vmem>>, vector<1x1000x128xf32>
    %get3A_3 = vector.shape_cast %get3A_2 : vector<1x1000x128xf32> to vector<1000x128xf32>
    %get3A_4 = arith.constant 0 : index
    %get3A_5 = arith.constant 0 : index
    %get3A_6 = arith.constant 0 : index
    %get3A_7 = vector.load %arg2[%get3A_4, %get3A_5, %get3A_6] : memref<1x1000x128xf32, #tpu.memory_space<vmem>>, vector<1x1000x128xf32>
    %get3A_8 = vector.shape_cast %get3A_7 : vector<1x1000x128xf32> to vector<1000x128xf32>
    %add3A = arith.addf %get3A_3, %get3A_8 : vector<1000x128xf32>
    %get3A_9 = arith.constant 0 : index
    %get3A_10 = arith.constant 0 : index
    %get3A_11 = vector.load %arg3[%get3A_9, %get3A_10] : memref<128x128xf32, #tpu.memory_space<vmem>>, vector<128x128xf32>
    %dot_general3A = arith.constant dense<0.000000e+00> : vector<1000x128xf32>
    %dot_general3A_12 = tpu.matmul %add3A, %get3A_11, %dot_general3A {dimension_numbers = #tpu.dot_dimension_numbers<[1], [0], [0], [1], [0, 0, 1, 1], [], []>, transpose_lhs_hint = false} : vector<1000x128xf32>, vector<128x128xf32>, vector<1000x128xf32> -> vector<1000x128xf32>
    %swap3A = arith.constant 0 : index
    %swap3A_13 = arith.constant 0 : index
    %swap3A_14 = vector.load %arg6[%swap3A, %swap3A_13] : memref<1000x128xf32, #tpu.memory_space<vmem>>, vector<1000x128xf32>
    tpu.vector_store %arg6[%swap3A, %swap3A_13], %dot_general3A_12 {strides = array<i32>} : memref<1000x128xf32, #tpu.memory_space<vmem>>, vector<1000x128xf32>,
    %get3A_15 = arith.constant 0 : index
    %get3A_16 = arith.constant 0 : index
    %get3A_17 = vector.load %arg4[%get3A_15, %get3A_16] : memref<128x128xf32, #tpu.memory_space<vmem>>, vector<128x128xf32>
    %get3A_18 = arith.constant 0 : index
    %get3A_19 = arith.constant 0 : index
    %get3A_20 = vector.load %arg5[%get3A_18, %get3A_19] : memref<128x128xf32, #tpu.memory_space<vmem>>, vector<128x128xf32>
    %add3A_21 = arith.addf %get3A_17, %get3A_20 : vector<128x128xf32>
    %dot_general3A_22 = arith.constant dense<0.000000e+00> : vector<1000x128xf32>
    %dot_general3A_23 = tpu.matmul %add3A, %add3A_21, %dot_general3A_22 {dimension_numbers = #tpu.dot_dimension_numbers<[1], [0], [0], [1], [0, 0, 1, 1], [], []>, transpose_lhs_hint = false} : vector<1000x128xf32>, vector<128x128xf32>, vector<1000x128xf32> -> vector<1000x128xf32>
    %logistic3A = arith.negf %dot_general3A_23 : vector<1000x128xf32>
    %logistic3A_24 = math.exp %logistic3A : vector<1000x128xf32>
    %logistic3A_25 = arith.constant 1.000000e+00 : f32
    %logistic3A_26 = vector.broadcast %logistic3A_25 : f32 to vector<1000x128xf32>
    %logistic3A_27 = arith.addf %logistic3A_26, %logistic3A_24 : vector<1000x128xf32>
    %logistic3A_28 = arith.divf %logistic3A_26, %logistic3A_27 : vector<1000x128xf32>
    %swap3A_29 = arith.constant 0 : index
    %swap3A_30 = arith.constant 0 : index
    %swap3A_31 = vector.load %arg7[%swap3A_29, %swap3A_30] : memref<1000x128xf32, #tpu.memory_space<vmem>>, vector<1000x128xf32>
    tpu.vector_store %arg7[%swap3A_29, %swap3A_30], %logistic3A_28 {strides = array<i32>} : memref<1000x128xf32, #tpu.memory_space<vmem>>, vector<1000x128xf32>,
    return
  }
  func.func @transform_0(%arg0: i32) -> (i32, i32, i32) {
    %c0_i32 = arith.constant 0 : i32
    %c0_i32_0 = arith.constant 0 : i32
    %c0_i32_1 = arith.constant 0 : i32
    return %c0_i32, %arg0, %c0_i32_0 : i32, i32, i32
  }
  func.func @transform_1(%arg0: i32) -> (i32, i32, i32) {
    %c1_i32 = arith.constant 1 : i32
    %c0_i32 = arith.constant 0 : i32
    %c0_i32_0 = arith.constant 0 : i32
    return %c1_i32, %arg0, %c0_i32 : i32, i32, i32
  }
  func.func @transform_2(%arg0: i32) -> (i32, i32) {
    %c0_i32 = arith.constant 0 : i32
    %c0_i32_0 = arith.constant 0 : i32
    %c0_i32_1 = arith.constant 0 : i32
    return %c0_i32, %c0_i32_0 : i32, i32
  }
  func.func @transform_3(%arg0: i32) -> (i32, i32) {
    %c0_i32 = arith.constant 0 : i32
    %c0_i32_0 = arith.constant 0 : i32
    %c0_i32_1 = arith.constant 0 : i32
    return %c0_i32, %c0_i32_0 : i32, i32
  }
  func.func @transform_4(%arg0: i32) -> (i32, i32) {
    %c0_i32 = arith.constant 0 : i32
    %c0_i32_0 = arith.constant 0 : i32
    %c0_i32_1 = arith.constant 0 : i32
    return %c0_i32, %c0_i32_0 : i32, i32
  }
  func.func @transform_5(%arg0: i32) -> (i32, i32) {
    %c0_i32 = arith.constant 0 : i32
    %c0_i32_0 = arith.constant 0 : i32
    return %arg0, %c0_i32 : i32, i32
  }
  func.func @transform_6(%arg0: i32) -> (i32, i32) {
    %c0_i32 = arith.constant 0 : i32
    %c0_i32_0 = arith.constant 0 : i32
    return %arg0, %c0_i32 : i32, i32
  }
}

</mosaic_0001>

<sc_bundles>
// kernel: kernel.4.cloned.1.call-start
scs
__scs_entry_jumppad:
0x0: {  	(pc) =	sbr.rel $0x88, $3  }
0x1: {  	(tag) =	ssettag $0x0;
	lr =	simm.s32 $0x1  }
0x2: {  	[smem:$0x3F9C] =	sst lr;
	_ =	strace $0xD0000000  }
0x3: {  	_ = 	snop  }
0x4: {  	_ = 	snop  }
0x5: {  	_ = 	snop  }
0x6: {  	_ = 	snop  }
0x7: {  	_ = 	snop  }
__scs_overlays_trampoline_lowered:
0x8: {  	[smem:$0x3FAB] =	sst s0  }
0x9: {  	[smem:$0x3FAC] =	sst s1  }
0xa: {  	[smem:$0x3FAD] =	sst s2  }
0xb: {  	[smem:$0x3FAE] =	sst s3  }
0xc: {  	[smem:$0x3FAF] =	sst s4  }
0xd: {  	[smem:$0x3FB0] =	sst s5  }
0xe: {  	[smem:$0x3FB1] =	sst s6  }
0xf: {  	[smem:$0x3FB2] =	sst s7  }
0x10: {  	[smem:$0x3FB3] =	sst s8  }
0x11: {  	[smem:$0x3FB4] =	sst s9;
	s0 =	simm.s32 @!p0 $0x0  }
0x12: {  	s1 =	sld [smem:$0x3F9A];
	s0 =	simm.s32 @p0 $0x1  }
0x13: {  	[smem:$0x3FB5] =	sst s0;
	s0 =	simm.s32 @!p1 $0x0  }
0x14: {  	s2 =	sld [smem:$0x3F99];
	s0 =	simm.s32 @p1 $0x1  }
0x15: {  	[smem:$0x3FB6] =	sst s0;
	s0 =	simm.s32 @!p2 $0x0  }
0x16: {  	s3 =	sld [smem:$0x3FDB];
	s0 =	simm.s32 @p2 $0x1  }
0x17: {  	s4 =	simm.s32 $0x1BF5;
	[smem:$0x3FB8] =	sst s0  }
0x18: {  	s0 =	sld [smem:$0x3F9B];
	_ =	swait.ge [sflag:s4], $0x0  }
0x19: {  	s7 =	sld [smem:$0x3F9C]  }
0x1a: {  	s8 =	sadd.s32 $0xFFFFE003, lr  }
0x1b: {  	s9 =	sadd.s32 $0xFFFFFEF7, lr;
	s5 =	simm.s32 $0xFFFFFFFF;
	p2 =	slt.u32 s8, $0xFFFFF086  }
0x1c: {  	p1 =	slt.u32 s9, $0xF7A;
	s5 =	simm.s32 @!p2 $0x0  }
0x1d: {  	s5 =	simm.s32 @p1 $0x1;
	p0 =	seq.s32 s7, s2  }
0x1e: {  	s7 =	smul.u32 @!p0 $0xF7A, s2;
	p2 =	seq.s32 @!p0 s5, $0x0  }
0x1f: {  	s9 =	smul.u32 $0xF7A, s1;
	s8 =	simm.s32 @!p0 $0x1BF5;
	p2 =	por !p2, p0  }
0x20: {  	[sflag:s8] =	ssyncset.s32 @!p0 $0xFFFFF086;
	s6 =	sadd.s32 @!p0 s3, s7;
	s7 =	simm.s32 @!p0 $0x108  }
0x21: {  	s3 =	sadd.s32 s3, s9;
	s6 =	sadd.s32 @!p0 $0x88, s6;
	s7 =	simm.s32 @p2 $0x1082  }
0x22: {  	[simem:s7], [sflag:s8] =	dma.local @!p0 [hbm:s6], $0xF7A  }
0x23: {  	s9 =	sor.u32 $0xD0000000, s2;
	s6 =	simm.s32 $0x108;
	_ =	swait.ge @!p0 [sflag:s8], $0x0  }
0x24: {  	s3 =	sadd.s32 $0x88, s3;
	s6 =	simm.s32 @!p1 $0x1082;
	[sflag:s4] =	ssyncset.s32 $0xFFFFF086  }
0x25: {  	[simem:s6], [sflag:s4] =	dma.local [hbm:s3], $0xF7A  }
0x26: {  	[smem:$0x3F9C] =	sst s1;
	(tag) =	ssettag s2;
	_ =	strace s9  }
0x27: {  	s1 =	sld [smem:$0x3FAC]  }
0x28: {  	s2 =	sld [smem:$0x3FAD]  }
0x29: {  	s4 =	sld [smem:$0x3FAF]  }
0x2a: {  	p0 =	seq.s32 s5, $0x0;
	s5 =	sld [smem:$0x3FB0]  }
0x2b: {  	s6 =	sld [smem:$0x3FB1]  }
0x2c: {  	s7 =	sld [smem:$0x3FB2]  }
0x2d: {  	s3 =	simm.s32 $0x108;
	s8 =	sld [smem:$0x3FB3]  }
0x2e: {  	s3 =	simm.s32 @!p0 $0x1082;
	s9 =	sld [smem:$0x3FB4]  }
0x2f: {  	lr =	sadd.s32 s0, s3;
	s0 =	sld [smem:$0x3FAB]  }
0x30: {  	s3 =	sld [smem:$0x3FAE]  }
0x31: {  	[smem:$0x3FB7] =	sst s10  }
0x32: {  	s10 =	sld [smem:$0x3FB5];
	_ =	sdelay $0x3  }
0x33: {  	p0 =	seq.s32 s10, $0x1;
	s10 =	sld [smem:$0x3FB7];
	_ =	sdelay $0x3  }
0x34: {  	[smem:$0x3FB7] =	sst s10  }
0x35: {  	s10 =	sld [smem:$0x3FB6];
	_ =	sdelay $0x3  }
0x36: {  	p1 =	seq.s32 s10, $0x1;
	s10 =	sld [smem:$0x3FB7];
	_ =	sdelay $0x3  }
0x37: {  	[smem:$0x3FB7] =	sst s10  }
0x38: {  	s10 =	sld [smem:$0x3FB8]  }
0x39: {  	_ = 	snop;
	(pc) =	sbr.ind lr, $3  }
0x3a: {  	_ = 	snop  }
0x3b: {  	_ = 	snop  }
0x3c: {  	p2 =	seq.s32 s10, $0x1;
	s10 =	sld [smem:$0x3FB7]  }
0x3d: {  	_ =	shalt  }
0x3e: {  	_ =	shalt  }
0x3f: {  	_ =	shalt  }
0x40: {  	_ =	shalt  }
0x41: {  	_ =	shalt  }
0x42: {  	_ =	shalt  }
0x43: {  	_ =	shalt  }
0x44: {  	_ =	shalt  }
0x45: {  	_ =	shalt  }
0x46: {  	_ =	shalt  }
0x47: {  	_ =	shalt  }
0x48: {  	_ =	shalt  }
0x49: {  	_ =	shalt  }
0x4a: {  	_ =	shalt  }
0x4b: {  	_ =	shalt  }
0x4c: {  	_ =	shalt  }
0x4d: {  	_ =	shalt  }
0x4e: {  	_ =	shalt  }
0x4f: {  	_ =	shalt  }
0x50: {  	_ =	shalt  }
0x51: {  	_ =	shalt  }
0x52: {  	_ =	shalt  }
0x53: {  	_ =	shalt  }
0x54: {  	_ =	shalt  }
0x55: {  	_ =	shalt  }
0x56: {  	_ =	shalt  }
0x57: {  	_ =	shalt  }
0x58: {  	_ =	shalt  }
0x59: {  	_ =	shalt  }
0x5a: {  	_ =	shalt  }
0x5b: {  	_ =	shalt  }
0x5c: {  	_ =	shalt  }
0x5d: {  	_ =	shalt  }
0x5e: {  	_ =	shalt  }
0x5f: {  	_ =	shalt  }
0x60: {  	_ =	shalt  }
0x61: {  	_ =	shalt  }
0x62: {  	_ =	shalt  }
0x63: {  	_ =	shalt  }
0x64: {  	_ =	shalt  }
0x65: {  	_ =	shalt  }
0x66: {  	_ =	shalt  }
0x67: {  	_ =	shalt  }
0x68: {  	_ =	shalt  }
0x69: {  	_ =	shalt  }
0x6a: {  	_ =	shalt  }
0x6b: {  	_ =	shalt  }
0x6c: {  	_ =	shalt  }
0x6d: {  	_ =	shalt  }
0x6e: {  	_ =	shalt  }
0x6f: {  	_ =	shalt  }
0x70: {  	_ =	shalt  }
0x71: {  	_ =	shalt  }
0x72: {  	_ =	shalt  }
0x73: {  	_ =	shalt  }
0x74: {  	_ =	shalt  }
0x75: {  	_ =	shalt  }
0x76: {  	_ =	shalt  }
0x77: {  	_ =	shalt  }
0x78: {  	_ =	shalt  }
0x79: {  	_ =	shalt  }
0x7a: {  	_ =	shalt  }
0x7b: {  	_ =	shalt  }
0x7c: {  	_ =	shalt  }
0x7d: {  	_ =	shalt  }
0x7e: {  	_ =	shalt  }
0x7f: {  	_ =	shalt  }
0x80: {  	_ =	shalt  }
0x81: {  	_ =	shalt  }
0x82: {  	_ =	shalt  }
0x83: {  	_ =	shalt  }
0x84: {  	_ =	shalt  }
0x85: {  	_ =	shalt  }
0x86: {  	_ =	shalt  }
0x87: {  	_ =	shalt  }
.Lfunc_end0:
.L_simem_size_0:
called_computation_lowered:
.L_overlay_start_0:
0x88: {  	s2 =	sld [smem:$0x3FD9]  }
0x89: {  	s3 =	sld [smem:$0x3FFE];
	_ =	sdelay $0x1  }
0x8a: {  	s1 =	srdreg.scid  }
0x8b: {  	s0 =	sand.u32 $0x1, s1  }
0x8c: {  	s14 =	sshll.u32 s0, $0xA;
	s2 =	sadd.s32 s3, s2  }
0x8d: {  	s2 =	sadd.s32 s2, s14  }
0x8e: {  	[smem:$0x3FC3] =	sst s2  }
0x8f: {  	_ = 	snop  }
0x90: {  	s2 =	sld [smem:$0x3FD0];
	_ =	sdelay $0x2  }
0x91: {  	s4 =	simm.s32 $0xA;
	s5 =	simm.s32 $0x10;
	s15 =	sld [smem:$0x3FC9]  }
0x92: {  	[smem:s5], [sflag:s4] =	dma.local [hbm:s2], $0x1  }
0x93: {  	_ =	swait.eq [sflag:s4], $0x1  }
0x94: {  	[sflag:s4] =	ssyncset.done $0x0  }
0x95: {  	s16 =	sld [smem:$0x10];
	[sflag:s4] =	ssyncadd.s32 $0xFFFFFFFF  }
0x96: {  	s17 =	sld [smem:$0x11];
	(tm) =	ssettm $0x1  }
0x97: {  	s18 =	sld [smem:$0x3FFB];
	_ =	sdelay $0x3  }
0x98: {  	_ =	strace s18  }
0x99: {  	s5 =	sld [smem:$0x3FFC];
	_ =	sdelay $0x3  }
0x9a: {  	_ =	strace s5  }
0x9b: {  	s5 =	sld [smem:$0x3FFD];
	_ =	sdelay $0x3  }
0x9c: {  	_ =	strace s5  }
0x9d: {  	_ =	strace $0x8FFFFFFF  }
0x9e: {  	s19 =	sld [smem:$0x3FDB];
	_ =	sdelay $0x1  }
0x9f: {  	s6 =	simm.s32 $_scs_section_size  }
0xa0: {  	s7 =	simm.s32 $_size__tile_overlayer_lowered;
	s8 =	simm.s32 $_tile_overlayer_lowered  }
0xa1: {  	s22 =	simm.s32 $0x1BFF;
	s21 =	sshll.u32 s8, $0x1;
	s5 =	sadd.s32 s6, s19  }
0xa2: {  	s9 =	simm.s32 $0x0;
	s20 =	sshll.u32 s7, $0x1;
	s7 =	sadd.s32 s21, s5  }
0xa3: {  	[timem:s9], [sflag:s22] =	dma.local [hbm:s7], s20  }
0xa4: {  	_ =	swait.ge [sflag:s22], s20  }
0xa5: {  	s6 =	ssub.s32 $0x0, s20;
	[sflag:s22] =	ssyncset.done $0x0  }
0xa6: {  	[sflag:s22] =	ssyncadd.s32 s6;
	_ =	sdelay $0x1  }
0xa7: {  	s23 =	simm.s32 $0x1B8B  }
0xa8: {  	_ =	swait.ge [sflag:s23], $0x1  }
0xa9: {  	[sflag:s23] =	ssyncset.done $0x0  }
0xaa: {  	s25 =	simm.s32 $0x1B8E;
	s24 =	sld [smem:$0x3FFE];
	[sflag:s23] =	ssyncadd.s32 $0xFFFFFFFF  }
0xab: {  	s26 =	simm.s32 $execute0_lowered;
	[smem:$0x3FD2] =	sst s25  }
0xac: {  	s7 =	sshll.u32 s26, $0x1;
	_ =	strace $0x80000046;
	[dreg:$0x1] =	wrdreg $0xFFFFFFFF  }
0xad: {  	s28 =	simm.s32 $_size_execute0_lowered;
	s5 =	sadd.s32 s5, s7;
	[dreg:$0x0] =	wrdreg $0x0  }
0xae: {  	s7 =	sshll.u32 s28, $0x1;
	[dreg:$0x2] =	wrdreg s5  }
0xaf: {  	[dreg:$0x3] =	wrdreg s7  }
0xb0: {  	[dreg:$0x4] =	wrdreg $0xC0  }
0xb1: {  	_ =	task [dreg:s9], $0x5FFFF  }
0xb2: {  	[dreg:$0x1] =	wrdreg $0xFFFFFFFF  }
0xb3: {  	[dreg:$0x0] =	wrdreg $0x60  }
0xb4: {  	[dreg:$0x2] =	wrdreg s15  }
0xb5: {  	[dreg:$0x3] =	wrdreg s16  }
0xb6: {  	[dreg:$0x4] =	wrdreg s17  }
0xb7: {  	[dreg:$0x5] =	wrdreg s24  }
0xb8: {  	[dreg:$0x6] =	wrdreg $0x0  }
0xb9: {  	[dreg:$0x7] =	wrdreg $0x9  }
0xba: {  	_ =	task.clear_ibuf [dreg:s9], $0x8FFFF;
	_ =	strace $0x90000046  }
0xbb: {  	s29 =	simm.s32 $0x9;
	_ =	strace $0x80000048  }
0xbc: {  	_ =	swait.ge [sflag:s29], $0x1  }
0xbd: {  	[sflag:s29] =	ssyncadd.s32 $0xFFFFFFFF  }
0xbe: {  	_ =	strace $0x90000048  }
0xbf: {  	_ =	sfence  }
0xc0: {  	s30 =	sld [smem:$0x0];
	_ =	sdelay $0x2  }
0xc1: {  	s31 =	sshll.u32 s1, $0xD;
	s1 =	sshrl.u32 s1, $0x2  }
0xc2: {  	s3 =	sand.u32 $0x4000, s31;
	s1 =	sadd.s32 s1, s30  }
0xc3: {  	s0 =	sor.u32 s3, s0;
	s1 =	sshll.u32 s1, $0x11  }
0xc4: {  	s0 =	sor.u32 s1, s0  }
0xc5: {  	s0 =	sadd.s32 $0x8F2B, s0  }
0xc6: {  	[sflag:s0] =	ssyncadd.remote.s32 $0x1  }
0xc7: {  	_ =	sfence.sel $0xFFFF  }
0xc8: {  	[dreg:$0x0] =	wrdreg $0xFFFFFFFF;
	(pc) =	sbr.abs _section_cstart, $3  }
0xc9: {  	[dreg:$0x1] =	wrdreg $0xFFFFFFFF  }
0xca: {  	_ =	task.clear_ibuf [dreg:s9], $0x2FFFF;
	_ =	strace $0x9FFFFFFF  }
0xcb: {  	(tm) =	ssettm $0x7FFFFFFF  }
tec
execute0_lowered:
.L_overlay_start_1:
0x0: {  	(tag) =	ssettag $0x1  }
0x1: {  	s1 =	rddreg [dreg:$0x0]  }
0x2: {  	s0 =	rddreg [dreg:$0x1]  }
0x3: {  	s2 =	rddreg [dreg:$0x2]  }
0x4: {  	s5 =	rddreg [dreg:$0x3];
	s12 =	stileid.u32  }
0x5: {  	s4 =	srdreg.scid;
	s3 =	rddreg [dreg:$0x4];
	s28 =	simm.s32 $0x1BF80  }
0x6: {  	s29 =	simm.s32 $0x7;
	s30 =	simm.s32 $0x5;
	s6 =	smul.u32 $0x13C00, s12  }
0x7: {  	s7 =	sand.u32 $0x1, s4;
	s4 =	simm.s32 $0x0;
	s10 =	smul.u32 $0x4F000, s12  }
0x8: {  	s31 =	simm.s32 $0x17380;
	s8 =	smul.u32 $0x13C000, s7;
	[smem:$0x7FF] =	sst s4  }
0x9: {  	s15 =	sshll.u32 s7, $0x4;
	s16 =	ssub.s32 $0x2, s7;
	s9 =	sshrl.u32 s6, $0x3  }
0xa: {  	_ =	strace $0x80000047;
	s17 =	sor.u32 s12, s15;
	s18 =	sshrl.u32 s16, $0x1  }
0xb: {  	s10 =	sshrl.u32 s10, $0x2;
	s9 =	sadd.s32 s9, s5;
	s6 =	sadd.s32 s6, s8  }
0xc: {  	s11 =	smul.u32 $0x5000, s17;
	s8 =	ssub.s32 s16, s18;
	s10 =	sadd.s32 s10, s3  }
0xd: {  	s7 =	smul.u32 $0x4E2, s17;
	s18 =	simm.s32 $0x16380;
	s17 =	simm.s32 $0x3  }
0xe: {  	s6 =	sshrl.u32 s6, $0x3;
	s19 =	sadd.s32 $0x400, s9;
	s15 =	smax.u32 s8, $0x1  }
0xf: {  	s16 =	sshrl.u32 s10, $0x3;
	s8 =	simm.s32 $0x0;
	s5 =	sadd.s32 s6, s5  }
0x10: {  	[dreg:$0x6] =	wrdreg s19;
	s6 =	sshll.u32 s12, $0x6;
	s20 =	sshrl.u32 s11, $0x3  }
0x11: {  	s0 =	sadd.s32 s0, s7;
	s19 =	simm.s32 $0x4;
	s7 =	simm.s32 $0x8  }
0x12: {  	s21 =	sor.u32 $0x1C07, s6;
	[dreg:$0x8] =	wrdreg s0;
	s9 =	sadd.s32 s2, s20  }
0x13: {  	s26 =	sadd.s32 $0x27C00, s5;
	s20 =	simm.s32 $0x28;
	[dreg:$0x7] =	wrdreg s21  }
0x14: {  	s2 =	simm.s32 $0x1D380;
	s22 =	sadd.s32 $0x200, s9;
	[dreg:$0xd] =	wrdreg s26  }
0x15: {  	s0 =	simm.s32 $0x2;
	s23 =	sadd.s32 $0x400, s9;
	[dreg:$0x9] =	wrdreg s22  }
0x16: {  	s5 =	simm.s32 $0x6;
	s24 =	sadd.s32 $0x600, s9;
	[dreg:$0xa] =	wrdreg s23  }
0x17: {  	s25 =	sadd.s32 $0x800, s9;
	s21 =	simm.s32 $0x18380;
	[dreg:$0xb] =	wrdreg s24  }
0x18: {  	s26 =	simm.s32 $0x50;
	[dreg:$0xc] =	wrdreg s25;
	s23 =	simm.s32 $0x19780  }
0x19: {  	s25 =	simm.s32 $0x1AB80;
	s22 =	simm.s32 $0x1E780;
	s24 =	simm.s32 $0x1  }
.LBB2_1:
0x1a: {  	s10 =	rddreg [dreg:$0x6]  }
0x1b: {  	s11 =	rddreg [dreg:$0x7]  }
0x1c: {  	[spmem:s16], [sflag:s11] =	dma.local [hbm:s10], $0x2780  }
0x1d: {  	s12 =	simm.s32 $0x13C00;
	s10 =	rddreg [dreg:$0x8]  }
0x1e: {  	[tilespmem:s12], [sflag:$0x4] =	stream.linear.gather [hbm4b:s10+s4], $0x2710, $0x38;
	[tilespmem:$0x1FB80] =	vst v63  }
0x1f: {  	_ = 	snop  }
0x20: {  	[tilespmem:s18], [sflag:$0x5] =	stream.linear.gather [hbm4b:s9+s4], $0xC80, $0x38;
	[tilespmem:$0x1FB80] =	vst v63  }
0x21: {  	_ =	swait.ge [sflag:s19], $0x2710  }
0x22: {  	[sflag:s19] =	ssyncset.done $0x0  }
0x23: {  	[sflag:s19] =	ssyncadd.s32 $0xFFFFD8F0  }
0x24: {  	[tilespmem:s21], [sflag:$0x1] =	stream.indirect.gather [hbm4b:s1+s20], $0x80, s12, s20, $0xb8;
	[tilespmem:$0x1FB80] =	vst v63  }
0x25: {  	s13 =	simm.s32 $0x13C28  }
0x26: {  	[tilespmem:s23], [sflag:$0x1] =	stream.indirect.gather [hbm4b:s1+s20], $0x80, s13, s20, $0xb8;
	[tilespmem:$0x1FB80] =	vst v63  }
0x27: {  	s14 =	simm.s32 $0x13C50  }
0x28: {  	[tilespmem:s25], [sflag:$0x2] =	stream.indirect.gather [hbm4b:s1+s20], $0x80, s14, s20, $0xb8;
	[tilespmem:$0x1FB80] =	vst v63  }
0x29: {  	s11 =	simm.s32 $0x13C78  }
0x2a: {  	[tilespmem:s28], [sflag:$0x2] =	stream.indirect.gather [hbm4b:s1+s20], $0x80, s11, s20, $0xb8;
	[tilespmem:$0x1FB80] =	vst v63  }
0x2b: {  	_ =	swait.ge [sflag:s29], $0x2780  }
0x2c: {  	[sflag:s29] =	ssyncset.done $0x0  }
0x2d: {  	[sflag:s29] =	ssyncadd.s32 $0xFFFFD880  }
0x2e: {  	_ =	swait.ge [sflag:s30], $0xC80  }
0x2f: {  	[sflag:s30] =	ssyncset.done $0x0  }
0x30: {  	[sflag:s30] =	ssyncadd.s32 $0xFFFFF380  }
0x31: {  	s12 =	simm.s32 $0x13CA0;
	[bflag:$0x0] =	sbarrier.arrive $0xFFFF  }
0x32: {  	[tilespmem:s2], [sflag:$0x3] =	stream.indirect.gather [hbm4b:s1+s20], $0x80, s12, s20, $0xb8;
	[tilespmem:$0x1FB80] =	vst v63  }
0x33: {  	s13 =	simm.s32 $0x13CC8  }
0x34: {  	[tilespmem:s22], [sflag:$0x3] =	stream.indirect.gather [hbm4b:s1+s20], $0x80, s13, s20, $0xb8;
	[tilespmem:$0x1FB80] =	vst v63  }
0x35: {  	_ =	swait.ge [sflag:s24], $0x1400  }
0x36: {  	[sflag:s24] =	ssyncset.done $0x0  }
0x37: {  	[sflag:s24] =	ssyncadd.s32 $0xFFFFEC00  }
0x38: {  	_ =	swait.ge [sflag:s24], $0x1400  }
0x39: {  	[sflag:s24] =	ssyncset.done $0x0  }
0x3a: {  	[sflag:s24] =	ssyncadd.s32 $0xFFFFEC00  }
0x3b: {  	[spmem:s3] =	stream.indirect.scatter.add.f32 [tilespmem:s21], [sflag:$0x4], $0x80, s18, s26, $0xb8;
	[tilespmem:$0x1FB80] =	vst v63  }
0x3c: {  	s14 =	rddreg [dreg:$0x9]  }
0x3d: {  	[tilespmem:s31], [sflag:$0x7] =	stream.linear.gather [hbm4b:s14+s4], $0xC80, $0x38;
	[tilespmem:$0x1FB80] =	vst v63  }
0x3e: {  	_ =	swait.ge [sflag:s19], $0x2800  }
0x3f: {  	[sflag:s19] =	ssyncset.done $0x0  }
0x40: {  	s11 =	simm.s32 $0x13CF0;
	[sflag:s19] =	ssyncadd.s32 $0xFFFFD800  }
0x41: {  	[tilespmem:s21], [sflag:$0x1] =	stream.indirect.gather [hbm4b:s1+s20], $0x80, s11, s20, $0xb8;
	[tilespmem:$0x1FB80] =	vst v63  }
0x42: {  	s12 =	simm.s32 $0x13D18  }
0x43: {  	[tilespmem:s23], [sflag:$0x1] =	stream.indirect.gather [hbm4b:s1+s20], $0x80, s12, s20, $0xb8;
	[tilespmem:$0x1FB80] =	vst v63  }
0x44: {  	_ =	swait.ge [sflag:s0], $0x1400  }
0x45: {  	[sflag:s0] =	ssyncset.done $0x0  }
0x46: {  	[sflag:s0] =	ssyncadd.s32 $0xFFFFEC00  }
0x47: {  	_ =	swait.ge [sflag:s0], $0x1400  }
0x48: {  	[sflag:s0] =	ssyncset.done $0x0  }
0x49: {  	s13 =	simm.s32 $0x16400;
	[sflag:s0] =	ssyncadd.s32 $0xFFFFEC00  }
0x4a: {  	[spmem:s3] =	stream.indirect.scatter.add.f32 [tilespmem:s25], [sflag:$0x5], $0x80, s13, s26, $0xb8;
	[tilespmem:$0x1FB80] =	vst v63  }
0x4b: {  	_ =	swait.ge [sflag:s30], $0x2800  }
0x4c: {  	[sflag:s30] =	ssyncset.done $0x0  }
0x4d: {  	s14 =	simm.s32 $0x13D40;
	[sflag:s30] =	ssyncadd.s32 $0xFFFFD800  }
0x4e: {  	[tilespmem:s25], [sflag:$0x2] =	stream.indirect.gather [hbm4b:s1+s20], $0x80, s14, s20, $0xb8;
	[tilespmem:$0x1FB80] =	vst v63  }
0x4f: {  	s11 =	simm.s32 $0x13D68  }
0x50: {  	[tilespmem:s28], [sflag:$0x2] =	stream.indirect.gather [hbm4b:s1+s20], $0x80, s11, s20, $0xb8;
	[tilespmem:$0x1FB80] =	vst v63  }
0x51: {  	_ =	swait.ge [sflag:s17], $0x1400  }
0x52: {  	[sflag:s17] =	ssyncset.done $0x0  }
0x53: {  	[sflag:s17] =	ssyncadd.s32 $0xFFFFEC00  }
0x54: {  	_ =	swait.ge [sflag:s17], $0x1400  }
0x55: {  	[sflag:s17] =	ssyncset.done $0x0  }
0x56: {  	s12 =	simm.s32 $0x16480;
	[sflag:s17] =	ssyncadd.s32 $0xFFFFEC00  }
0x57: {  	[spmem:s3] =	stream.indirect.scatter.add.f32 [tilespmem:s2], [sflag:$0x6], $0x80, s12, s26, $0xb8;
	[tilespmem:$0x1FB80] =	vst v63  }
0x58: {  	_ =	swait.ge [sflag:s5], $0x2800  }
0x59: {  	[sflag:s5] =	ssyncset.done $0x0  }
0x5a: {  	s13 =	simm.s32 $0x13D90;
	[sflag:s5] =	ssyncadd.s32 $0xFFFFD800  }
0x5b: {  	[tilespmem:s2], [sflag:$0x3] =	stream.indirect.gather [hbm4b:s1+s20], $0x80, s13, s20, $0xb8;
	[tilespmem:$0x1FB80] =	vst v63  }
0x5c: {  	s14 =	simm.s32 $0x13DB8  }
0x5d: {  	[tilespmem:s22], [sflag:$0x3] =	stream.indirect.gather [hbm4b:s1+s20], $0x80, s14, s20, $0xb8;
	[tilespmem:$0x1FB80] =	vst v63  }
0x5e: {  	_ =	swait.ge [sflag:s24], $0x1400  }
0x5f: {  	[sflag:s24] =	ssyncset.done $0x0  }
0x60: {  	[sflag:s24] =	ssyncadd.s32 $0xFFFFEC00  }
0x61: {  	_ =	swait.ge [sflag:s24], $0x1400  }
0x62: {  	s10 =	simm.s32 $0x3C0;
	[sflag:s24] =	ssyncset.done $0x0  }
0x63: {  	s11 =	simm.s32 $0x16600;
	s12 =	simm.s32 $0x16500;
	[sflag:s24] =	ssyncadd.s32 $0xFFFFEC00  }
.LBB2_2:
0x64: {  	[spmem:s3] =	stream.indirect.scatter.add.f32 [tilespmem:s21], [sflag:$0x4], $0x80, s12, s26, $0xb8;
	[tilespmem:$0x1FB80] =	vst v63  }
0x65: {  	s12 =	smov.u32 s10  }
0x66: {  	p0 =	sne.s32 s10, $0x1A40;
	s10 =	sadd.s32 $0x3C0, s10;
	_ =	swait.ge [sflag:s19], $0x2800  }
0x67: {  	s12 =	sshra.s32 s12, $0x2;
	[sflag:s19] =	ssyncset.done $0x0  }
0x68: {  	s13 =	sadd.s32 $0x13CF0, s12;
	[sflag:s19] =	ssyncadd.s32 $0xFFFFD800  }
0x69: {  	[tilespmem:s21], [sflag:$0x1] =	stream.indirect.gather [hbm4b:s1+s20], $0x80, s13, s20, $0xb8;
	[tilespmem:$0x1FB80] =	vst v63  }
0x6a: {  	s13 =	sadd.s32 $0x13D18, s12  }
0x6b: {  	[tilespmem:s23], [sflag:$0x1] =	stream.indirect.gather [hbm4b:s1+s20], $0x80, s13, s20, $0xb8;
	[tilespmem:$0x1FB80] =	vst v63  }
0x6c: {  	_ =	swait.ge [sflag:s0], $0x1400  }
0x6d: {  	[sflag:s0] =	ssyncset.done $0x0  }
0x6e: {  	[sflag:s0] =	ssyncadd.s32 $0xFFFFEC00  }
0x6f: {  	_ =	swait.ge [sflag:s0], $0x1400  }
0x70: {  	[sflag:s0] =	ssyncset.done $0x0  }
0x71: {  	s13 =	sadd.s32 $0xFFFFFF80, s11;
	[sflag:s0] =	ssyncadd.s32 $0xFFFFEC00  }
0x72: {  	[spmem:s3] =	stream.indirect.scatter.add.f32 [tilespmem:s25], [sflag:$0x5], $0x80, s13, s26, $0xb8;
	[tilespmem:$0x1FB80] =	vst v63  }
0x73: {  	_ =	swait.ge [sflag:s30], $0x2800  }
0x74: {  	[sflag:s30] =	ssyncset.done $0x0  }
0x75: {  	s13 =	sadd.s32 $0x13D40, s12;
	[sflag:s30] =	ssyncadd.s32 $0xFFFFD800  }
0x76: {  	[tilespmem:s25], [sflag:$0x2] =	stream.indirect.gather [hbm4b:s1+s20], $0x80, s13, s20, $0xb8;
	[tilespmem:$0x1FB80] =	vst v63  }
0x77: {  	s13 =	sadd.s32 $0x13D68, s12  }
0x78: {  	[tilespmem:s28], [sflag:$0x2] =	stream.indirect.gather [hbm4b:s1+s20], $0x80, s13, s20, $0xb8;
	[tilespmem:$0x1FB80] =	vst v63  }
0x79: {  	_ =	swait.ge [sflag:s17], $0x1400  }
0x7a: {  	[sflag:s17] =	ssyncset.done $0x0  }
0x7b: {  	[sflag:s17] =	ssyncadd.s32 $0xFFFFEC00  }
0x7c: {  	_ =	swait.ge [sflag:s17], $0x1400  }
0x7d: {  	[sflag:s17] =	ssyncset.done $0x0  }
0x7e: {  	[sflag:s17] =	ssyncadd.s32 $0xFFFFEC00  }
0x7f: {  	[spmem:s3] =	stream.indirect.scatter.add.f32 [tilespmem:s2], [sflag:$0x6], $0x80, s11, s26, $0xb8;
	[tilespmem:$0x1FB80] =	vst v63  }
0x80: {  	_ =	swait.ge [sflag:s5], $0x2800  }
0x81: {  	[sflag:s5] =	ssyncset.done $0x0  }
0x82: {  	s13 =	sadd.s32 $0x13D90, s12;
	[sflag:s5] =	ssyncadd.s32 $0xFFFFD800  }
0x83: {  	[tilespmem:s2], [sflag:$0x3] =	stream.indirect.gather [hbm4b:s1+s20], $0x80, s13, s20, $0xb8;
	[tilespmem:$0x1FB80] =	vst v63  }
0x84: {  	s12 =	sadd.s32 $0x13DB8, s12  }
0x85: {  	[tilespmem:s22], [sflag:$0x3] =	stream.indirect.gather [hbm4b:s1+s20], $0x80, s12, s20, $0xb8;
	[tilespmem:$0x1FB80] =	vst v63  }
0x86: {  	_ =	swait.ge [sflag:s24], $0x1400  }
.Ltmp0:
0x87: {  	[sflag:s24] =	ssyncset.done $0x0;
	(pc) =	sbr.rel @p0 .LBB2_2-.Ltmp0, $4  }
0x88: {  	[sflag:s24] =	ssyncadd.s32 $0xFFFFEC00  }
0x89: {  	_ =	swait.ge [sflag:s24], $0x1400  }
0x8a: {  	[sflag:s24] =	ssyncset.done $0x0  }
0x8b: {  	s12 =	sadd.s32 $0x80, s11;
	s11 =	sadd.s32 $0x180, s11;
	[sflag:s24] =	ssyncadd.s32 $0xFFFFEC00  }
0x8c: {  	[spmem:s3] =	stream.indirect.scatter.add.f32 [tilespmem:s21], [sflag:$0x4], $0x80, s12, s26, $0xb8;
	[tilespmem:$0x1FB80] =	vst v63  }
0x8d: {  	_ =	swait.ge [sflag:s29], $0xC80  }
0x8e: {  	[sflag:s29] =	ssyncset.done $0x0  }
0x8f: {  	[sflag:s29] =	ssyncadd.s32 $0xFFFFF380  }
0x90: {  	_ =	swait.ge [sflag:s19], $0x2800  }
0x91: {  	[sflag:s19] =	ssyncset.done $0x0  }
0x92: {  	s10 =	simm.s32 $0x14470;
	[sflag:s19] =	ssyncadd.s32 $0xFFFFD800  }
0x93: {  	[tilespmem:s21], [sflag:$0x1] =	stream.indirect.gather [hbm4b:s1+s20], $0x80, s10, s20, $0xb8;
	[tilespmem:$0x1FB80] =	vst v63  }
0x94: {  	s13 =	simm.s32 $0x14498  }
0x95: {  	[tilespmem:s23], [sflag:$0x1] =	stream.indirect.gather [hbm4b:s1+s20], $0x80, s13, s20, $0xb8;
	[tilespmem:$0x1FB80] =	vst v63  }
0x96: {  	_ =	swait.ge [sflag:s0], $0x1400  }
0x97: {  	[sflag:s0] =	ssyncset.done $0x0  }
0x98: {  	[sflag:s0] =	ssyncadd.s32 $0xFFFFEC00  }
0x99: {  	_ =	swait.ge [sflag:s0], $0x1400  }
0x9a: {  	[sflag:s0] =	ssyncset.done $0x0  }
0x9b: {  	[sflag:s0] =	ssyncadd.s32 $0xFFFFEC00  }
0x9c: {  	[spmem:s3] =	stream.indirect.scatter.add.f32 [tilespmem:s25], [sflag:$0x5], $0x80, s31, s26, $0xb8;
	[tilespmem:$0x1FB80] =	vst v63  }
0x9d: {  	s14 =	simm.s32 $0x0;
	s11 =	rddreg [dreg:$0xa]  }
0x9e: {  	[tilespmem:s18], [sflag:$0x7] =	stream.linear.gather [hbm4b:s11+s14], $0xC80, $0x38;
	[tilespmem:$0x1FB80] =	vst v63  }
0x9f: {  	_ =	swait.ge [sflag:s30], $0x2800  }
0xa0: {  	[sflag:s30] =	ssyncset.done $0x0  }
0xa1: {  	s11 =	simm.s32 $0x144C0;
	[sflag:s30] =	ssyncadd.s32 $0xFFFFD800  }
0xa2: {  	[tilespmem:s25], [sflag:$0x2] =	stream.indirect.gather [hbm4b:s1+s20], $0x80, s11, s20, $0xb8;
	[tilespmem:$0x1FB80] =	vst v63  }
0xa3: {  	s12 =	simm.s32 $0x144E8  }
0xa4: {  	[tilespmem:s28], [sflag:$0x2] =	stream.indirect.gather [hbm4b:s1+s20], $0x80, s12, s20, $0xb8;
	[tilespmem:$0x1FB80] =	vst v63  }
0xa5: {  	_ =	swait.ge [sflag:s17], $0x1400  }
0xa6: {  	[sflag:s17] =	ssyncset.done $0x0  }
0xa7: {  	[sflag:s17] =	ssyncadd.s32 $0xFFFFEC00  }
0xa8: {  	_ =	swait.ge [sflag:s17], $0x1400  }
0xa9: {  	[sflag:s17] =	ssyncset.done $0x0  }
0xaa: {  	s13 =	simm.s32 $0x17400;
	[sflag:s17] =	ssyncadd.s32 $0xFFFFEC00  }
0xab: {  	[spmem:s3] =	stream.indirect.scatter.add.f32 [tilespmem:s2], [sflag:$0x6], $0x80, s13, s26, $0xb8;
	[tilespmem:$0x1FB80] =	vst v63  }
0xac: {  	_ =	swait.ge [sflag:s5], $0x2800  }
0xad: {  	[sflag:s5] =	ssyncset.done $0x0  }
0xae: {  	s14 =	simm.s32 $0x14510;
	[sflag:s5] =	ssyncadd.s32 $0xFFFFD800  }
0xaf: {  	[tilespmem:s2], [sflag:$0x3] =	stream.indirect.gather [hbm4b:s1+s20], $0x80, s14, s20, $0xb8;
	[tilespmem:$0x1FB80] =	vst v63  }
0xb0: {  	s11 =	simm.s32 $0x14538  }
0xb1: {  	[tilespmem:s22], [sflag:$0x3] =	stream.indirect.gather [hbm4b:s1+s20], $0x80, s11, s20, $0xb8;
	[tilespmem:$0x1FB80] =	vst v63  }
0xb2: {  	_ =	swait.ge [sflag:s24], $0x1400  }
0xb3: {  	[sflag:s24] =	ssyncset.done $0x0  }
0xb4: {  	[sflag:s24] =	ssyncadd.s32 $0xFFFFEC00  }
0xb5: {  	_ =	swait.ge [sflag:s24], $0x1400  }
0xb6: {  	[sflag:s24] =	ssyncset.done $0x0  }
0xb7: {  	s12 =	simm.s32 $0x17480;
	[sflag:s24] =	ssyncadd.s32 $0xFFFFEC00  }
0xb8: {  	[spmem:s3] =	stream.indirect.scatter.add.f32 [tilespmem:s21], [sflag:$0x4], $0x80, s12, s26, $0xb8;
	[tilespmem:$0x1FB80] =	vst v63  }
0xb9: {  	_ =	swait.ge [sflag:s19], $0x2800  }
0xba: {  	[sflag:s19] =	ssyncset.done $0x0  }
0xbb: {  	s13 =	simm.s32 $0x14560;
	[sflag:s19] =	ssyncadd.s32 $0xFFFFD800  }
0xbc: {  	[tilespmem:s21], [sflag:$0x1] =	stream.indirect.gather [hbm4b:s1+s20], $0x80, s13, s20, $0xb8;
	[tilespmem:$0x1FB80] =	vst v63  }
0xbd: {  	s14 =	simm.s32 $0x14588  }
0xbe: {  	[tilespmem:s23], [sflag:$0x1] =	stream.indirect.gather [hbm4b:s1+s20], $0x80, s14, s20, $0xb8;
	[tilespmem:$0x1FB80] =	vst v63  }
0xbf: {  	_ =	swait.ge [sflag:s0], $0x1400  }
0xc0: {  	[sflag:s0] =	ssyncset.done $0x0  }
0xc1: {  	[sflag:s0] =	ssyncadd.s32 $0xFFFFEC00  }
0xc2: {  	_ =	swait.ge [sflag:s0], $0x1400  }
0xc3: {  	s10 =	simm.s32 $0x17500;
	[sflag:s0] =	ssyncset.done $0x0  }
0xc4: {  	s11 =	simm.s32 $0x3C0;
	s12 =	simm.s32 $0x17680;
	[sflag:s0] =	ssyncadd.s32 $0xFFFFEC00  }
.LBB2_4:
0xc5: {  	[spmem:s3] =	stream.indirect.scatter.add.f32 [tilespmem:s25], [sflag:$0x5], $0x80, s10, s26, $0xb8;
	[tilespmem:$0x1FB80] =	vst v63  }
0xc6: {  	s13 =	smov.u32 s11;
	s10 =	smov.u32 s12  }
0xc7: {  	p0 =	sne.s32 s11, $0x1A40;
	s11 =	sadd.s32 $0x3C0, s11;
	_ =	swait.ge [sflag:s30], $0x2800  }
0xc8: {  	s13 =	sshra.s32 s13, $0x2;
	[sflag:s30] =	ssyncset.done $0x0  }
0xc9: {  	s14 =	sadd.s32 $0x144C0, s13;
	[sflag:s30] =	ssyncadd.s32 $0xFFFFD800  }
0xca: {  	[tilespmem:s25], [sflag:$0x2] =	stream.indirect.gather [hbm4b:s1+s20], $0x80, s14, s20, $0xb8;
	[tilespmem:$0x1FB80] =	vst v63  }
0xcb: {  	s14 =	sadd.s32 $0x144E8, s13  }
0xcc: {  	[tilespmem:s28], [sflag:$0x2] =	stream.indirect.gather [hbm4b:s1+s20], $0x80, s14, s20, $0xb8;
	[tilespmem:$0x1FB80] =	vst v63  }
0xcd: {  	_ =	swait.ge [sflag:s17], $0x1400  }
0xce: {  	[sflag:s17] =	ssyncset.done $0x0  }
0xcf: {  	[sflag:s17] =	ssyncadd.s32 $0xFFFFEC00  }
0xd0: {  	_ =	swait.ge [sflag:s17], $0x1400  }
0xd1: {  	[sflag:s17] =	ssyncset.done $0x0  }
0xd2: {  	s14 =	sadd.s32 $0xFFFFFF00, s12;
	[sflag:s17] =	ssyncadd.s32 $0xFFFFEC00  }
0xd3: {  	[spmem:s3] =	stream.indirect.scatter.add.f32 [tilespmem:s2], [sflag:$0x6], $0x80, s14, s26, $0xb8;
	[tilespmem:$0x1FB80] =	vst v63  }
0xd4: {  	_ =	swait.ge [sflag:s5], $0x2800  }
0xd5: {  	[sflag:s5] =	ssyncset.done $0x0  }
0xd6: {  	s14 =	sadd.s32 $0x14510, s13;
	[sflag:s5] =	ssyncadd.s32 $0xFFFFD800  }
0xd7: {  	[tilespmem:s2], [sflag:$0x3] =	stream.indirect.gather [hbm4b:s1+s20], $0x80, s14, s20, $0xb8;
	[tilespmem:$0x1FB80] =	vst v63  }
0xd8: {  	s14 =	sadd.s32 $0x14538, s13  }
0xd9: {  	[tilespmem:s22], [sflag:$0x3] =	stream.indirect.gather [hbm4b:s1+s20], $0x80, s14, s20, $0xb8;
	[tilespmem:$0x1FB80] =	vst v63  }
0xda: {  	_ =	swait.ge [sflag:s24], $0x1400  }
0xdb: {  	[sflag:s24] =	ssyncset.done $0x0  }
0xdc: {  	[sflag:s24] =	ssyncadd.s32 $0xFFFFEC00  }
0xdd: {  	_ =	swait.ge [sflag:s24], $0x1400  }
0xde: {  	[sflag:s24] =	ssyncset.done $0x0  }
0xdf: {  	s14 =	sadd.s32 $0xFFFFFF80, s12;
	[sflag:s24] =	ssyncadd.s32 $0xFFFFEC00  }
0xe0: {  	[spmem:s3] =	stream.indirect.scatter.add.f32 [tilespmem:s21], [sflag:$0x4], $0x80, s14, s26, $0xb8;
	[tilespmem:$0x1FB80] =	vst v63  }
0xe1: {  	_ =	swait.ge [sflag:s19], $0x2800  }
0xe2: {  	[sflag:s19] =	ssyncset.done $0x0  }
0xe3: {  	s14 =	sadd.s32 $0x14560, s13;
	[sflag:s19] =	ssyncadd.s32 $0xFFFFD800  }
0xe4: {  	[tilespmem:s21], [sflag:$0x1] =	stream.indirect.gather [hbm4b:s1+s20], $0x80, s14, s20, $0xb8;
	[tilespmem:$0x1FB80] =	vst v63  }
0xe5: {  	s13 =	sadd.s32 $0x14588, s13  }
0xe6: {  	[tilespmem:s23], [sflag:$0x1] =	stream.indirect.gather [hbm4b:s1+s20], $0x80, s13, s20, $0xb8;
	[tilespmem:$0x1FB80] =	vst v63  }
0xe7: {  	_ =	swait.ge [sflag:s0], $0x1400  }
.Ltmp1:
0xe8: {  	[sflag:s0] =	ssyncset.done $0x0;
	(pc) =	sbr.rel @p0 .LBB2_4-.Ltmp1, $4  }
0xe9: {  	[sflag:s0] =	ssyncadd.s32 $0xFFFFEC00  }
0xea: {  	_ =	swait.ge [sflag:s0], $0x1400  }
0xeb: {  	[sflag:s0] =	ssyncset.done $0x0  }
0xec: {  	s12 =	sadd.s32 $0x180, s12;
	[sflag:s0] =	ssyncadd.s32 $0xFFFFEC00  }
0xed: {  	[spmem:s3] =	stream.indirect.scatter.add.f32 [tilespmem:s25], [sflag:$0x5], $0x80, s10, s26, $0xb8;
	[tilespmem:$0x1FB80] =	vst v63  }
0xee: {  	_ =	swait.ge [sflag:s29], $0xC80  }
0xef: {  	[sflag:s29] =	ssyncset.done $0x0  }
0xf0: {  	[sflag:s29] =	ssyncadd.s32 $0xFFFFF380  }
0xf1: {  	_ =	swait.ge [sflag:s30], $0x2800  }
0xf2: {  	[sflag:s30] =	ssyncset.done $0x0  }
0xf3: {  	s12 =	simm.s32 $0x14C40;
	[sflag:s30] =	ssyncadd.s32 $0xFFFFD800  }
0xf4: {  	[tilespmem:s25], [sflag:$0x2] =	stream.indirect.gather [hbm4b:s1+s20], $0x80, s12, s20, $0xb8;
	[tilespmem:$0x1FB80] =	vst v63  }
0xf5: {  	s13 =	simm.s32 $0x14C68  }
0xf6: {  	[tilespmem:s28], [sflag:$0x2] =	stream.indirect.gather [hbm4b:s1+s20], $0x80, s13, s20, $0xb8;
	[tilespmem:$0x1FB80] =	vst v63  }
0xf7: {  	_ =	swait.ge [sflag:s17], $0x1400  }
0xf8: {  	[sflag:s17] =	ssyncset.done $0x0  }
0xf9: {  	[sflag:s17] =	ssyncadd.s32 $0xFFFFEC00  }
0xfa: {  	_ =	swait.ge [sflag:s17], $0x1400  }
0xfb: {  	[sflag:s17] =	ssyncset.done $0x0  }
0xfc: {  	[sflag:s17] =	ssyncadd.s32 $0xFFFFEC00  }
0xfd: {  	[spmem:s3] =	stream.indirect.scatter.add.f32 [tilespmem:s2], [sflag:$0x6], $0x80, s18, s26, $0xb8;
	[tilespmem:$0x1FB80] =	vst v63  }
0xfe: {  	s14 =	simm.s32 $0x0;
	s11 =	rddreg [dreg:$0xb]  }
0xff: {  	[tilespmem:s31], [sflag:$0x7] =	stream.linear.gather [hbm4b:s11+s14], $0xC80, $0x38;
	[tilespmem:$0x1FB80] =	vst v63  }
0x100: {  	_ =	swait.ge [sflag:s5], $0x2800  }
0x101: {  	[sflag:s5] =	ssyncset.done $0x0  }
0x102: {  	s11 =	simm.s32 $0x14C90;
	[sflag:s5] =	ssyncadd.s32 $0xFFFFD800  }
0x103: {  	[tilespmem:s2], [sflag:$0x3] =	stream.indirect.gather [hbm4b:s1+s20], $0x80, s11, s20, $0xb8;
	[tilespmem:$0x1FB80] =	vst v63  }
0x104: {  	s12 =	simm.s32 $0x14CB8  }
0x105: {  	[tilespmem:s22], [sflag:$0x3] =	stream.indirect.gather [hbm4b:s1+s20], $0x80, s12, s20, $0xb8;
	[tilespmem:$0x1FB80] =	vst v63  }
0x106: {  	_ =	swait.ge [sflag:s24], $0x1400  }
0x107: {  	[sflag:s24] =	ssyncset.done $0x0  }
0x108: {  	[sflag:s24] =	ssyncadd.s32 $0xFFFFEC00  }
0x109: {  	_ =	swait.ge [sflag:s24], $0x1400  }
0x10a: {  	[sflag:s24] =	ssyncset.done $0x0  }
0x10b: {  	s13 =	simm.s32 $0x16400;
	[sflag:s24] =	ssyncadd.s32 $0xFFFFEC00  }
0x10c: {  	[spmem:s3] =	stream.indirect.scatter.add.f32 [tilespmem:s21], [sflag:$0x4], $0x80, s13, s26, $0xb8;
	[tilespmem:$0x1FB80] =	vst v63  }
0x10d: {  	_ =	swait.ge [sflag:s19], $0x2800  }
0x10e: {  	[sflag:s19] =	ssyncset.done $0x0  }
0x10f: {  	s14 =	simm.s32 $0x14CE0;
	[sflag:s19] =	ssyncadd.s32 $0xFFFFD800  }
0x110: {  	[tilespmem:s21], [sflag:$0x1] =	stream.indirect.gather [hbm4b:s1+s20], $0x80, s14, s20, $0xb8;
	[tilespmem:$0x1FB80] =	vst v63  }
0x111: {  	s11 =	simm.s32 $0x14D08  }
0x112: {  	[tilespmem:s23], [sflag:$0x1] =	stream.indirect.gather [hbm4b:s1+s20], $0x80, s11, s20, $0xb8;
	[tilespmem:$0x1FB80] =	vst v63  }
0x113: {  	_ =	swait.ge [sflag:s0], $0x1400  }
0x114: {  	[sflag:s0] =	ssyncset.done $0x0  }
0x115: {  	[sflag:s0] =	ssyncadd.s32 $0xFFFFEC00  }
0x116: {  	_ =	swait.ge [sflag:s0], $0x1400  }
0x117: {  	[sflag:s0] =	ssyncset.done $0x0  }
0x118: {  	s12 =	simm.s32 $0x16480;
	[sflag:s0] =	ssyncadd.s32 $0xFFFFEC00  }
0x119: {  	[spmem:s3] =	stream.indirect.scatter.add.f32 [tilespmem:s25], [sflag:$0x5], $0x80, s12, s26, $0xb8;
	[tilespmem:$0x1FB80] =	vst v63  }
0x11a: {  	_ =	swait.ge [sflag:s30], $0x2800  }
0x11b: {  	[sflag:s30] =	ssyncset.done $0x0  }
0x11c: {  	s13 =	simm.s32 $0x14D30;
	[sflag:s30] =	ssyncadd.s32 $0xFFFFD800  }
0x11d: {  	[tilespmem:s25], [sflag:$0x2] =	stream.indirect.gather [hbm4b:s1+s20], $0x80, s13, s20, $0xb8;
	[tilespmem:$0x1FB80] =	vst v63  }
0x11e: {  	s14 =	simm.s32 $0x14D58  }
0x11f: {  	[tilespmem:s28], [sflag:$0x2] =	stream.indirect.gather [hbm4b:s1+s20], $0x80, s14, s20, $0xb8;
	[tilespmem:$0x1FB80] =	vst v63  }
0x120: {  	_ =	swait.ge [sflag:s17], $0x1400  }
0x121: {  	[sflag:s17] =	ssyncset.done $0x0  }
0x122: {  	[sflag:s17] =	ssyncadd.s32 $0xFFFFEC00  }
0x123: {  	_ =	swait.ge [sflag:s17], $0x1400  }
0x124: {  	s10 =	simm.s32 $0x16500;
	[sflag:s17] =	ssyncset.done $0x0  }
0x125: {  	s11 =	simm.s32 $0x3C0;
	s12 =	simm.s32 $0x16680;
	[sflag:s17] =	ssyncadd.s32 $0xFFFFEC00  }
.LBB2_6:
0x126: {  	[spmem:s3] =	stream.indirect.scatter.add.f32 [tilespmem:s2], [sflag:$0x6], $0x80, s10, s26, $0xb8;
	[tilespmem:$0x1FB80] =	vst v63  }
0x127: {  	s13 =	smov.u32 s11;
	s10 =	smov.u32 s12  }
0x128: {  	p0 =	sne.s32 s11, $0x1A40;
	s11 =	sadd.s32 $0x3C0, s11;
	_ =	swait.ge [sflag:s5], $0x2800  }
0x129: {  	s13 =	sshra.s32 s13, $0x2;
	[sflag:s5] =	ssyncset.done $0x0  }
0x12a: {  	s14 =	sadd.s32 $0x14C90, s13;
	[sflag:s5] =	ssyncadd.s32 $0xFFFFD800  }
0x12b: {  	[tilespmem:s2], [sflag:$0x3] =	stream.indirect.gather [hbm4b:s1+s20], $0x80, s14, s20, $0xb8;
	[tilespmem:$0x1FB80] =	vst v63  }
0x12c: {  	s14 =	sadd.s32 $0x14CB8, s13  }
0x12d: {  	[tilespmem:s22], [sflag:$0x3] =	stream.indirect.gather [hbm4b:s1+s20], $0x80, s14, s20, $0xb8;
	[tilespmem:$0x1FB80] =	vst v63  }
0x12e: {  	_ =	swait.ge [sflag:s24], $0x1400  }
0x12f: {  	[sflag:s24] =	ssyncset.done $0x0  }
0x130: {  	[sflag:s24] =	ssyncadd.s32 $0xFFFFEC00  }
0x131: {  	_ =	swait.ge [sflag:s24], $0x1400  }
0x132: {  	[sflag:s24] =	ssyncset.done $0x0  }
0x133: {  	s14 =	sadd.s32 $0xFFFFFF00, s12;
	[sflag:s24] =	ssyncadd.s32 $0xFFFFEC00  }
0x134: {  	[spmem:s3] =	stream.indirect.scatter.add.f32 [tilespmem:s21], [sflag:$0x4], $0x80, s14, s26, $0xb8;
	[tilespmem:$0x1FB80] =	vst v63  }
0x135: {  	_ =	swait.ge [sflag:s19], $0x2800  }
0x136: {  	[sflag:s19] =	ssyncset.done $0x0  }
0x137: {  	s14 =	sadd.s32 $0x14CE0, s13;
	[sflag:s19] =	ssyncadd.s32 $0xFFFFD800  }
0x138: {  	[tilespmem:s21], [sflag:$0x1] =	stream.indirect.gather [hbm4b:s1+s20], $0x80, s14, s20, $0xb8;
	[tilespmem:$0x1FB80] =	vst v63  }
0x139: {  	s14 =	sadd.s32 $0x14D08, s13  }
0x13a: {  	[tilespmem:s23], [sflag:$0x1] =	stream.indirect.gather [hbm4b:s1+s20], $0x80, s14, s20, $0xb8;
	[tilespmem:$0x1FB80] =	vst v63  }
0x13b: {  	_ =	swait.ge [sflag:s0], $0x1400  }
0x13c: {  	[sflag:s0] =	ssyncset.done $0x0  }
0x13d: {  	[sflag:s0] =	ssyncadd.s32 $0xFFFFEC00  }
0x13e: {  	_ =	swait.ge [sflag:s0], $0x1400  }
0x13f: {  	[sflag:s0] =	ssyncset.done $0x0  }
0x140: {  	s14 =	sadd.s32 $0xFFFFFF80, s12;
	[sflag:s0] =	ssyncadd.s32 $0xFFFFEC00  }
0x141: {  	[spmem:s3] =	stream.indirect.scatter.add.f32 [tilespmem:s25], [sflag:$0x5], $0x80, s14, s26, $0xb8;
	[tilespmem:$0x1FB80] =	vst v63  }
0x142: {  	_ =	swait.ge [sflag:s30], $0x2800  }
0x143: {  	[sflag:s30] =	ssyncset.done $0x0  }
0x144: {  	s14 =	sadd.s32 $0x14D30, s13;
	[sflag:s30] =	ssyncadd.s32 $0xFFFFD800  }
0x145: {  	[tilespmem:s25], [sflag:$0x2] =	stream.indirect.gather [hbm4b:s1+s20], $0x80, s14, s20, $0xb8;
	[tilespmem:$0x1FB80] =	vst v63  }
0x146: {  	s13 =	sadd.s32 $0x14D58, s13  }
0x147: {  	[tilespmem:s28], [sflag:$0x2] =	stream.indirect.gather [hbm4b:s1+s20], $0x80, s13, s20, $0xb8;
	[tilespmem:$0x1FB80] =	vst v63  }
0x148: {  	_ =	swait.ge [sflag:s17], $0x1400  }
.Ltmp2:
0x149: {  	[sflag:s17] =	ssyncset.done $0x0;
	(pc) =	sbr.rel @p0 .LBB2_6-.Ltmp2, $4  }
0x14a: {  	[sflag:s17] =	ssyncadd.s32 $0xFFFFEC00  }
0x14b: {  	_ =	swait.ge [sflag:s17], $0x1400  }
0x14c: {  	[sflag:s17] =	ssyncset.done $0x0  }
0x14d: {  	s12 =	sadd.s32 $0x180, s12;
	[sflag:s17] =	ssyncadd.s32 $0xFFFFEC00  }
0x14e: {  	[spmem:s3] =	stream.indirect.scatter.add.f32 [tilespmem:s2], [sflag:$0x6], $0x80, s10, s26, $0xb8;
	[tilespmem:$0x1FB80] =	vst v63  }
0x14f: {  	_ =	swait.ge [sflag:s29], $0xC80  }
0x150: {  	[sflag:s29] =	ssyncset.done $0x0  }
0x151: {  	[sflag:s29] =	ssyncadd.s32 $0xFFFFF380  }
0x152: {  	_ =	swait.ge [sflag:s5], $0x2800  }
0x153: {  	[sflag:s5] =	ssyncset.done $0x0  }
0x154: {  	s12 =	simm.s32 $0x15410;
	[sflag:s5] =	ssyncadd.s32 $0xFFFFD800  }
0x155: {  	[tilespmem:s2], [sflag:$0x3] =	stream.indirect.gather [hbm4b:s1+s20], $0x80, s12, s20, $0xb8;
	[tilespmem:$0x1FB80] =	vst v63  }
0x156: {  	s13 =	simm.s32 $0x15438  }
0x157: {  	[tilespmem:s22], [sflag:$0x3] =	stream.indirect.gather [hbm4b:s1+s20], $0x80, s13, s20, $0xb8;
	[tilespmem:$0x1FB80] =	vst v63  }
0x158: {  	_ =	swait.ge [sflag:s24], $0x1400  }
0x159: {  	[sflag:s24] =	ssyncset.done $0x0  }
0x15a: {  	[sflag:s24] =	ssyncadd.s32 $0xFFFFEC00  }
0x15b: {  	_ =	swait.ge [sflag:s24], $0x1400  }
0x15c: {  	[sflag:s24] =	ssyncset.done $0x0  }
0x15d: {  	[sflag:s24] =	ssyncadd.s32 $0xFFFFEC00  }
0x15e: {  	[spmem:s3] =	stream.indirect.scatter.add.f32 [tilespmem:s21], [sflag:$0x4], $0x80, s31, s26, $0xb8;
	[tilespmem:$0x1FB80] =	vst v63  }
0x15f: {  	s14 =	simm.s32 $0x0;
	s11 =	rddreg [dreg:$0xc]  }
0x160: {  	[tilespmem:s18], [sflag:$0x7] =	stream.linear.gather [hbm4b:s11+s14], $0xC80, $0x38;
	[tilespmem:$0x1FB80] =	vst v63  }
0x161: {  	_ =	swait.ge [sflag:s19], $0x2800  }
0x162: {  	[sflag:s19] =	ssyncset.done $0x0  }
0x163: {  	s11 =	simm.s32 $0x15460;
	[sflag:s19] =	ssyncadd.s32 $0xFFFFD800  }
0x164: {  	[tilespmem:s21], [sflag:$0x1] =	stream.indirect.gather [hbm4b:s1+s20], $0x80, s11, s20, $0xb8;
	[tilespmem:$0x1FB80] =	vst v63  }
0x165: {  	s12 =	simm.s32 $0x15488  }
0x166: {  	[tilespmem:s23], [sflag:$0x1] =	stream.indirect.gather [hbm4b:s1+s20], $0x80, s12, s20, $0xb8;
	[tilespmem:$0x1FB80] =	vst v63  }
0x167: {  	_ =	swait.ge [sflag:s0], $0x1400  }
0x168: {  	[sflag:s0] =	ssyncset.done $0x0  }
0x169: {  	[sflag:s0] =	ssyncadd.s32 $0xFFFFEC00  }
0x16a: {  	_ =	swait.ge [sflag:s0], $0x1400  }
0x16b: {  	[sflag:s0] =	ssyncset.done $0x0  }
0x16c: {  	s13 =	simm.s32 $0x17400;
	[sflag:s0] =	ssyncadd.s32 $0xFFFFEC00  }
0x16d: {  	[spmem:s3] =	stream.indirect.scatter.add.f32 [tilespmem:s25], [sflag:$0x5], $0x80, s13, s26, $0xb8;
	[tilespmem:$0x1FB80] =	vst v63  }
0x16e: {  	_ =	swait.ge [sflag:s30], $0x2800  }
0x16f: {  	[sflag:s30] =	ssyncset.done $0x0  }
0x170: {  	s14 =	simm.s32 $0x154B0;
	[sflag:s30] =	ssyncadd.s32 $0xFFFFD800  }
0x171: {  	[tilespmem:s25], [sflag:$0x2] =	stream.indirect.gather [hbm4b:s1+s20], $0x80, s14, s20, $0xb8;
	[tilespmem:$0x1FB80] =	vst v63  }
0x172: {  	s11 =	simm.s32 $0x154D8  }
0x173: {  	[tilespmem:s28], [sflag:$0x2] =	stream.indirect.gather [hbm4b:s1+s20], $0x80, s11, s20, $0xb8;
	[tilespmem:$0x1FB80] =	vst v63  }
0x174: {  	_ =	swait.ge [sflag:s17], $0x1400  }
0x175: {  	[sflag:s17] =	ssyncset.done $0x0  }
0x176: {  	[sflag:s17] =	ssyncadd.s32 $0xFFFFEC00  }
0x177: {  	_ =	swait.ge [sflag:s17], $0x1400  }
0x178: {  	[sflag:s17] =	ssyncset.done $0x0  }
0x179: {  	s12 =	simm.s32 $0x17480;
	[sflag:s17] =	ssyncadd.s32 $0xFFFFEC00  }
0x17a: {  	[spmem:s3] =	stream.indirect.scatter.add.f32 [tilespmem:s2], [sflag:$0x6], $0x80, s12, s26, $0xb8;
	[tilespmem:$0x1FB80] =	vst v63  }
0x17b: {  	_ =	swait.ge [sflag:s5], $0x2800  }
0x17c: {  	[sflag:s5] =	ssyncset.done $0x0  }
0x17d: {  	s13 =	simm.s32 $0x15500;
	[sflag:s5] =	ssyncadd.s32 $0xFFFFD800  }
0x17e: {  	[tilespmem:s2], [sflag:$0x3] =	stream.indirect.gather [hbm4b:s1+s20], $0x80, s13, s20, $0xb8;
	[tilespmem:$0x1FB80] =	vst v63  }
0x17f: {  	s14 =	simm.s32 $0x15528  }
0x180: {  	[tilespmem:s22], [sflag:$0x3] =	stream.indirect.gather [hbm4b:s1+s20], $0x80, s14, s20, $0xb8;
	[tilespmem:$0x1FB80] =	vst v63  }
0x181: {  	_ =	swait.ge [sflag:s24], $0x1400  }
0x182: {  	[sflag:s24] =	ssyncset.done $0x0  }
0x183: {  	[sflag:s24] =	ssyncadd.s32 $0xFFFFEC00  }
0x184: {  	_ =	swait.ge [sflag:s24], $0x1400  }
0x185: {  	s10 =	simm.s32 $0x17500;
	[sflag:s24] =	ssyncset.done $0x0  }
0x186: {  	s11 =	simm.s32 $0x3C0;
	s12 =	simm.s32 $0x17680;
	[sflag:s24] =	ssyncadd.s32 $0xFFFFEC00  }
.LBB2_8:
0x187: {  	[spmem:s3] =	stream.indirect.scatter.add.f32 [tilespmem:s21], [sflag:$0x4], $0x80, s10, s26, $0xb8;
	[tilespmem:$0x1FB80] =	vst v63  }
0x188: {  	s13 =	smov.u32 s11;
	s10 =	smov.u32 s12  }
0x189: {  	p0 =	sne.s32 s11, $0x1A40;
	s11 =	sadd.s32 $0x3C0, s11;
	_ =	swait.ge [sflag:s19], $0x2800  }
0x18a: {  	s13 =	sshra.s32 s13, $0x2;
	[sflag:s19] =	ssyncset.done $0x0  }
0x18b: {  	s14 =	sadd.s32 $0x15460, s13;
	[sflag:s19] =	ssyncadd.s32 $0xFFFFD800  }
0x18c: {  	[tilespmem:s21], [sflag:$0x1] =	stream.indirect.gather [hbm4b:s1+s20], $0x80, s14, s20, $0xb8;
	[tilespmem:$0x1FB80] =	vst v63  }
0x18d: {  	s14 =	sadd.s32 $0x15488, s13  }
0x18e: {  	[tilespmem:s23], [sflag:$0x1] =	stream.indirect.gather [hbm4b:s1+s20], $0x80, s14, s20, $0xb8;
	[tilespmem:$0x1FB80] =	vst v63  }
0x18f: {  	_ =	swait.ge [sflag:s0], $0x1400  }
0x190: {  	[sflag:s0] =	ssyncset.done $0x0  }
0x191: {  	[sflag:s0] =	ssyncadd.s32 $0xFFFFEC00  }
0x192: {  	_ =	swait.ge [sflag:s0], $0x1400  }
0x193: {  	[sflag:s0] =	ssyncset.done $0x0  }
0x194: {  	s14 =	sadd.s32 $0xFFFFFF00, s12;
	[sflag:s0] =	ssyncadd.s32 $0xFFFFEC00  }
0x195: {  	[spmem:s3] =	stream.indirect.scatter.add.f32 [tilespmem:s25], [sflag:$0x5], $0x80, s14, s26, $0xb8;
	[tilespmem:$0x1FB80] =	vst v63  }
0x196: {  	_ =	swait.ge [sflag:s30], $0x2800  }
0x197: {  	[sflag:s30] =	ssyncset.done $0x0  }
0x198: {  	s14 =	sadd.s32 $0x154B0, s13;
	[sflag:s30] =	ssyncadd.s32 $0xFFFFD800  }
0x199: {  	[tilespmem:s25], [sflag:$0x2] =	stream.indirect.gather [hbm4b:s1+s20], $0x80, s14, s20, $0xb8;
	[tilespmem:$0x1FB80] =	vst v63  }
0x19a: {  	s14 =	sadd.s32 $0x154D8, s13  }
0x19b: {  	[tilespmem:s28], [sflag:$0x2] =	stream.indirect.gather [hbm4b:s1+s20], $0x80, s14, s20, $0xb8;
	[tilespmem:$0x1FB80] =	vst v63  }
0x19c: {  	_ =	swait.ge [sflag:s17], $0x1400  }
0x19d: {  	[sflag:s17] =	ssyncset.done $0x0  }
0x19e: {  	[sflag:s17] =	ssyncadd.s32 $0xFFFFEC00  }
0x19f: {  	_ =	swait.ge [sflag:s17], $0x1400  }
0x1a0: {  	[sflag:s17] =	ssyncset.done $0x0  }
0x1a1: {  	s14 =	sadd.s32 $0xFFFFFF80, s12;
	[sflag:s17] =	ssyncadd.s32 $0xFFFFEC00  }
0x1a2: {  	[spmem:s3] =	stream.indirect.scatter.add.f32 [tilespmem:s2], [sflag:$0x6], $0x80, s14, s26, $0xb8;
	[tilespmem:$0x1FB80] =	vst v63  }
0x1a3: {  	_ =	swait.ge [sflag:s5], $0x2800  }
0x1a4: {  	[sflag:s5] =	ssyncset.done $0x0  }
0x1a5: {  	s14 =	sadd.s32 $0x15500, s13;
	[sflag:s5] =	ssyncadd.s32 $0xFFFFD800  }
0x1a6: {  	[tilespmem:s2], [sflag:$0x3] =	stream.indirect.gather [hbm4b:s1+s20], $0x80, s14, s20, $0xb8;
	[tilespmem:$0x1FB80] =	vst v63  }
0x1a7: {  	s13 =	sadd.s32 $0x15528, s13  }
0x1a8: {  	[tilespmem:s22], [sflag:$0x3] =	stream.indirect.gather [hbm4b:s1+s20], $0x80, s13, s20, $0xb8;
	[tilespmem:$0x1FB80] =	vst v63  }
0x1a9: {  	_ =	swait.ge [sflag:s24], $0x1400  }
.Ltmp3:
0x1aa: {  	[sflag:s24] =	ssyncset.done $0x0;
	(pc) =	sbr.rel @p0 .LBB2_8-.Ltmp3, $4  }
0x1ab: {  	[sflag:s24] =	ssyncadd.s32 $0xFFFFEC00  }
0x1ac: {  	_ =	swait.ge [sflag:s24], $0x1400  }
0x1ad: {  	[sflag:s24] =	ssyncset.done $0x0  }
0x1ae: {  	s12 =	sadd.s32 $0x180, s12;
	[sflag:s24] =	ssyncadd.s32 $0xFFFFEC00  }
0x1af: {  	[spmem:s3] =	stream.indirect.scatter.add.f32 [tilespmem:s21], [sflag:$0x4], $0x80, s10, s26, $0xb8;
	[tilespmem:$0x1FB80] =	vst v63  }
0x1b0: {  	_ =	swait.ge [sflag:s29], $0xC80  }
0x1b1: {  	[sflag:s29] =	ssyncset.done $0x0  }
0x1b2: {  	[sflag:s29] =	ssyncadd.s32 $0xFFFFF380  }
0x1b3: {  	_ =	swait.ge [sflag:s19], $0x2800  }
0x1b4: {  	[sflag:s19] =	ssyncset.done $0x0  }
0x1b5: {  	s13 =	simm.s32 $0x15BE0;
	[sflag:s19] =	ssyncadd.s32 $0xFFFFD800  }
0x1b6: {  	[tilespmem:s21], [sflag:$0x1] =	stream.indirect.gather [hbm4b:s1+s20], $0x80, s13, s20, $0xb8;
	[tilespmem:$0x1FB80] =	vst v63  }
0x1b7: {  	s14 =	simm.s32 $0x15C08  }
0x1b8: {  	[tilespmem:s23], [sflag:$0x1] =	stream.indirect.gather [hbm4b:s1+s20], $0x80, s14, s20, $0xb8;
	[tilespmem:$0x1FB80] =	vst v63  }
0x1b9: {  	_ =	swait.ge [sflag:s0], $0x1400  }
0x1ba: {  	[sflag:s0] =	ssyncset.done $0x0  }
0x1bb: {  	[sflag:s0] =	ssyncadd.s32 $0xFFFFEC00  }
0x1bc: {  	_ =	swait.ge [sflag:s0], $0x1400  }
0x1bd: {  	[sflag:s0] =	ssyncset.done $0x0  }
0x1be: {  	[sflag:s0] =	ssyncadd.s32 $0xFFFFEC00  }
0x1bf: {  	[spmem:s3] =	stream.indirect.scatter.add.f32 [tilespmem:s25], [sflag:$0x5], $0x80, s18, s26, $0xb8;
	[tilespmem:$0x1FB80] =	vst v63  }
0x1c0: {  	_ =	swait.ge [sflag:s30], $0x2800  }
0x1c1: {  	[sflag:s30] =	ssyncset.done $0x0  }
0x1c2: {  	s11 =	simm.s32 $0x15C30;
	[sflag:s30] =	ssyncadd.s32 $0xFFFFD800  }
0x1c3: {  	[tilespmem:s25], [sflag:$0x2] =	stream.indirect.gather [hbm4b:s1+s20], $0x80, s11, s20, $0xb8;
	[tilespmem:$0x1FB80] =	vst v63  }
0x1c4: {  	s12 =	simm.s32 $0x15C58  }
0x1c5: {  	[tilespmem:s28], [sflag:$0x2] =	stream.indirect.gather [hbm4b:s1+s20], $0x80, s12, s20, $0xb8;
	[tilespmem:$0x1FB80] =	vst v63  }
0x1c6: {  	_ =	swait.ge [sflag:s17], $0x1400  }
0x1c7: {  	[sflag:s17] =	ssyncset.done $0x0  }
0x1c8: {  	[sflag:s17] =	ssyncadd.s32 $0xFFFFEC00  }
0x1c9: {  	_ =	swait.ge [sflag:s17], $0x1400  }
0x1ca: {  	[sflag:s17] =	ssyncset.done $0x0  }
0x1cb: {  	s13 =	simm.s32 $0x16400;
	[sflag:s17] =	ssyncadd.s32 $0xFFFFEC00  }
0x1cc: {  	[spmem:s3] =	stream.indirect.scatter.add.f32 [tilespmem:s2], [sflag:$0x6], $0x80, s13, s26, $0xb8;
	[tilespmem:$0x1FB80] =	vst v63  }
0x1cd: {  	_ =	swait.ge [sflag:s5], $0x2800  }
0x1ce: {  	[sflag:s5] =	ssyncset.done $0x0  }
0x1cf: {  	s14 =	simm.s32 $0x15C80;
	[sflag:s5] =	ssyncadd.s32 $0xFFFFD800  }
0x1d0: {  	[tilespmem:s2], [sflag:$0x3] =	stream.indirect.gather [hbm4b:s1+s20], $0x80, s14, s20, $0xb8;
	[tilespmem:$0x1FB80] =	vst v63  }
0x1d1: {  	s11 =	simm.s32 $0x15CA8  }
0x1d2: {  	[tilespmem:s22], [sflag:$0x3] =	stream.indirect.gather [hbm4b:s1+s20], $0x80, s11, s20, $0xb8;
	[tilespmem:$0x1FB80] =	vst v63  }
0x1d3: {  	_ =	swait.ge [sflag:s24], $0x1400  }
0x1d4: {  	[sflag:s24] =	ssyncset.done $0x0  }
0x1d5: {  	[sflag:s24] =	ssyncadd.s32 $0xFFFFEC00  }
0x1d6: {  	_ =	swait.ge [sflag:s24], $0x1400  }
0x1d7: {  	[sflag:s24] =	ssyncset.done $0x0  }
0x1d8: {  	s12 =	simm.s32 $0x16480;
	[sflag:s24] =	ssyncadd.s32 $0xFFFFEC00  }
0x1d9: {  	[spmem:s3] =	stream.indirect.scatter.add.f32 [tilespmem:s21], [sflag:$0x4], $0x80, s12, s26, $0xb8;
	[tilespmem:$0x1FB80] =	vst v63  }
0x1da: {  	_ =	swait.ge [sflag:s19], $0x2800  }
0x1db: {  	[sflag:s19] =	ssyncset.done $0x0  }
0x1dc: {  	s13 =	simm.s32 $0x15CD0;
	[sflag:s19] =	ssyncadd.s32 $0xFFFFD800  }
0x1dd: {  	[tilespmem:s21], [sflag:$0x1] =	stream.indirect.gather [hbm4b:s1+s20], $0x80, s13, s20, $0xb8;
	[tilespmem:$0x1FB80] =	vst v63  }
0x1de: {  	s14 =	simm.s32 $0x15CF8  }
0x1df: {  	[tilespmem:s23], [sflag:$0x1] =	stream.indirect.gather [hbm4b:s1+s20], $0x80, s14, s20, $0xb8;
	[tilespmem:$0x1FB80] =	vst v63  }
0x1e0: {  	_ =	swait.ge [sflag:s0], $0x1400  }
0x1e1: {  	[sflag:s0] =	ssyncset.done $0x0  }
0x1e2: {  	[sflag:s0] =	ssyncadd.s32 $0xFFFFEC00  }
0x1e3: {  	_ =	swait.ge [sflag:s0], $0x1400  }
0x1e4: {  	s10 =	simm.s32 $0x16500;
	[sflag:s0] =	ssyncset.done $0x0  }
0x1e5: {  	s11 =	simm.s32 $0x3C0;
	s12 =	simm.s32 $0x16680;
	[sflag:s0] =	ssyncadd.s32 $0xFFFFEC00  }
.LBB2_10:
0x1e6: {  	[spmem:s3] =	stream.indirect.scatter.add.f32 [tilespmem:s25], [sflag:$0x5], $0x80, s10, s26, $0xb8;
	[tilespmem:$0x1FB80] =	vst v63  }
0x1e7: {  	s13 =	smov.u32 s11;
	s10 =	smov.u32 s12  }
0x1e8: {  	p0 =	sne.s32 s11, $0x1680;
	s11 =	sadd.s32 $0x3C0, s11;
	_ =	swait.ge [sflag:s30], $0x2800  }
0x1e9: {  	s13 =	sshra.s32 s13, $0x2;
	[sflag:s30] =	ssyncset.done $0x0  }
0x1ea: {  	s14 =	sadd.s32 $0x15C30, s13;
	[sflag:s30] =	ssyncadd.s32 $0xFFFFD800  }
0x1eb: {  	[tilespmem:s25], [sflag:$0x2] =	stream.indirect.gather [hbm4b:s1+s20], $0x80, s14, s20, $0xb8;
	[tilespmem:$0x1FB80] =	vst v63  }
0x1ec: {  	s14 =	sadd.s32 $0x15C58, s13  }
0x1ed: {  	[tilespmem:s28], [sflag:$0x2] =	stream.indirect.gather [hbm4b:s1+s20], $0x80, s14, s20, $0xb8;
	[tilespmem:$0x1FB80] =	vst v63  }
0x1ee: {  	_ =	swait.ge [sflag:s17], $0x1400  }
0x1ef: {  	[sflag:s17] =	ssyncset.done $0x0  }
0x1f0: {  	[sflag:s17] =	ssyncadd.s32 $0xFFFFEC00  }
0x1f1: {  	_ =	swait.ge [sflag:s17], $0x1400  }
0x1f2: {  	[sflag:s17] =	ssyncset.done $0x0  }
0x1f3: {  	s14 =	sadd.s32 $0xFFFFFF00, s12;
	[sflag:s17] =	ssyncadd.s32 $0xFFFFEC00  }
0x1f4: {  	[spmem:s3] =	stream.indirect.scatter.add.f32 [tilespmem:s2], [sflag:$0x6], $0x80, s14, s26, $0xb8;
	[tilespmem:$0x1FB80] =	vst v63  }
0x1f5: {  	_ =	swait.ge [sflag:s5], $0x2800  }
0x1f6: {  	[sflag:s5] =	ssyncset.done $0x0  }
0x1f7: {  	s14 =	sadd.s32 $0x15C80, s13;
	[sflag:s5] =	ssyncadd.s32 $0xFFFFD800  }
0x1f8: {  	[tilespmem:s2], [sflag:$0x3] =	stream.indirect.gather [hbm4b:s1+s20], $0x80, s14, s20, $0xb8;
	[tilespmem:$0x1FB80] =	vst v63  }
0x1f9: {  	s14 =	sadd.s32 $0x15CA8, s13  }
0x1fa: {  	[tilespmem:s22], [sflag:$0x3] =	stream.indirect.gather [hbm4b:s1+s20], $0x80, s14, s20, $0xb8;
	[tilespmem:$0x1FB80] =	vst v63  }
0x1fb: {  	_ =	swait.ge [sflag:s24], $0x1400  }
0x1fc: {  	[sflag:s24] =	ssyncset.done $0x0  }
0x1fd: {  	[sflag:s24] =	ssyncadd.s32 $0xFFFFEC00  }
0x1fe: {  	_ =	swait.ge [sflag:s24], $0x1400  }
0x1ff: {  	[sflag:s24] =	ssyncset.done $0x0  }
0x200: {  	s14 =	sadd.s32 $0xFFFFFF80, s12;
	[sflag:s24] =	ssyncadd.s32 $0xFFFFEC00  }
0x201: {  	[spmem:s3] =	stream.indirect.scatter.add.f32 [tilespmem:s21], [sflag:$0x4], $0x80, s14, s26, $0xb8;
	[tilespmem:$0x1FB80] =	vst v63  }
0x202: {  	_ =	swait.ge [sflag:s19], $0x2800  }
0x203: {  	[sflag:s19] =	ssyncset.done $0x0  }
0x204: {  	s14 =	sadd.s32 $0x15CD0, s13;
	[sflag:s19] =	ssyncadd.s32 $0xFFFFD800  }
0x205: {  	[tilespmem:s21], [sflag:$0x1] =	stream.indirect.gather [hbm4b:s1+s20], $0x80, s14, s20, $0xb8;
	[tilespmem:$0x1FB80] =	vst v63  }
0x206: {  	s13 =	sadd.s32 $0x15CF8, s13  }
0x207: {  	[tilespmem:s23], [sflag:$0x1] =	stream.indirect.gather [hbm4b:s1+s20], $0x80, s13, s20, $0xb8;
	[tilespmem:$0x1FB80] =	vst v63  }
0x208: {  	_ =	swait.ge [sflag:s0], $0x1400  }
.Ltmp4:
0x209: {  	[sflag:s0] =	ssyncset.done $0x0;
	(pc) =	sbr.rel @p0 .LBB2_10-.Ltmp4, $4  }
0x20a: {  	[sflag:s0] =	ssyncadd.s32 $0xFFFFEC00  }
0x20b: {  	_ =	swait.ge [sflag:s0], $0x1400  }
0x20c: {  	[sflag:s0] =	ssyncset.done $0x0  }
0x20d: {  	s12 =	sadd.s32 $0x180, s12;
	[sflag:s0] =	ssyncadd.s32 $0xFFFFEC00  }
0x20e: {  	[spmem:s3] =	stream.indirect.scatter.add.f32 [tilespmem:s25], [sflag:$0x5], $0x80, s10, s26, $0xb8;
	[tilespmem:$0x1FB80] =	vst v63  }
0x20f: {  	_ =	swait.ge [sflag:s30], $0x2800  }
0x210: {  	[sflag:s30] =	ssyncset.done $0x0  }
0x211: {  	s13 =	simm.s32 $0x162C0;
	[sflag:s30] =	ssyncadd.s32 $0xFFFFD800  }
0x212: {  	[tilespmem:s25], [sflag:$0x2] =	stream.indirect.gather [hbm4b:s1+s20], $0x80, s13, s20, $0xb8;
	[tilespmem:$0x1FB80] =	vst v63  }
0x213: {  	s14 =	simm.s32 $0x162E8  }
0x214: {  	[tilespmem:s28], [sflag:$0x2] =	stream.indirect.gather [hbm4b:s1+s20], $0x80, s14, s20, $0xb8;
	[tilespmem:$0x1FB80] =	vst v63  }
0x215: {  	_ =	swait.ge [sflag:s17], $0x1400  }
0x216: {  	[sflag:s17] =	ssyncset.done $0x0  }
0x217: {  	[sflag:s17] =	ssyncadd.s32 $0xFFFFEC00  }
0x218: {  	_ =	swait.ge [sflag:s17], $0x1400  }
0x219: {  	[sflag:s17] =	ssyncset.done $0x0  }
0x21a: {  	s11 =	simm.s32 $0x16E80;
	[sflag:s17] =	ssyncadd.s32 $0xFFFFEC00  }
0x21b: {  	[spmem:s3] =	stream.indirect.scatter.add.f32 [tilespmem:s2], [sflag:$0x6], $0x80, s11, s26, $0xb8;
	[tilespmem:$0x1FB80] =	vst v63  }
0x21c: {  	_ =	swait.ge [sflag:s5], $0x2800  }
0x21d: {  	[sflag:s5] =	ssyncset.done $0x0  }
0x21e: {  	[sflag:s5] =	ssyncadd.s32 $0xFFFFD800  }
0x21f: {  	_ =	swait.ge [sflag:s24], $0x1400  }
0x220: {  	[sflag:s24] =	ssyncset.done $0x0  }
0x221: {  	[sflag:s24] =	ssyncadd.s32 $0xFFFFEC00  }
0x222: {  	_ =	swait.ge [sflag:s24], $0x1400  }
0x223: {  	[sflag:s24] =	ssyncset.done $0x0  }
0x224: {  	s12 =	simm.s32 $0x16F00;
	[sflag:s24] =	ssyncadd.s32 $0xFFFFEC00  }
0x225: {  	[spmem:s3] =	stream.indirect.scatter.add.f32 [tilespmem:s21], [sflag:$0x4], $0x80, s12, s26, $0xb8;
	[tilespmem:$0x1FB80] =	vst v63  }
0x226: {  	_ =	swait.ge [sflag:s19], $0x2800  }
0x227: {  	[sflag:s19] =	ssyncset.done $0x0  }
0x228: {  	[sflag:s19] =	ssyncadd.s32 $0xFFFFD800  }
0x229: {  	_ =	swait.ge [sflag:s0], $0x1400  }
0x22a: {  	[sflag:s0] =	ssyncset.done $0x0  }
0x22b: {  	[sflag:s0] =	ssyncadd.s32 $0xFFFFEC00  }
0x22c: {  	_ =	swait.ge [sflag:s0], $0x1400  }
0x22d: {  	[sflag:s0] =	ssyncset.done $0x0  }
0x22e: {  	s13 =	simm.s32 $0x16F80;
	[sflag:s0] =	ssyncadd.s32 $0xFFFFEC00  }
0x22f: {  	[spmem:s3] =	stream.indirect.scatter.add.f32 [tilespmem:s25], [sflag:$0x5], $0x80, s13, s26, $0xb8;
	[tilespmem:$0x1FB80] =	vst v63  }
0x230: {  	_ =	swait.ge [sflag:s30], $0x2800  }
0x231: {  	[sflag:s30] =	ssyncset.done $0x0  }
0x232: {  	s8 =	sadd.s32 $0x1, s8;
	[sflag:s30] =	ssyncadd.s32 $0xFFFFD800  }
0x233: {  	p0 =	sne.s32 s8, s15;
	[bflag:$0x0] =	sbarrier.arrive $0xFFFF  }
.Ltmp5:
0x234: {  	s14 =	sor.u32 $0x1C08, s6;
	s11 =	rddreg [dreg:$0xd];
	(pc) =	sbr.rel @p0 .LBB2_1-.Ltmp5, $4  }
0x235: {  	[hbm:s11], [sflag:s14] =	dma.local [spmem:s16], $0x2780  }
0x236: {  	_ =	swait.ge [sflag:s7], $0x2780  }
0x237: {  	[sflag:s7] =	ssyncset.done $0x0  }
0x238: {  	[sflag:s7] =	ssyncadd.s32 $0xFFFFD880  }
0x239: {  	_ =	sfence.sel $0x180000  }
0x23a: {  	[bflag:$0x0] =	sbarrier.arrive $0xFFFF  }
0x23b: {  	_ =	strace $0x90000047  }
0x23c: {  	s0 =	stileid.u32;
	[bflag:$0x2] =	sbarrier.arrive $0xFFFF  }
0x23d: {  	p0 =	sne.s32 s0, $0x0;
	s0 =	rddreg [dreg:$0x5]  }
0x23e: {  	s0 =	sadd.s32 @!p0 $0x100000, s0  }
0x23f: {  	[sflag:s0] =	ssyncadd.tile.s32 @!p0 $0x1;
	_ =	shalt  }
.Lfunc_end2:
_tile_overlayer_lowered:
.L_overlay_start_2:
0x240: {  	(tag) =	ssettag $0x2  }
0x241: {  	s0 =	rddreg [dreg:$0x0];
	s2 =	stileid.u32  }
0x242: {  	s1 =	rddreg [dreg:$0x1];
	p0 =	sne.s32 s2, $0x0  }
0x243: {  	s3 =	rddreg [dreg:$0x2];
	[bflag:$0x3] =	sbarrier.arrive $0xFFFF;
	s2 =	simm.s32 @!p0 $0x1C08  }
0x244: {  	[timem:s3], [sflag:s2] =	dma.local @!p0 [hbm:s0], s1  }
0x245: {  	s0 =	simm.s32 @!p0 $0x8  }
0x246: {  	_ =	swait.ge @!p0 [sflag:s0], s1  }
0x247: {  	s1 =	ssub.s32 @!p0 $0x0, s1;
	[sflag:s0] =	ssyncset.done @!p0 $0x0  }
0x248: {  	[sflag:s0] =	ssyncadd.s32 @!p0 s1  }
0x249: {  	[bflag:$0x3] =	sbarrier.arrive $0xFFFF  }
0x24a: {  	_ =	shalt  }

</sc_bundles>
